<compile_context>
chip_gen: v7x
topology: tpu7x:2x2x1
jax: 0.10.2.dev20260603
libtpu: 0.0.44.dev20260713+nightly
codegen_flags: <defaults>
</compile_context>

<pallas_src>
import functools

import jax
import jax.numpy as jnp
from jax import lax
from jax.experimental import pallas as pl
from jax.experimental.pallas import tpu as pltpu
from jax.experimental.pallas import tpu_sc as plsc

N = 10000
E = 320000
D = 128
H = 4
FH = 32

NC = 2
NS = 16
NW = NC * NS
EPT = E // NW
CHUNK = 80
NCHUNK = EPT // CHUNK
NPAD = 10240
RPT = NPAD // NS


def _mesh():
    return plsc.VectorSubcoreMesh(core_axis_name="c", subcore_axis_name="s")


@functools.partial(
    pl.kernel,
    out_type=jax.ShapeDtypeStruct((NC, NPAD, 16), jnp.float32),
    mesh=_mesh(),
    compiler_params=pltpu.CompilerParams(use_tc_tiling_on_sc=False),
    scratch_types=[
        pltpu.VMEM((NCHUNK, CHUNK), jnp.int32),
        pltpu.VMEM((CHUNK, 16), jnp.float32),
        pltpu.VMEM_SHARED((NPAD, 16), jnp.float32),
    ],
)
def _deg_kernel(dst_hbm, ones_hbm, z_hbm, out_hbm, dst_v, ones_v, acc):
    c = lax.axis_index("c")
    s = lax.axis_index("s")
    wid = c * NS + s
    row0 = s * RPT
    pltpu.sync_copy(z_hbm.at[pl.ds(row0, RPT)], acc.at[pl.ds(row0, RPT)])
    pltpu.sync_copy(dst_hbm.at[wid], dst_v)
    pltpu.sync_copy(ones_hbm, ones_v)
    plsc.subcore_barrier()

    def body(j, carry):
        pltpu.sync_copy(ones_v, acc.at[dst_v.at[j]], add=True)
        return carry

    lax.fori_loop(0, NCHUNK, body, 0)
    plsc.subcore_barrier()
    pltpu.sync_copy(acc.at[pl.ds(row0, RPT)], out_hbm.at[c, pl.ds(row0, RPT)])


def _make_seg_sum(F):
    @functools.partial(
        pl.kernel,
        out_type=jax.ShapeDtypeStruct((NC, NPAD, F), jnp.float32),
        mesh=_mesh(),
        compiler_params=pltpu.CompilerParams(use_tc_tiling_on_sc=False),
        scratch_types=[
            pltpu.VMEM((NCHUNK, CHUNK), jnp.int32),
            pltpu.VMEM((NCHUNK, CHUNK), jnp.int32),
            pltpu.VMEM((CHUNK, F), jnp.float32),
            pltpu.VMEM((CHUNK, F), jnp.float32),
            pltpu.VMEM_SHARED((NPAD, F), jnp.float32),
            pltpu.SemaphoreType.DMA,
            pltpu.SemaphoreType.DMA,
        ],
    )
    def seg_sum(hs_hbm, src_hbm, dst_hbm, z_hbm, out_hbm,
                src_v, dst_v, buf0, buf1, acc, sem0, sem1):
        c = lax.axis_index("c")
        s = lax.axis_index("s")
        wid = c * NS + s
        row0 = s * RPT
        pltpu.sync_copy(z_hbm.at[pl.ds(row0, RPT)], acc.at[pl.ds(row0, RPT)])
        pltpu.sync_copy(src_hbm.at[wid], src_v)
        pltpu.sync_copy(dst_hbm.at[wid], dst_v)
        plsc.subcore_barrier()

        bufs = (buf0, buf1)
        sems = (sem0, sem1)
        pltpu.async_copy(hs_hbm.at[src_v.at[0]], buf0, sem0)

        def body(j, carry):
            for par in range(2):
                @pl.when(j % 2 == par)
                def _():
                    @pl.when(j + 1 < NCHUNK)
                    def _():
                        pltpu.async_copy(
                            hs_hbm.at[src_v.at[j + 1]], bufs[1 - par],
                            sems[1 - par])
                    pltpu.make_async_copy(
                        hs_hbm.at[src_v.at[j]], bufs[par], sems[par]).wait()
                    pltpu.sync_copy(bufs[par], acc.at[dst_v.at[j]], add=True)
            return carry

        lax.fori_loop(0, NCHUNK, body, 0)
        plsc.subcore_barrier()
        pltpu.sync_copy(acc.at[pl.ds(row0, RPT)],
                        out_hbm.at[c, pl.ds(row0, RPT)])

    return seg_sum


_seg_sum_16 = _make_seg_sum(16)
_seg_sum_64 = _make_seg_sum(64)


@functools.partial(
    pl.kernel,
    out_type=(
        jax.ShapeDtypeStruct((NC, NPAD, D), jnp.float32),
        jax.ShapeDtypeStruct((NC, NPAD, 16), jnp.float32),
    ),
    mesh=_mesh(),
    compiler_params=pltpu.CompilerParams(use_tc_tiling_on_sc=False),
    scratch_types=[
        pltpu.VMEM((NCHUNK, CHUNK), jnp.int32),
        pltpu.VMEM((NCHUNK, CHUNK), jnp.int32),
        pltpu.VMEM((CHUNK, 16), jnp.float32),
        pltpu.VMEM((CHUNK, 16), jnp.float32),
        pltpu.VMEM((CHUNK, D), jnp.float32),
        pltpu.VMEM((16,), jnp.float32),
        pltpu.VMEM((16,), jnp.float32),
        pltpu.VMEM_SHARED((NPAD, D), jnp.float32),
        pltpu.VMEM_SHARED((NPAD, 16), jnp.float32),
        pltpu.SemaphoreType.DMA,
        pltpu.SemaphoreType.DMA,
        pltpu.SemaphoreType.DMA,
    ],
)
def _gat_kernel(hg_hbm, sa_hbm, da_hbm, src_hbm, dst_hbm,
                sm_hbm, dm_hbm, z128_hbm, z16_hbm,
                num_hbm, den_hbm,
                src_v, dst_v, sabuf, dabuf, rowbuf, mtv, dmv,
                acc_num, acc_den, sem_h, sem_s, sem_d):
    c = lax.axis_index("c")
    s = lax.axis_index("s")
    wid = c * NS + s
    row0 = s * RPT
    pltpu.sync_copy(z128_hbm.at[pl.ds(row0, RPT)],
                    acc_num.at[pl.ds(row0, RPT)])
    pltpu.sync_copy(z16_hbm.at[pl.ds(row0, RPT)],
                    acc_den.at[pl.ds(row0, RPT)])
    pltpu.sync_copy(sm_hbm, mtv)
    pltpu.sync_copy(dm_hbm, dmv)
    pltpu.sync_copy(src_hbm.at[wid], src_v)
    pltpu.sync_copy(dst_hbm.at[wid], dst_v)
    plsc.subcore_barrier()
    msum = mtv[...] + dmv[...]
    mvec = jnp.where(msum > 0.0, msum, msum * jnp.float32(0.2))

    def body(j, carry):
        cp_h = pltpu.async_copy(hg_hbm.at[src_v.at[j]], rowbuf, sem_h)
        cp_s = pltpu.async_copy(sa_hbm.at[src_v.at[j]], sabuf, sem_s)
        cp_d = pltpu.async_copy(da_hbm.at[dst_v.at[j]], dabuf, sem_d)
        cp_s.wait()
        cp_d.wait()

        def ee_body(r, carry2):
            v = sabuf[r] + dabuf[r]
            v = jnp.where(v > 0.0, v, v * jnp.float32(0.2))
            sabuf[r] = jnp.exp(v - mvec)
            return carry2

        lax.fori_loop(0, CHUNK, ee_body, 0)
        pltpu.sync_copy(sabuf, acc_den.at[dst_v.at[j]], add=True)
        cp_h.wait()

        def sc_body(r, carry2):
            eerow = sabuf[r]
            for j8 in range(D // 16):
                rowbuf[r, pl.ds(j8 * 16, 16)] = (
                    rowbuf[r, pl.ds(j8 * 16, 16)] * eerow[j8 // 2])
            return carry2

        lax.fori_loop(0, CHUNK, sc_body, 0)
        pltpu.sync_copy(rowbuf, acc_num.at[dst_v.at[j]], add=True)
        return carry

    lax.fori_loop(0, NCHUNK, body, 0)
    plsc.subcore_barrier()
    pltpu.sync_copy(acc_num.at[pl.ds(row0, RPT)],
                    num_hbm.at[c, pl.ds(row0, RPT)])
    pltpu.sync_copy(acc_den.at[pl.ds(row0, RPT)],
                    den_hbm.at[c, pl.ds(row0, RPT)])


BLK = 2000
GRID = N // BLK


def _dot(a, b):
    return jnp.dot(a, b, preferred_element_type=jnp.float32,
                   precision=lax.Precision.HIGHEST)


def _row_spec(*widths):
    return [pl.BlockSpec((BLK, w), lambda i: (i, 0)) for w in widths]


def _full_spec(shape):
    nd = len(shape)
    return pl.BlockSpec(shape, lambda i, _nd=nd: (0,) * _nd)


def _part_spec(w):
    return pl.BlockSpec((2, BLK, w), lambda i: (0, i, 0))


def _tc_call(fn, grid, in_specs, out_specs, out_shape, *args):
    return pl.pallas_call(
        fn, grid=grid, in_specs=in_specs, out_specs=out_specs,
        out_shape=out_shape,
        compiler_params=pltpu.CompilerParams(
            dimension_semantics=("arbitrary",)),
    )(*args)


def _f(shape):
    return jax.ShapeDtypeStruct(shape, jnp.float32)


def _tc_a(x_ref, w1_ref, degp_ref, hs1_ref, dis_ref):
    deg = degp_ref[0, :, 0:1] + degp_ref[1, :, 0:1] + 1.0
    dis = lax.rsqrt(deg)
    hs1_ref[...] = dis * _dot(x_ref[...], w1_ref[...])
    dis_ref[...] = dis


def _tc_pre(accp_ref, hs_ref, dis_ref, b_ref, pre_ref, st_ref):
    i = pl.program_id(0)
    pre = (dis_ref[...] * (accp_ref[0] + accp_ref[1] + hs_ref[...])
           + b_ref[...])
    pre_ref[...] = pre
    st = jnp.concatenate(
        [jnp.sum(pre, axis=0, keepdims=True),
         jnp.sum(pre * pre, axis=0, keepdims=True)], axis=0)

    @pl.when(i == 0)
    def _():
        st_ref[...] = st

    @pl.when(i > 0)
    def _():
        st_ref[...] = st_ref[...] + st


def _bn_apply(pre, st, g, be):
    m = st[0:1] / N
    v = st[1:2] / N - m * m
    return g * (pre - m) / jnp.sqrt(v + 1e-5) + be


def _tc_gcn(pre_ref, st_ref, g_ref, be_ref, dis_ref, wn_ref, hsn_ref, h_ref):
    h = jnp.maximum(
        _bn_apply(pre_ref[...], st_ref[...], g_ref[...], be_ref[...]), 0.0)
    h_ref[...] = h
    hsn_ref[...] = dis_ref[...] * _dot(h, wn_ref[...])


def _tc_gat_in(pre_ref, st_ref, g_ref, be_ref, h2_ref, wg_ref, as_ref,
               ad_ref, hg_ref, sa_ref, da_ref, sm_ref, dm_ref):
    i = pl.program_id(0)
    h3 = jnp.maximum(
        _bn_apply(pre_ref[...], st_ref[...], g_ref[...], be_ref[...]), 0.0)
    h = h2_ref[...] + h3
    hg = _dot(h, wg_ref[...])
    sa = _dot(hg, as_ref[...])
    da = _dot(hg, ad_ref[...])
    hg_ref[...] = hg
    sa_ref[...] = sa
    da_ref[...] = da
    sm = jnp.max(sa, axis=0, keepdims=True)
    dm = jnp.max(da, axis=0, keepdims=True)

    @pl.when(i == 0)
    def _():
        sm_ref[...] = sm
        dm_ref[...] = dm

    @pl.when(i > 0)
    def _():
        sm_ref[...] = jnp.maximum(sm_ref[...], sm)
        dm_ref[...] = jnp.maximum(dm_ref[...], dm)


def _lrelu(v):
    return jnp.where(v > 0.0, v, v * 0.2)


def _tc_gat_out(nump_ref, denp_ref, hg_ref, sa_ref, da_ref, sm_ref, dm_ref,
                r_ref, bg_ref, gat_ref, st_ref):
    i = pl.program_id(0)
    mt = _lrelu(sm_ref[...] + dm_ref[...])
    ee_self = jnp.exp(_lrelu(sa_ref[...] + da_ref[...]) - mt)
    den16 = denp_ref[0] + denp_ref[1] + ee_self
    r = r_ref[...]
    den128 = _dot(den16, r)
    es128 = _dot(ee_self, r)
    hg = hg_ref[...]
    num = nump_ref[0] + nump_ref[1] + hg * es128
    gat = num / (den128 + 1e-16) + bg_ref[...]
    gat_ref[...] = gat
    st = jnp.concatenate(
        [jnp.sum(gat, axis=0, keepdims=True),
         jnp.sum(gat * gat, axis=0, keepdims=True)], axis=0)

    @pl.when(i == 0)
    def _():
        st_ref[...] = st

    @pl.when(i > 0)
    def _():
        st_ref[...] = st_ref[...] + st


def _tc_head(gat_ref, st_ref, ga_ref, ba_ref, linw_ref, linb_ref, y_ref):
    h4 = _bn_apply(gat_ref[...], st_ref[...], ga_ref[...], ba_ref[...])
    h4 = jnp.where(h4 > 0.0, h4, jnp.exp(h4) - 1.0)
    y_ref[...] = _dot(h4, linw_ref[...]) + linb_ref[...]


def kernel(x, edge_index, W1, b1, g1, be1, W2, b2, g2, be2, W3, b3, g3, be3,
           Wg, a_src, a_dst, bg, ga, ba, linW, linb):
    f32 = jnp.float32
    src3 = edge_index[0].reshape(NW, NCHUNK, CHUNK)
    dst3 = edge_index[1].reshape(NW, NCHUNK, CHUNK)
    ones16 = jnp.ones((CHUNK, 16), f32)
    z16 = jnp.zeros((NPAD, 16), f32)
    z64 = jnp.zeros((NPAD, 64), f32)
    z128 = jnp.zeros((NPAD, D), f32)

    hsel = jnp.repeat(jnp.arange(H), FH)
    As = jnp.zeros((D, 16), f32).at[jnp.arange(D), hsel].set(
        a_src.reshape(H * FH))
    Ad = jnp.zeros((D, 16), f32).at[jnp.arange(D), hsel].set(
        a_dst.reshape(H * FH))
    R = (jnp.arange(16)[:, None] == hsel[None, :]).astype(f32)

    b1r, g1r, be1r = b1.reshape(1, -1), g1.reshape(1, -1), be1.reshape(1, -1)
    b2r, g2r, be2r = b2.reshape(1, -1), g2.reshape(1, -1), be2.reshape(1, -1)
    b3r, g3r, be3r = b3.reshape(1, -1), g3.reshape(1, -1), be3.reshape(1, -1)

    degp = _deg_kernel(dst3, ones16, z16)
    hs1, dis = _tc_call(
        _tc_a, (GRID,),
        [*_row_spec(D), _full_spec((D, 16)), _part_spec(16)],
        _row_spec(16, 1), (_f((N, 16)), _f((N, 1))),
        x, W1, degp[:, :N])

    def gcn_layer(hs, b, g, be, Wn, F, Fn, seg, z, want_h=False):
        accp = seg(hs, src3, dst3, z)
        pre, st = _tc_call(
            _tc_pre, (GRID,),
            [_part_spec(F), *_row_spec(F, 1), _full_spec((1, F))],
            [*_row_spec(F), _full_spec((2, F))],
            (_f((N, F)), _f((2, F))),
            accp[:, :N], hs, dis, b)
        hsn, h = _tc_call(
            _tc_gcn, (GRID,),
            [*_row_spec(F), _full_spec((2, F)), _full_spec((1, F)),
             _full_spec((1, F)), *_row_spec(1), _full_spec((F, Fn))],
            _row_spec(Fn, F), (_f((N, Fn)), _f((N, F))),
            pre, st, g, be, dis, Wn)
        return (hsn, h) if want_h else hsn

    hs2 = gcn_layer(hs1, b1r, g1r, be1r, W2, 16, 64, _seg_sum_16, z16)
    hs3, h2 = gcn_layer(hs2, b2r, g2r, be2r, W3, 64, 64, _seg_sum_64, z64,
                        want_h=True)

    accp3 = _seg_sum_64(hs3, src3, dst3, z64)
    pre3, st3 = _tc_call(
        _tc_pre, (GRID,),
        [_part_spec(64), *_row_spec(64, 1), _full_spec((1, 64))],
        [*_row_spec(64), _full_spec((2, 64))],
        (_f((N, 64)), _f((2, 64))),
        accp3[:, :N], hs3, dis, b3r)
    hg, sa16, da16, sm16, dm16 = _tc_call(
        _tc_gat_in, (GRID,),
        [*_row_spec(64), _full_spec((2, 64)), _full_spec((1, 64)),
         _full_spec((1, 64)), *_row_spec(64), _full_spec((64, D)),
         _full_spec((D, 16)), _full_spec((D, 16))],
        [*_row_spec(D, 16, 16), _full_spec((1, 16)), _full_spec((1, 16))],
        (_f((N, D)), _f((N, 16)), _f((N, 16)), _f((1, 16)), _f((1, 16))),
        pre3, st3, g3r, be3r, h2, Wg, As, Ad)

    nump, denp = _gat_kernel(hg, sa16, da16, src3, dst3,
                             sm16.reshape(16), dm16.reshape(16), z128, z16)
    gat, st4 = _tc_call(
        _tc_gat_out, (GRID,),
        [_part_spec(D), _part_spec(16), *_row_spec(D, 16, 16),
         _full_spec((1, 16)), _full_spec((1, 16)), _full_spec((16, D)),
         _full_spec((1, D))],
        [*_row_spec(D), _full_spec((2, D))],
        (_f((N, D)), _f((2, D))),
        nump[:, :N], denp[:, :N], hg, sa16, da16, sm16, dm16, R,
        bg.reshape(1, -1))
    y = _tc_call(
        _tc_head, (GRID,),
        [*_row_spec(D), _full_spec((2, D)), _full_spec((1, D)),
         _full_spec((1, D)), _full_spec((D, 1)), _full_spec((1, 1))],
        _row_spec(1)[0], _f((N, 1)),
        gat, st4, ga.reshape(1, -1), ba.reshape(1, -1),
        linW, linb.reshape(1, -1))
    return y

# --- scband reference (transcript-rebuilt; emitter-appended) ---
"""Pipeline reference for scband-advanced-gcnregression-71253507440671 (READ-ONLY COPY).

The authoritative reference and input builder live on the scoring server;
editing this copy changes nothing except your own understanding.
"""

import jax, jax.numpy as jnp
import numpy as np

N = 10000
E = 320000
D = 128
H = 4
FH = 32


def setup_inputs(seed: int = 0) -> dict:
    key = jax.random.key(seed)
    k = jax.random.split(key, 16)
    inp = {}
    inp['x'] = jax.random.normal(k[0], (N, D), dtype=jnp.float32)
    inp['edge_index'] = jax.random.randint(k[1], (2, E), 0, N, dtype=jnp.int32)

    def gl(kk, fi, fo):
        return jax.random.normal(kk, (fi, fo), dtype=jnp.float32) * jnp.sqrt(2.0 / (fi + fo))

    inp['W1'] = gl(k[2], 128, 16); inp['b1'] = jnp.zeros((16,), jnp.float32)
    inp['g1'] = jnp.ones((16,), jnp.float32); inp['be1'] = jnp.zeros((16,), jnp.float32)
    inp['W2'] = gl(k[3], 16, 64); inp['b2'] = jnp.zeros((64,), jnp.float32)
    inp['g2'] = jnp.ones((64,), jnp.float32); inp['be2'] = jnp.zeros((64,), jnp.float32)
    inp['W3'] = gl(k[4], 64, 64); inp['b3'] = jnp.zeros((64,), jnp.float32)
    inp['g3'] = jnp.ones((64,), jnp.float32); inp['be3'] = jnp.zeros((64,), jnp.float32)
    inp['Wg'] = gl(k[5], 64, H * FH); inp['bg'] = jnp.zeros((H * FH,), jnp.float32)
    inp['a_src'] = jax.random.normal(k[6], (H, FH), dtype=jnp.float32) * 0.1
    inp['a_dst'] = jax.random.normal(k[7], (H, FH), dtype=jnp.float32) * 0.1
    inp['ga'] = jnp.ones((H * FH,), jnp.float32); inp['ba'] = jnp.zeros((H * FH,), jnp.float32)
    inp['linW'] = gl(k[8], H * FH, 1); inp['linb'] = jnp.zeros((1,), jnp.float32)
    return inp


def _add_self_loops(edge_index, n):
    loop = jnp.arange(n, dtype=edge_index.dtype)
    src = jnp.concatenate([edge_index[0], loop])
    dst = jnp.concatenate([edge_index[1], loop])
    return src, dst


def _gcn_conv(x, src, dst, W, b, n):
    h = x @ W
    ones = jnp.ones(src.shape, dtype=h.dtype)
    deg = jax.ops.segment_sum(ones, dst, num_segments=n)
    dis = jnp.where(deg > 0, 1.0 / jnp.sqrt(deg), 0.0)
    norm = dis[src] * dis[dst]
    out = jax.ops.segment_sum(h[src] * norm[:, None], dst, num_segments=n)
    return out + b


def _bn(x, g, b, eps=1e-5):
    m = x.mean(axis=0)
    v = x.var(axis=0)
    return g * (x - m) / jnp.sqrt(v + eps) + b


def _gat(x, src, dst, Wg, a_src, a_dst, bg, n):
    h = (x @ Wg).reshape(n, H, FH)
    asrc = (h * a_src[None, :, :]).sum(-1)
    adst = (h * a_dst[None, :, :]).sum(-1)
    e = jax.nn.leaky_relu(asrc[src] + adst[dst], negative_slope=0.2)
    emax = jax.ops.segment_max(e, dst, num_segments=n)
    emax = jnp.where(jnp.isfinite(emax), emax, 0.0)
    ee = jnp.exp(e - emax[dst])
    den = jax.ops.segment_sum(ee, dst, num_segments=n)
    coef = ee / (den[dst] + 1e-16)
    out = jax.ops.segment_sum(h[src] * coef[:, :, None], dst, num_segments=n)
    return out.reshape(n, H * FH) + bg


def reference(x, edge_index, W1, b1, g1, be1, W2, b2, g2, be2, W3, b3, g3, be3, Wg, a_src, a_dst, bg, ga, ba, linW, linb):
    n = x.shape[0]
    src, dst = _add_self_loops(edge_index, n)
    h = jax.nn.relu(_bn(_gcn_conv(x, src, dst, W1, b1, n), g1, be1))
    h = jax.nn.relu(_bn(_gcn_conv(h, src, dst, W2, b2, n), g2, be2))
    hres = jax.nn.relu(_bn(_gcn_conv(h, src, dst, W3, b3, n), g3, be3))
    h = h + hres
    h = jax.nn.elu(_bn(_gat(h, src, dst, Wg, a_src, a_dst, bg, n), ga, ba))
    return h @ linW + linb

if __name__ == "__main__":
    import jax
    _d = setup_inputs()
    print(jax.jit(kernel)(*tuple(_d.values())))

</pallas_src>

<mosaic_0001>
#map = affine_map<(d0, d1) -> (0, 0)>
#map1 = affine_map<(d0, d1) -> (0, 0, 0)>
module attributes {stable_mosaic.version = 14 : i64} {
  func.func @seg_sum(%arg0: i32, %arg1: i32, %arg2: memref<10000x16xf32, #tpu.memory_space<hbm>>, %arg3: memref<32x125x80xi32, #tpu.memory_space<hbm>>, %arg4: memref<32x125x80xi32, #tpu.memory_space<hbm>>, %arg5: memref<10240x16xf32, #tpu.memory_space<hbm>>, %arg6: memref<2x10240x16xf32, #tpu.memory_space<hbm>>, %arg7: memref<125x80xi32, #tpu.memory_space<vmem>>, %arg8: memref<125x80xi32, #tpu.memory_space<vmem>>, %arg9: memref<80x16xf32, #tpu.memory_space<vmem>>, %arg10: memref<80x16xf32, #tpu.memory_space<vmem>>, %arg11: memref<10240x16xf32, #tpu.memory_space<vmem_shared>>, %arg12: memref<!tpu.dma_semaphore, #tpu.memory_space<semaphore_mem>>, %arg13: memref<!tpu.dma_semaphore, #tpu.memory_space<semaphore_mem>>) attributes {dimension_semantics = [#tpu.dimension_semantics<core_parallel>, #tpu.dimension_semantics<subcore_parallel>], iteration_bounds = array<i64: 2, 16>, scalar_prefetch = 0 : i64, scratch_operands = 7 : i64, tpu.core_type = #tpu.core_type<sc_vector_subcore>, window_params = [{transform_indices = #map}, {transform_indices = #map1}, {transform_indices = #map1}, {transform_indices = #map}, {transform_indices = #map1}]} {
    %mul3A = arith.constant 16 : i32
    %mul3A_0 = arith.muli %arg0, %mul3A : i32
    %add3A = arith.addi %mul3A_0, %arg1 : i32
    %mul3A_1 = arith.constant 640 : i32
    %mul3A_2 = arith.muli %arg1, %mul3A_1 : i32
    "tpu.region"() ({
      %run_scoped3A = tpu.sem_alloc : memref<!tpu.dma_semaphore, #tpu.memory_space<semaphore_mem>>
      %dma_start3A_15 = arith.constant 0 : i32
      %dma_start3A_16 = tpu.memref_slice %arg11[%mul3A_2, %dma_start3A_15] : memref<10240x16xf32, #tpu.memory_space<vmem_shared>> -> memref<640x16xf32, #tpu.memory_space<vmem_shared>>
      %dma_start3A_17 = arith.constant 0 : i32
      %dma_start3A_18 = tpu.memref_slice %arg5[%mul3A_2, %dma_start3A_17] : memref<10240x16xf32, #tpu.memory_space<hbm>> -> memref<640x16xf32, #tpu.memory_space<hbm>>
      tpu.enqueue_dma source(%dma_start3A_18 : memref<640x16xf32, #tpu.memory_space<hbm>>) target(%dma_start3A_16 : memref<640x16xf32, #tpu.memory_space<vmem_shared>>) target_semaphore(%run_scoped3A : memref<!tpu.dma_semaphore, #tpu.memory_space<semaphore_mem>>)
      %dma_wait3A = arith.constant 0 : i32
      %dma_wait3A_19 = tpu.memref_slice %arg11[%mul3A_2, %dma_wait3A] : memref<10240x16xf32, #tpu.memory_space<vmem_shared>> -> memref<640x16xf32, #tpu.memory_space<vmem_shared>>
      %dma_wait3A_20 = arith.constant 0 : i32
      %dma_wait3A_21 = tpu.memref_slice %arg5[%mul3A_2, %dma_wait3A_20] : memref<10240x16xf32, #tpu.memory_space<hbm>> -> memref<640x16xf32, #tpu.memory_space<hbm>>
      tpu.wait_dma2 semaphore(%run_scoped3A : memref<!tpu.dma_semaphore, #tpu.memory_space<semaphore_mem>>) src(%dma_wait3A_21 : memref<640x16xf32, #tpu.memory_space<hbm>>) dst(%dma_wait3A_19 : memref<640x16xf32, #tpu.memory_space<vmem_shared>>)
      tpu.yield
    }) : () -> ()
    "tpu.region"() ({
      %run_scoped3A = tpu.sem_alloc : memref<!tpu.dma_semaphore, #tpu.memory_space<semaphore_mem>>
      %dma_start3A_15 = arith.constant 0 : i32
      %dma_start3A_16 = arith.constant 0 : i32
      %dma_start3A_17 = tpu.memref_slice %arg3[%add3A, %dma_start3A_15, %dma_start3A_16] : memref<32x125x80xi32, #tpu.memory_space<hbm>> -> memref<1x125x80xi32, #tpu.memory_space<hbm>>
      %dma_start3A_18 = tpu.memref_squeeze %dma_start3A_17 : memref<1x125x80xi32, #tpu.memory_space<hbm>> -> memref<125x80xi32, #tpu.memory_space<hbm>>
      %dma_start3A_19 = arith.constant 0 : i32
      %dma_start3A_20 = arith.constant 0 : i32
      %dma_start3A_21 = tpu.memref_slice %arg3[%add3A, %dma_start3A_19, %dma_start3A_20] : memref<32x125x80xi32, #tpu.memory_space<hbm>> -> memref<1x125x80xi32, #tpu.memory_space<hbm>>
      %dma_start3A_22 = tpu.memref_squeeze %dma_start3A_21 : memref<1x125x80xi32, #tpu.memory_space<hbm>> -> memref<125x80xi32, #tpu.memory_space<hbm>>
      tpu.enqueue_dma source(%dma_start3A_22 : memref<125x80xi32, #tpu.memory_space<hbm>>) target(%arg7 : memref<125x80xi32, #tpu.memory_space<vmem>>) target_semaphore(%run_scoped3A : memref<!tpu.dma_semaphore, #tpu.memory_space<semaphore_mem>>)
      %dma_wait3A = arith.constant 0 : i32
      %dma_wait3A_23 = arith.constant 0 : i32
      %dma_wait3A_24 = tpu.memref_slice %arg3[%add3A, %dma_wait3A, %dma_wait3A_23] : memref<32x125x80xi32, #tpu.memory_space<hbm>> -> memref<1x125x80xi32, #tpu.memory_space<hbm>>
      %dma_wait3A_25 = tpu.memref_squeeze %dma_wait3A_24 : memref<1x125x80xi32, #tpu.memory_space<hbm>> -> memref<125x80xi32, #tpu.memory_space<hbm>>
      %dma_wait3A_26 = arith.constant 0 : i32
      %dma_wait3A_27 = arith.constant 0 : i32
      %dma_wait3A_28 = tpu.memref_slice %arg3[%add3A, %dma_wait3A_26, %dma_wait3A_27] : memref<32x125x80xi32, #tpu.memory_space<hbm>> -> memref<1x125x80xi32, #tpu.memory_space<hbm>>
      %dma_wait3A_29 = tpu.memref_squeeze %dma_wait3A_28 : memref<1x125x80xi32, #tpu.memory_space<hbm>> -> memref<125x80xi32, #tpu.memory_space<hbm>>
      tpu.wait_dma2 semaphore(%run_scoped3A : memref<!tpu.dma_semaphore, #tpu.memory_space<semaphore_mem>>) src(%dma_wait3A_29 : memref<125x80xi32, #tpu.memory_space<hbm>>) dst(%arg7 : memref<125x80xi32, #tpu.memory_space<vmem>>)
      tpu.yield
    }) : () -> ()
    "tpu.region"() ({
      %run_scoped3A = tpu.sem_alloc : memref<!tpu.dma_semaphore, #tpu.memory_space<semaphore_mem>>
      %dma_start3A_15 = arith.constant 0 : i32
      %dma_start3A_16 = arith.constant 0 : i32
      %dma_start3A_17 = tpu.memref_slice %arg4[%add3A, %dma_start3A_15, %dma_start3A_16] : memref<32x125x80xi32, #tpu.memory_space<hbm>> -> memref<1x125x80xi32, #tpu.memory_space<hbm>>
      %dma_start3A_18 = tpu.memref_squeeze %dma_start3A_17 : memref<1x125x80xi32, #tpu.memory_space<hbm>> -> memref<125x80xi32, #tpu.memory_space<hbm>>
      %dma_start3A_19 = arith.constant 0 : i32
      %dma_start3A_20 = arith.constant 0 : i32
      %dma_start3A_21 = tpu.memref_slice %arg4[%add3A, %dma_start3A_19, %dma_start3A_20] : memref<32x125x80xi32, #tpu.memory_space<hbm>> -> memref<1x125x80xi32, #tpu.memory_space<hbm>>
      %dma_start3A_22 = tpu.memref_squeeze %dma_start3A_21 : memref<1x125x80xi32, #tpu.memory_space<hbm>> -> memref<125x80xi32, #tpu.memory_space<hbm>>
      tpu.enqueue_dma source(%dma_start3A_22 : memref<125x80xi32, #tpu.memory_space<hbm>>) target(%arg8 : memref<125x80xi32, #tpu.memory_space<vmem>>) target_semaphore(%run_scoped3A : memref<!tpu.dma_semaphore, #tpu.memory_space<semaphore_mem>>)
      %dma_wait3A = arith.constant 0 : i32
      %dma_wait3A_23 = arith.constant 0 : i32
      %dma_wait3A_24 = tpu.memref_slice %arg4[%add3A, %dma_wait3A, %dma_wait3A_23] : memref<32x125x80xi32, #tpu.memory_space<hbm>> -> memref<1x125x80xi32, #tpu.memory_space<hbm>>
      %dma_wait3A_25 = tpu.memref_squeeze %dma_wait3A_24 : memref<1x125x80xi32, #tpu.memory_space<hbm>> -> memref<125x80xi32, #tpu.memory_space<hbm>>
      %dma_wait3A_26 = arith.constant 0 : i32
      %dma_wait3A_27 = arith.constant 0 : i32
      %dma_wait3A_28 = tpu.memref_slice %arg4[%add3A, %dma_wait3A_26, %dma_wait3A_27] : memref<32x125x80xi32, #tpu.memory_space<hbm>> -> memref<1x125x80xi32, #tpu.memory_space<hbm>>
      %dma_wait3A_29 = tpu.memref_squeeze %dma_wait3A_28 : memref<1x125x80xi32, #tpu.memory_space<hbm>> -> memref<125x80xi32, #tpu.memory_space<hbm>>
      tpu.wait_dma2 semaphore(%run_scoped3A : memref<!tpu.dma_semaphore, #tpu.memory_space<semaphore_mem>>) src(%dma_wait3A_29 : memref<125x80xi32, #tpu.memory_space<hbm>>) dst(%arg8 : memref<125x80xi32, #tpu.memory_space<vmem>>)
      tpu.yield
    }) : () -> ()
    %barrier3A = arith.constant 0 : index
    tpu.barrier barrier_id(%barrier3A)
    %dma_start3A = arith.constant 0 : i32
    %dma_start3A_3 = arith.constant 0 : i32
    %dma_start3A_4 = tpu.memref_slice %arg7[%dma_start3A, %dma_start3A_3] : memref<125x80xi32, #tpu.memory_space<vmem>> -> memref<1x80xi32, #tpu.memory_space<vmem>>
    %dma_start3A_5 = tpu.memref_squeeze %dma_start3A_4 : memref<1x80xi32, #tpu.memory_space<vmem>> -> memref<80xi32, #tpu.memory_space<vmem>>
    %dma_start3A_6 = arith.constant 0 : i32
    %dma_start3A_7 = arith.constant 0 : i32
    %dma_start3A_8 = tpu.memref_slice %arg2[%dma_start3A_6, %dma_start3A_7] : memref<10000x16xf32, #tpu.memory_space<hbm>> -> memref<10000x16xf32, #tpu.memory_space<hbm>>
    tpu.enqueue_indirect_dma source(%dma_start3A_8 : memref<10000x16xf32, #tpu.memory_space<hbm>>) target(%arg9 : memref<80x16xf32, #tpu.memory_space<vmem>>) offsets(%dma_start3A_5 : memref<80xi32, #tpu.memory_space<vmem>>) semaphore(%arg12 : memref<!tpu.dma_semaphore, #tpu.memory_space<semaphore_mem>>)
    %scan3A = arith.constant 0 : i32
    %scan3A_9 = arith.constant 0 : i32
    %scan3A_10 = arith.constant 125 : i32
    %scan3A_11 = arith.addi %scan3A_9, %scan3A_10 : i32
    %scan3A_12 = arith.constant 1 : i32
    scf.for %scan3A_15 = %scan3A_9 to %scan3A_11 step %scan3A_12  : i32 {
      %jit3A = arith.constant 2 : i32
      %eq3A = arith.constant 0 : i32
      %eq3A_16 = arith.cmpi eq, %jit3A, %eq3A : i32
      %jit3A_17 = arith.constant 1 : i32
      %select_n3A = arith.select %eq3A_16, %jit3A_17, %jit3A : i32
      %rem3A = arith.remsi %scan3A_15, %select_n3A : i32
      %ne3A = arith.constant 0 : i32
      %ne3A_18 = arith.cmpi ne, %rem3A, %ne3A : i32
      %lt3A = arith.constant 0 : i32
      %lt3A_19 = arith.cmpi slt, %rem3A, %lt3A : i32
      %lt3A_20 = arith.constant 0 : i32
      %lt3A_21 = arith.cmpi slt, %select_n3A, %lt3A_20 : i32
      %ne3A_22 = arith.xori %lt3A_19, %lt3A_21 : i1
      %and3A = arith.andi %ne3A_22, %ne3A_18 : i1
      %add3A_23 = arith.addi %rem3A, %select_n3A : i32
      %select_n3A_24 = arith.select %and3A, %add3A_23, %rem3A : i32
      %eq3A_25 = arith.constant 0 : i32
      %eq3A_26 = arith.cmpi eq, %select_n3A_24, %eq3A_25 : i32
      %convert_element_type3A = arith.extui %eq3A_26 : i1 to i32
      %cond3A = arith.constant 0 : i32
      %cond3A_27 = arith.cmpi ne, %convert_element_type3A, %cond3A : i32
      scf.if %cond3A_27 {
        %add3A_49 = arith.constant 1 : i32
        %add3A_50 = arith.addi %scan3A_15, %add3A_49 : i32
        %lt3A_51 = arith.constant 125 : i32
        %lt3A_52 = arith.cmpi slt, %add3A_50, %lt3A_51 : i32
        %convert_element_type3A_53 = arith.extui %lt3A_52 : i1 to i32
        %cond3A_54 = arith.constant 0 : i32
        %cond3A_55 = arith.cmpi ne, %convert_element_type3A_53, %cond3A_54 : i32
        scf.if %cond3A_55 {
          %add3A_61 = arith.constant 1 : i32
          %add3A_62 = arith.addi %scan3A_15, %add3A_61 : i32
          %dma_start3A_63 = arith.constant 0 : i32
          %dma_start3A_64 = tpu.memref_slice %arg7[%add3A_62, %dma_start3A_63] : memref<125x80xi32, #tpu.memory_space<vmem>> -> memref<1x80xi32, #tpu.memory_space<vmem>>
          %dma_start3A_65 = tpu.memref_squeeze %dma_start3A_64 : memref<1x80xi32, #tpu.memory_space<vmem>> -> memref<80xi32, #tpu.memory_space<vmem>>
          %dma_start3A_66 = arith.constant 0 : i32
          %dma_start3A_67 = arith.constant 0 : i32
          %dma_start3A_68 = tpu.memref_slice %arg2[%dma_start3A_66, %dma_start3A_67] : memref<10000x16xf32, #tpu.memory_space<hbm>> -> memref<10000x16xf32, #tpu.memory_space<hbm>>
          tpu.enqueue_indirect_dma source(%dma_start3A_68 : memref<10000x16xf32, #tpu.memory_space<hbm>>) target(%arg10 : memref<80x16xf32, #tpu.memory_space<vmem>>) offsets(%dma_start3A_65 : memref<80xi32, #tpu.memory_space<vmem>>) semaphore(%arg13 : memref<!tpu.dma_semaphore, #tpu.memory_space<semaphore_mem>>)
        } else {
        }
        %dma_wait3A = arith.constant 0 : i32
        %dma_wait3A_56 = tpu.memref_slice %arg7[%scan3A_15, %dma_wait3A] : memref<125x80xi32, #tpu.memory_space<vmem>> -> memref<1x80xi32, #tpu.memory_space<vmem>>
        %dma_wait3A_57 = tpu.memref_squeeze %dma_wait3A_56 : memref<1x80xi32, #tpu.memory_space<vmem>> -> memref<80xi32, #tpu.memory_space<vmem>>
        %dma_wait3A_58 = arith.constant 0 : i32
        %dma_wait3A_59 = arith.constant 0 : i32
        %dma_wait3A_60 = tpu.memref_slice %arg2[%dma_wait3A_58, %dma_wait3A_59] : memref<10000x16xf32, #tpu.memory_space<hbm>> -> memref<10000x16xf32, #tpu.memory_space<hbm>>
        tpu.wait_indirect_dma semaphore(%arg12 : memref<!tpu.dma_semaphore, #tpu.memory_space<semaphore_mem>>) src(%dma_wait3A_60 : memref<10000x16xf32, #tpu.memory_space<hbm>>) dst(%arg9 : memref<80x16xf32, #tpu.memory_space<vmem>>)
        "tpu.region"() ({
          %run_scoped3A = tpu.sem_alloc : memref<!tpu.dma_semaphore, #tpu.memory_space<semaphore_mem>>
          %dma_start3A_61 = arith.constant 0 : i32
          %dma_start3A_62 = tpu.memref_slice %arg8[%scan3A_15, %dma_start3A_61] : memref<125x80xi32, #tpu.memory_space<vmem>> -> memref<1x80xi32, #tpu.memory_space<vmem>>
          %dma_start3A_63 = tpu.memref_squeeze %dma_start3A_62 : memref<1x80xi32, #tpu.memory_space<vmem>> -> memref<80xi32, #tpu.memory_space<vmem>>
          %dma_start3A_64 = arith.constant 0 : i32
          %dma_start3A_65 = arith.constant 0 : i32
          %dma_start3A_66 = tpu.memref_slice %arg11[%dma_start3A_64, %dma_start3A_65] : memref<10240x16xf32, #tpu.memory_space<vmem_shared>> -> memref<10240x16xf32, #tpu.memory_space<vmem_shared>>
          tpu.enqueue_indirect_dma source(%arg9 : memref<80x16xf32, #tpu.memory_space<vmem>>) target(%dma_start3A_66 : memref<10240x16xf32, #tpu.memory_space<vmem_shared>>) offsets(%dma_start3A_63 : memref<80xi32, #tpu.memory_space<vmem>>) semaphore(%run_scoped3A : memref<!tpu.dma_semaphore, #tpu.memory_space<semaphore_mem>>) {add = true}
          %dma_wait3A_67 = arith.constant 0 : i32
          %dma_wait3A_68 = tpu.memref_slice %arg8[%scan3A_15, %dma_wait3A_67] : memref<125x80xi32, #tpu.memory_space<vmem>> -> memref<1x80xi32, #tpu.memory_space<vmem>>
          %dma_wait3A_69 = tpu.memref_squeeze %dma_wait3A_68 : memref<1x80xi32, #tpu.memory_space<vmem>> -> memref<80xi32, #tpu.memory_space<vmem>>
          %dma_wait3A_70 = arith.constant 0 : i32
          %dma_wait3A_71 = arith.constant 0 : i32
          %dma_wait3A_72 = tpu.memref_slice %arg11[%dma_wait3A_70, %dma_wait3A_71] : memref<10240x16xf32, #tpu.memory_space<vmem_shared>> -> memref<10240x16xf32, #tpu.memory_space<vmem_shared>>
          tpu.wait_indirect_dma semaphore(%run_scoped3A : memref<!tpu.dma_semaphore, #tpu.memory_space<semaphore_mem>>) src(%arg9 : memref<80x16xf32, #tpu.memory_space<vmem>>) dst(%dma_wait3A_72 : memref<10240x16xf32, #tpu.memory_space<vmem_shared>>)
          tpu.yield
        }) : () -> ()
      } else {
      }
      %jit3A_28 = arith.constant 2 : i32
      %eq3A_29 = arith.constant 0 : i32
      %eq3A_30 = arith.cmpi eq, %jit3A_28, %eq3A_29 : i32
      %jit3A_31 = arith.constant 1 : i32
      %select_n3A_32 = arith.select %eq3A_30, %jit3A_31, %jit3A_28 : i32
      %rem3A_33 = arith.remsi %scan3A_15, %select_n3A_32 : i32
      %ne3A_34 = arith.constant 0 : i32
      %ne3A_35 = arith.cmpi ne, %rem3A_33, %ne3A_34 : i32
      %lt3A_36 = arith.constant 0 : i32
      %lt3A_37 = arith.cmpi slt, %rem3A_33, %lt3A_36 : i32
      %lt3A_38 = arith.constant 0 : i32
      %lt3A_39 = arith.cmpi slt, %select_n3A_32, %lt3A_38 : i32
      %ne3A_40 = arith.xori %lt3A_37, %lt3A_39 : i1
      %and3A_41 = arith.andi %ne3A_40, %ne3A_35 : i1
      %add3A_42 = arith.addi %rem3A_33, %select_n3A_32 : i32
      %select_n3A_43 = arith.select %and3A_41, %add3A_42, %rem3A_33 : i32
      %eq3A_44 = arith.constant 1 : i32
      %eq3A_45 = arith.cmpi eq, %select_n3A_43, %eq3A_44 : i32
      %convert_element_type3A_46 = arith.extui %eq3A_45 : i1 to i32
      %cond3A_47 = arith.constant 0 : i32
      %cond3A_48 = arith.cmpi ne, %convert_element_type3A_46, %cond3A_47 : i32
      scf.if %cond3A_48 {
        %add3A_49 = arith.constant 1 : i32
        %add3A_50 = arith.addi %scan3A_15, %add3A_49 : i32
        %lt3A_51 = arith.constant 125 : i32
        %lt3A_52 = arith.cmpi slt, %add3A_50, %lt3A_51 : i32
        %convert_element_type3A_53 = arith.extui %lt3A_52 : i1 to i32
        %cond3A_54 = arith.constant 0 : i32
        %cond3A_55 = arith.cmpi ne, %convert_element_type3A_53, %cond3A_54 : i32
        scf.if %cond3A_55 {
          %add3A_61 = arith.constant 1 : i32
          %add3A_62 = arith.addi %scan3A_15, %add3A_61 : i32
          %dma_start3A_63 = arith.constant 0 : i32
          %dma_start3A_64 = tpu.memref_slice %arg7[%add3A_62, %dma_start3A_63] : memref<125x80xi32, #tpu.memory_space<vmem>> -> memref<1x80xi32, #tpu.memory_space<vmem>>
          %dma_start3A_65 = tpu.memref_squeeze %dma_start3A_64 : memref<1x80xi32, #tpu.memory_space<vmem>> -> memref<80xi32, #tpu.memory_space<vmem>>
          %dma_start3A_66 = arith.constant 0 : i32
          %dma_start3A_67 = arith.constant 0 : i32
          %dma_start3A_68 = tpu.memref_slice %arg2[%dma_start3A_66, %dma_start3A_67] : memref<10000x16xf32, #tpu.memory_space<hbm>> -> memref<10000x16xf32, #tpu.memory_space<hbm>>
          tpu.enqueue_indirect_dma source(%dma_start3A_68 : memref<10000x16xf32, #tpu.memory_space<hbm>>) target(%arg9 : memref<80x16xf32, #tpu.memory_space<vmem>>) offsets(%dma_start3A_65 : memref<80xi32, #tpu.memory_space<vmem>>) semaphore(%arg12 : memref<!tpu.dma_semaphore, #tpu.memory_space<semaphore_mem>>)
        } else {
        }
        %dma_wait3A = arith.constant 0 : i32
        %dma_wait3A_56 = tpu.memref_slice %arg7[%scan3A_15, %dma_wait3A] : memref<125x80xi32, #tpu.memory_space<vmem>> -> memref<1x80xi32, #tpu.memory_space<vmem>>
        %dma_wait3A_57 = tpu.memref_squeeze %dma_wait3A_56 : memref<1x80xi32, #tpu.memory_space<vmem>> -> memref<80xi32, #tpu.memory_space<vmem>>
        %dma_wait3A_58 = arith.constant 0 : i32
        %dma_wait3A_59 = arith.constant 0 : i32
        %dma_wait3A_60 = tpu.memref_slice %arg2[%dma_wait3A_58, %dma_wait3A_59] : memref<10000x16xf32, #tpu.memory_space<hbm>> -> memref<10000x16xf32, #tpu.memory_space<hbm>>
        tpu.wait_indirect_dma semaphore(%arg13 : memref<!tpu.dma_semaphore, #tpu.memory_space<semaphore_mem>>) src(%dma_wait3A_60 : memref<10000x16xf32, #tpu.memory_space<hbm>>) dst(%arg10 : memref<80x16xf32, #tpu.memory_space<vmem>>)
        "tpu.region"() ({
          %run_scoped3A = tpu.sem_alloc : memref<!tpu.dma_semaphore, #tpu.memory_space<semaphore_mem>>
          %dma_start3A_61 = arith.constant 0 : i32
          %dma_start3A_62 = tpu.memref_slice %arg8[%scan3A_15, %dma_start3A_61] : memref<125x80xi32, #tpu.memory_space<vmem>> -> memref<1x80xi32, #tpu.memory_space<vmem>>
          %dma_start3A_63 = tpu.memref_squeeze %dma_start3A_62 : memref<1x80xi32, #tpu.memory_space<vmem>> -> memref<80xi32, #tpu.memory_space<vmem>>
          %dma_start3A_64 = arith.constant 0 : i32
          %dma_start3A_65 = arith.constant 0 : i32
          %dma_start3A_66 = tpu.memref_slice %arg11[%dma_start3A_64, %dma_start3A_65] : memref<10240x16xf32, #tpu.memory_space<vmem_shared>> -> memref<10240x16xf32, #tpu.memory_space<vmem_shared>>
          tpu.enqueue_indirect_dma source(%arg10 : memref<80x16xf32, #tpu.memory_space<vmem>>) target(%dma_start3A_66 : memref<10240x16xf32, #tpu.memory_space<vmem_shared>>) offsets(%dma_start3A_63 : memref<80xi32, #tpu.memory_space<vmem>>) semaphore(%run_scoped3A : memref<!tpu.dma_semaphore, #tpu.memory_space<semaphore_mem>>) {add = true}
          %dma_wait3A_67 = arith.constant 0 : i32
          %dma_wait3A_68 = tpu.memref_slice %arg8[%scan3A_15, %dma_wait3A_67] : memref<125x80xi32, #tpu.memory_space<vmem>> -> memref<1x80xi32, #tpu.memory_space<vmem>>
          %dma_wait3A_69 = tpu.memref_squeeze %dma_wait3A_68 : memref<1x80xi32, #tpu.memory_space<vmem>> -> memref<80xi32, #tpu.memory_space<vmem>>
          %dma_wait3A_70 = arith.constant 0 : i32
          %dma_wait3A_71 = arith.constant 0 : i32
          %dma_wait3A_72 = tpu.memref_slice %arg11[%dma_wait3A_70, %dma_wait3A_71] : memref<10240x16xf32, #tpu.memory_space<vmem_shared>> -> memref<10240x16xf32, #tpu.memory_space<vmem_shared>>
          tpu.wait_indirect_dma semaphore(%run_scoped3A : memref<!tpu.dma_semaphore, #tpu.memory_space<semaphore_mem>>) src(%arg10 : memref<80x16xf32, #tpu.memory_space<vmem>>) dst(%dma_wait3A_72 : memref<10240x16xf32, #tpu.memory_space<vmem_shared>>)
          tpu.yield
        }) : () -> ()
      } else {
      }
    }
    %scan3A_13 = arith.constant 125 : i32
    %barrier3A_14 = arith.constant 0 : index
    tpu.barrier barrier_id(%barrier3A_14)
    "tpu.region"() ({
      %run_scoped3A = tpu.sem_alloc : memref<!tpu.dma_semaphore, #tpu.memory_space<semaphore_mem>>
      %dma_start3A_15 = arith.constant 0 : i32
      %dma_start3A_16 = tpu.memref_slice %arg6[%arg0, %mul3A_2, %dma_start3A_15] : memref<2x10240x16xf32, #tpu.memory_space<hbm>> -> memref<1x640x16xf32, #tpu.memory_space<hbm>>
      %dma_start3A_17 = tpu.memref_squeeze %dma_start3A_16 : memref<1x640x16xf32, #tpu.memory_space<hbm>> -> memref<640x16xf32, #tpu.memory_space<hbm>>
      %dma_start3A_18 = arith.constant 0 : i32
      %dma_start3A_19 = tpu.memref_slice %arg11[%mul3A_2, %dma_start3A_18] : memref<10240x16xf32, #tpu.memory_space<vmem_shared>> -> memref<640x16xf32, #tpu.memory_space<vmem_shared>>
      tpu.enqueue_dma source(%dma_start3A_19 : memref<640x16xf32, #tpu.memory_space<vmem_shared>>) target(%dma_start3A_17 : memref<640x16xf32, #tpu.memory_space<hbm>>) target_semaphore(%run_scoped3A : memref<!tpu.dma_semaphore, #tpu.memory_space<semaphore_mem>>)
      %dma_wait3A = arith.constant 0 : i32
      %dma_wait3A_20 = tpu.memref_slice %arg6[%arg0, %mul3A_2, %dma_wait3A] : memref<2x10240x16xf32, #tpu.memory_space<hbm>> -> memref<1x640x16xf32, #tpu.memory_space<hbm>>
      %dma_wait3A_21 = tpu.memref_squeeze %dma_wait3A_20 : memref<1x640x16xf32, #tpu.memory_space<hbm>> -> memref<640x16xf32, #tpu.memory_space<hbm>>
      %dma_wait3A_22 = arith.constant 0 : i32
      %dma_wait3A_23 = tpu.memref_slice %arg11[%mul3A_2, %dma_wait3A_22] : memref<10240x16xf32, #tpu.memory_space<vmem_shared>> -> memref<640x16xf32, #tpu.memory_space<vmem_shared>>
      tpu.wait_dma2 semaphore(%run_scoped3A : memref<!tpu.dma_semaphore, #tpu.memory_space<semaphore_mem>>) src(%dma_wait3A_23 : memref<640x16xf32, #tpu.memory_space<vmem_shared>>) dst(%dma_wait3A_21 : memref<640x16xf32, #tpu.memory_space<hbm>>)
      tpu.yield
    }) : () -> ()
    return
  }
}

#map = affine_map<(d0, d1) -> (0, 0)>
#map1 = affine_map<(d0, d1) -> (0, 0, 0)>
module attributes {stable_mosaic.version = 14 : i64} {
  func.func @seg_sum(%arg0: i32, %arg1: i32, %arg2: memref<10000x64xf32, #tpu.memory_space<hbm>>, %arg3: memref<32x125x80xi32, #tpu.memory_space<hbm>>, %arg4: memref<32x125x80xi32, #tpu.memory_space<hbm>>, %arg5: memref<10240x64xf32, #tpu.memory_space<hbm>>, %arg6: memref<2x10240x64xf32, #tpu.memory_space<hbm>>, %arg7: memref<125x80xi32, #tpu.memory_space<vmem>>, %arg8: memref<125x80xi32, #tpu.memory_space<vmem>>, %arg9: memref<80x64xf32, #tpu.memory_space<vmem>>, %arg10: memref<80x64xf32, #tpu.memory_space<vmem>>, %arg11: memref<10240x64xf32, #tpu.memory_space<vmem_shared>>, %arg12: memref<!tpu.dma_semaphore, #tpu.memory_space<semaphore_mem>>, %arg13: memref<!tpu.dma_semaphore, #tpu.memory_space<semaphore_mem>>) attributes {dimension_semantics = [#tpu.dimension_semantics<core_parallel>, #tpu.dimension_semantics<subcore_parallel>], iteration_bounds = array<i64: 2, 16>, scalar_prefetch = 0 : i64, scratch_operands = 7 : i64, tpu.core_type = #tpu.core_type<sc_vector_subcore>, window_params = [{transform_indices = #map}, {transform_indices = #map1}, {transform_indices = #map1}, {transform_indices = #map}, {transform_indices = #map1}]} {
    %mul3A = arith.constant 16 : i32
    %mul3A_0 = arith.muli %arg0, %mul3A : i32
    %add3A = arith.addi %mul3A_0, %arg1 : i32
    %mul3A_1 = arith.constant 640 : i32
    %mul3A_2 = arith.muli %arg1, %mul3A_1 : i32
    "tpu.region"() ({
      %run_scoped3A = tpu.sem_alloc : memref<!tpu.dma_semaphore, #tpu.memory_space<semaphore_mem>>
      %dma_start3A_15 = arith.constant 0 : i32
      %dma_start3A_16 = tpu.memref_slice %arg11[%mul3A_2, %dma_start3A_15] : memref<10240x64xf32, #tpu.memory_space<vmem_shared>> -> memref<640x64xf32, #tpu.memory_space<vmem_shared>>
      %dma_start3A_17 = arith.constant 0 : i32
      %dma_start3A_18 = tpu.memref_slice %arg5[%mul3A_2, %dma_start3A_17] : memref<10240x64xf32, #tpu.memory_space<hbm>> -> memref<640x64xf32, #tpu.memory_space<hbm>>
      tpu.enqueue_dma source(%dma_start3A_18 : memref<640x64xf32, #tpu.memory_space<hbm>>) target(%dma_start3A_16 : memref<640x64xf32, #tpu.memory_space<vmem_shared>>) target_semaphore(%run_scoped3A : memref<!tpu.dma_semaphore, #tpu.memory_space<semaphore_mem>>)
      %dma_wait3A = arith.constant 0 : i32
      %dma_wait3A_19 = tpu.memref_slice %arg11[%mul3A_2, %dma_wait3A] : memref<10240x64xf32, #tpu.memory_space<vmem_shared>> -> memref<640x64xf32, #tpu.memory_space<vmem_shared>>
      %dma_wait3A_20 = arith.constant 0 : i32
      %dma_wait3A_21 = tpu.memref_slice %arg5[%mul3A_2, %dma_wait3A_20] : memref<10240x64xf32, #tpu.memory_space<hbm>> -> memref<640x64xf32, #tpu.memory_space<hbm>>
      tpu.wait_dma2 semaphore(%run_scoped3A : memref<!tpu.dma_semaphore, #tpu.memory_space<semaphore_mem>>) src(%dma_wait3A_21 : memref<640x64xf32, #tpu.memory_space<hbm>>) dst(%dma_wait3A_19 : memref<640x64xf32, #tpu.memory_space<vmem_shared>>)
      tpu.yield
    }) : () -> ()
    "tpu.region"() ({
      %run_scoped3A = tpu.sem_alloc : memref<!tpu.dma_semaphore, #tpu.memory_space<semaphore_mem>>
      %dma_start3A_15 = arith.constant 0 : i32
      %dma_start3A_16 = arith.constant 0 : i32
      %dma_start3A_17 = tpu.memref_slice %arg3[%add3A, %dma_start3A_15, %dma_start3A_16] : memref<32x125x80xi32, #tpu.memory_space<hbm>> -> memref<1x125x80xi32, #tpu.memory_space<hbm>>
      %dma_start3A_18 = tpu.memref_squeeze %dma_start3A_17 : memref<1x125x80xi32, #tpu.memory_space<hbm>> -> memref<125x80xi32, #tpu.memory_space<hbm>>
      %dma_start3A_19 = arith.constant 0 : i32
      %dma_start3A_20 = arith.constant 0 : i32
      %dma_start3A_21 = tpu.memref_slice %arg3[%add3A, %dma_start3A_19, %dma_start3A_20] : memref<32x125x80xi32, #tpu.memory_space<hbm>> -> memref<1x125x80xi32, #tpu.memory_space<hbm>>
      %dma_start3A_22 = tpu.memref_squeeze %dma_start3A_21 : memref<1x125x80xi32, #tpu.memory_space<hbm>> -> memref<125x80xi32, #tpu.memory_space<hbm>>
      tpu.enqueue_dma source(%dma_start3A_22 : memref<125x80xi32, #tpu.memory_space<hbm>>) target(%arg7 : memref<125x80xi32, #tpu.memory_space<vmem>>) target_semaphore(%run_scoped3A : memref<!tpu.dma_semaphore, #tpu.memory_space<semaphore_mem>>)
      %dma_wait3A = arith.constant 0 : i32
      %dma_wait3A_23 = arith.constant 0 : i32
      %dma_wait3A_24 = tpu.memref_slice %arg3[%add3A, %dma_wait3A, %dma_wait3A_23] : memref<32x125x80xi32, #tpu.memory_space<hbm>> -> memref<1x125x80xi32, #tpu.memory_space<hbm>>
      %dma_wait3A_25 = tpu.memref_squeeze %dma_wait3A_24 : memref<1x125x80xi32, #tpu.memory_space<hbm>> -> memref<125x80xi32, #tpu.memory_space<hbm>>
      %dma_wait3A_26 = arith.constant 0 : i32
      %dma_wait3A_27 = arith.constant 0 : i32
      %dma_wait3A_28 = tpu.memref_slice %arg3[%add3A, %dma_wait3A_26, %dma_wait3A_27] : memref<32x125x80xi32, #tpu.memory_space<hbm>> -> memref<1x125x80xi32, #tpu.memory_space<hbm>>
      %dma_wait3A_29 = tpu.memref_squeeze %dma_wait3A_28 : memref<1x125x80xi32, #tpu.memory_space<hbm>> -> memref<125x80xi32, #tpu.memory_space<hbm>>
      tpu.wait_dma2 semaphore(%run_scoped3A : memref<!tpu.dma_semaphore, #tpu.memory_space<semaphore_mem>>) src(%dma_wait3A_29 : memref<125x80xi32, #tpu.memory_space<hbm>>) dst(%arg7 : memref<125x80xi32, #tpu.memory_space<vmem>>)
      tpu.yield
    }) : () -> ()
    "tpu.region"() ({
      %run_scoped3A = tpu.sem_alloc : memref<!tpu.dma_semaphore, #tpu.memory_space<semaphore_mem>>
      %dma_start3A_15 = arith.constant 0 : i32
      %dma_start3A_16 = arith.constant 0 : i32
      %dma_start3A_17 = tpu.memref_slice %arg4[%add3A, %dma_start3A_15, %dma_start3A_16] : memref<32x125x80xi32, #tpu.memory_space<hbm>> -> memref<1x125x80xi32, #tpu.memory_space<hbm>>
      %dma_start3A_18 = tpu.memref_squeeze %dma_start3A_17 : memref<1x125x80xi32, #tpu.memory_space<hbm>> -> memref<125x80xi32, #tpu.memory_space<hbm>>
      %dma_start3A_19 = arith.constant 0 : i32
      %dma_start3A_20 = arith.constant 0 : i32
      %dma_start3A_21 = tpu.memref_slice %arg4[%add3A, %dma_start3A_19, %dma_start3A_20] : memref<32x125x80xi32, #tpu.memory_space<hbm>> -> memref<1x125x80xi32, #tpu.memory_space<hbm>>
      %dma_start3A_22 = tpu.memref_squeeze %dma_start3A_21 : memref<1x125x80xi32, #tpu.memory_space<hbm>> -> memref<125x80xi32, #tpu.memory_space<hbm>>
      tpu.enqueue_dma source(%dma_start3A_22 : memref<125x80xi32, #tpu.memory_space<hbm>>) target(%arg8 : memref<125x80xi32, #tpu.memory_space<vmem>>) target_semaphore(%run_scoped3A : memref<!tpu.dma_semaphore, #tpu.memory_space<semaphore_mem>>)
      %dma_wait3A = arith.constant 0 : i32
      %dma_wait3A_23 = arith.constant 0 : i32
      %dma_wait3A_24 = tpu.memref_slice %arg4[%add3A, %dma_wait3A, %dma_wait3A_23] : memref<32x125x80xi32, #tpu.memory_space<hbm>> -> memref<1x125x80xi32, #tpu.memory_space<hbm>>
      %dma_wait3A_25 = tpu.memref_squeeze %dma_wait3A_24 : memref<1x125x80xi32, #tpu.memory_space<hbm>> -> memref<125x80xi32, #tpu.memory_space<hbm>>
      %dma_wait3A_26 = arith.constant 0 : i32
      %dma_wait3A_27 = arith.constant 0 : i32
      %dma_wait3A_28 = tpu.memref_slice %arg4[%add3A, %dma_wait3A_26, %dma_wait3A_27] : memref<32x125x80xi32, #tpu.memory_space<hbm>> -> memref<1x125x80xi32, #tpu.memory_space<hbm>>
      %dma_wait3A_29 = tpu.memref_squeeze %dma_wait3A_28 : memref<1x125x80xi32, #tpu.memory_space<hbm>> -> memref<125x80xi32, #tpu.memory_space<hbm>>
      tpu.wait_dma2 semaphore(%run_scoped3A : memref<!tpu.dma_semaphore, #tpu.memory_space<semaphore_mem>>) src(%dma_wait3A_29 : memref<125x80xi32, #tpu.memory_space<hbm>>) dst(%arg8 : memref<125x80xi32, #tpu.memory_space<vmem>>)
      tpu.yield
    }) : () -> ()
    %barrier3A = arith.constant 0 : index
    tpu.barrier barrier_id(%barrier3A)
    %dma_start3A = arith.constant 0 : i32
    %dma_start3A_3 = arith.constant 0 : i32
    %dma_start3A_4 = tpu.memref_slice %arg7[%dma_start3A, %dma_start3A_3] : memref<125x80xi32, #tpu.memory_space<vmem>> -> memref<1x80xi32, #tpu.memory_space<vmem>>
    %dma_start3A_5 = tpu.memref_squeeze %dma_start3A_4 : memref<1x80xi32, #tpu.memory_space<vmem>> -> memref<80xi32, #tpu.memory_space<vmem>>
    %dma_start3A_6 = arith.constant 0 : i32
    %dma_start3A_7 = arith.constant 0 : i32
    %dma_start3A_8 = tpu.memref_slice %arg2[%dma_start3A_6, %dma_start3A_7] : memref<10000x64xf32, #tpu.memory_space<hbm>> -> memref<10000x64xf32, #tpu.memory_space<hbm>>
    tpu.enqueue_indirect_dma source(%dma_start3A_8 : memref<10000x64xf32, #tpu.memory_space<hbm>>) target(%arg9 : memref<80x64xf32, #tpu.memory_space<vmem>>) offsets(%dma_start3A_5 : memref<80xi32, #tpu.memory_space<vmem>>) semaphore(%arg12 : memref<!tpu.dma_semaphore, #tpu.memory_space<semaphore_mem>>)
    %scan3A = arith.constant 0 : i32
    %scan3A_9 = arith.constant 0 : i32
    %scan3A_10 = arith.constant 125 : i32
    %scan3A_11 = arith.addi %scan3A_9, %scan3A_10 : i32
    %scan3A_12 = arith.constant 1 : i32
    scf.for %scan3A_15 = %scan3A_9 to %scan3A_11 step %scan3A_12  : i32 {
      %jit3A = arith.constant 2 : i32
      %eq3A = arith.constant 0 : i32
      %eq3A_16 = arith.cmpi eq, %jit3A, %eq3A : i32
      %jit3A_17 = arith.constant 1 : i32
      %select_n3A = arith.select %eq3A_16, %jit3A_17, %jit3A : i32
      %rem3A = arith.remsi %scan3A_15, %select_n3A : i32
      %ne3A = arith.constant 0 : i32
      %ne3A_18 = arith.cmpi ne, %rem3A, %ne3A : i32
      %lt3A = arith.constant 0 : i32
      %lt3A_19 = arith.cmpi slt, %rem3A, %lt3A : i32
      %lt3A_20 = arith.constant 0 : i32
      %lt3A_21 = arith.cmpi slt, %select_n3A, %lt3A_20 : i32
      %ne3A_22 = arith.xori %lt3A_19, %lt3A_21 : i1
      %and3A = arith.andi %ne3A_22, %ne3A_18 : i1
      %add3A_23 = arith.addi %rem3A, %select_n3A : i32
      %select_n3A_24 = arith.select %and3A, %add3A_23, %rem3A : i32
      %eq3A_25 = arith.constant 0 : i32
      %eq3A_26 = arith.cmpi eq, %select_n3A_24, %eq3A_25 : i32
      %convert_element_type3A = arith.extui %eq3A_26 : i1 to i32
      %cond3A = arith.constant 0 : i32
      %cond3A_27 = arith.cmpi ne, %convert_element_type3A, %cond3A : i32
      scf.if %cond3A_27 {
        %add3A_49 = arith.constant 1 : i32
        %add3A_50 = arith.addi %scan3A_15, %add3A_49 : i32
        %lt3A_51 = arith.constant 125 : i32
        %lt3A_52 = arith.cmpi slt, %add3A_50, %lt3A_51 : i32
        %convert_element_type3A_53 = arith.extui %lt3A_52 : i1 to i32
        %cond3A_54 = arith.constant 0 : i32
        %cond3A_55 = arith.cmpi ne, %convert_element_type3A_53, %cond3A_54 : i32
        scf.if %cond3A_55 {
          %add3A_61 = arith.constant 1 : i32
          %add3A_62 = arith.addi %scan3A_15, %add3A_61 : i32
          %dma_start3A_63 = arith.constant 0 : i32
          %dma_start3A_64 = tpu.memref_slice %arg7[%add3A_62, %dma_start3A_63] : memref<125x80xi32, #tpu.memory_space<vmem>> -> memref<1x80xi32, #tpu.memory_space<vmem>>
          %dma_start3A_65 = tpu.memref_squeeze %dma_start3A_64 : memref<1x80xi32, #tpu.memory_space<vmem>> -> memref<80xi32, #tpu.memory_space<vmem>>
          %dma_start3A_66 = arith.constant 0 : i32
          %dma_start3A_67 = arith.constant 0 : i32
          %dma_start3A_68 = tpu.memref_slice %arg2[%dma_start3A_66, %dma_start3A_67] : memref<10000x64xf32, #tpu.memory_space<hbm>> -> memref<10000x64xf32, #tpu.memory_space<hbm>>
          tpu.enqueue_indirect_dma source(%dma_start3A_68 : memref<10000x64xf32, #tpu.memory_space<hbm>>) target(%arg10 : memref<80x64xf32, #tpu.memory_space<vmem>>) offsets(%dma_start3A_65 : memref<80xi32, #tpu.memory_space<vmem>>) semaphore(%arg13 : memref<!tpu.dma_semaphore, #tpu.memory_space<semaphore_mem>>)
        } else {
        }
        %dma_wait3A = arith.constant 0 : i32
        %dma_wait3A_56 = tpu.memref_slice %arg7[%scan3A_15, %dma_wait3A] : memref<125x80xi32, #tpu.memory_space<vmem>> -> memref<1x80xi32, #tpu.memory_space<vmem>>
        %dma_wait3A_57 = tpu.memref_squeeze %dma_wait3A_56 : memref<1x80xi32, #tpu.memory_space<vmem>> -> memref<80xi32, #tpu.memory_space<vmem>>
        %dma_wait3A_58 = arith.constant 0 : i32
        %dma_wait3A_59 = arith.constant 0 : i32
        %dma_wait3A_60 = tpu.memref_slice %arg2[%dma_wait3A_58, %dma_wait3A_59] : memref<10000x64xf32, #tpu.memory_space<hbm>> -> memref<10000x64xf32, #tpu.memory_space<hbm>>
        tpu.wait_indirect_dma semaphore(%arg12 : memref<!tpu.dma_semaphore, #tpu.memory_space<semaphore_mem>>) src(%dma_wait3A_60 : memref<10000x64xf32, #tpu.memory_space<hbm>>) dst(%arg9 : memref<80x64xf32, #tpu.memory_space<vmem>>)
        "tpu.region"() ({
          %run_scoped3A = tpu.sem_alloc : memref<!tpu.dma_semaphore, #tpu.memory_space<semaphore_mem>>
          %dma_start3A_61 = arith.constant 0 : i32
          %dma_start3A_62 = tpu.memref_slice %arg8[%scan3A_15, %dma_start3A_61] : memref<125x80xi32, #tpu.memory_space<vmem>> -> memref<1x80xi32, #tpu.memory_space<vmem>>
          %dma_start3A_63 = tpu.memref_squeeze %dma_start3A_62 : memref<1x80xi32, #tpu.memory_space<vmem>> -> memref<80xi32, #tpu.memory_space<vmem>>
          %dma_start3A_64 = arith.constant 0 : i32
          %dma_start3A_65 = arith.constant 0 : i32
          %dma_start3A_66 = tpu.memref_slice %arg11[%dma_start3A_64, %dma_start3A_65] : memref<10240x64xf32, #tpu.memory_space<vmem_shared>> -> memref<10240x64xf32, #tpu.memory_space<vmem_shared>>
          tpu.enqueue_indirect_dma source(%arg9 : memref<80x64xf32, #tpu.memory_space<vmem>>) target(%dma_start3A_66 : memref<10240x64xf32, #tpu.memory_space<vmem_shared>>) offsets(%dma_start3A_63 : memref<80xi32, #tpu.memory_space<vmem>>) semaphore(%run_scoped3A : memref<!tpu.dma_semaphore, #tpu.memory_space<semaphore_mem>>) {add = true}
          %dma_wait3A_67 = arith.constant 0 : i32
          %dma_wait3A_68 = tpu.memref_slice %arg8[%scan3A_15, %dma_wait3A_67] : memref<125x80xi32, #tpu.memory_space<vmem>> -> memref<1x80xi32, #tpu.memory_space<vmem>>
          %dma_wait3A_69 = tpu.memref_squeeze %dma_wait3A_68 : memref<1x80xi32, #tpu.memory_space<vmem>> -> memref<80xi32, #tpu.memory_space<vmem>>
          %dma_wait3A_70 = arith.constant 0 : i32
          %dma_wait3A_71 = arith.constant 0 : i32
          %dma_wait3A_72 = tpu.memref_slice %arg11[%dma_wait3A_70, %dma_wait3A_71] : memref<10240x64xf32, #tpu.memory_space<vmem_shared>> -> memref<10240x64xf32, #tpu.memory_space<vmem_shared>>
          tpu.wait_indirect_dma semaphore(%run_scoped3A : memref<!tpu.dma_semaphore, #tpu.memory_space<semaphore_mem>>) src(%arg9 : memref<80x64xf32, #tpu.memory_space<vmem>>) dst(%dma_wait3A_72 : memref<10240x64xf32, #tpu.memory_space<vmem_shared>>)
          tpu.yield
        }) : () -> ()
      } else {
      }
      %jit3A_28 = arith.constant 2 : i32
      %eq3A_29 = arith.constant 0 : i32
      %eq3A_30 = arith.cmpi eq, %jit3A_28, %eq3A_29 : i32
      %jit3A_31 = arith.constant 1 : i32
      %select_n3A_32 = arith.select %eq3A_30, %jit3A_31, %jit3A_28 : i32
      %rem3A_33 = arith.remsi %scan3A_15, %select_n3A_32 : i32
      %ne3A_34 = arith.constant 0 : i32
      %ne3A_35 = arith.cmpi ne, %rem3A_33, %ne3A_34 : i32
      %lt3A_36 = arith.constant 0 : i32
      %lt3A_37 = arith.cmpi slt, %rem3A_33, %lt3A_36 : i32
      %lt3A_38 = arith.constant 0 : i32
      %lt3A_39 = arith.cmpi slt, %select_n3A_32, %lt3A_38 : i32
      %ne3A_40 = arith.xori %lt3A_37, %lt3A_39 : i1
      %and3A_41 = arith.andi %ne3A_40, %ne3A_35 : i1
      %add3A_42 = arith.addi %rem3A_33, %select_n3A_32 : i32
      %select_n3A_43 = arith.select %and3A_41, %add3A_42, %rem3A_33 : i32
      %eq3A_44 = arith.constant 1 : i32
      %eq3A_45 = arith.cmpi eq, %select_n3A_43, %eq3A_44 : i32
      %convert_element_type3A_46 = arith.extui %eq3A_45 : i1 to i32
      %cond3A_47 = arith.constant 0 : i32
      %cond3A_48 = arith.cmpi ne, %convert_element_type3A_46, %cond3A_47 : i32
      scf.if %cond3A_48 {
        %add3A_49 = arith.constant 1 : i32
        %add3A_50 = arith.addi %scan3A_15, %add3A_49 : i32
        %lt3A_51 = arith.constant 125 : i32
        %lt3A_52 = arith.cmpi slt, %add3A_50, %lt3A_51 : i32
        %convert_element_type3A_53 = arith.extui %lt3A_52 : i1 to i32
        %cond3A_54 = arith.constant 0 : i32
        %cond3A_55 = arith.cmpi ne, %convert_element_type3A_53, %cond3A_54 : i32
        scf.if %cond3A_55 {
          %add3A_61 = arith.constant 1 : i32
          %add3A_62 = arith.addi %scan3A_15, %add3A_61 : i32
          %dma_start3A_63 = arith.constant 0 : i32
          %dma_start3A_64 = tpu.memref_slice %arg7[%add3A_62, %dma_start3A_63] : memref<125x80xi32, #tpu.memory_space<vmem>> -> memref<1x80xi32, #tpu.memory_space<vmem>>
          %dma_start3A_65 = tpu.memref_squeeze %dma_start3A_64 : memref<1x80xi32, #tpu.memory_space<vmem>> -> memref<80xi32, #tpu.memory_space<vmem>>
          %dma_start3A_66 = arith.constant 0 : i32
          %dma_start3A_67 = arith.constant 0 : i32
          %dma_start3A_68 = tpu.memref_slice %arg2[%dma_start3A_66, %dma_start3A_67] : memref<10000x64xf32, #tpu.memory_space<hbm>> -> memref<10000x64xf32, #tpu.memory_space<hbm>>
          tpu.enqueue_indirect_dma source(%dma_start3A_68 : memref<10000x64xf32, #tpu.memory_space<hbm>>) target(%arg9 : memref<80x64xf32, #tpu.memory_space<vmem>>) offsets(%dma_start3A_65 : memref<80xi32, #tpu.memory_space<vmem>>) semaphore(%arg12 : memref<!tpu.dma_semaphore, #tpu.memory_space<semaphore_mem>>)
        } else {
        }
        %dma_wait3A = arith.constant 0 : i32
        %dma_wait3A_56 = tpu.memref_slice %arg7[%scan3A_15, %dma_wait3A] : memref<125x80xi32, #tpu.memory_space<vmem>> -> memref<1x80xi32, #tpu.memory_space<vmem>>
        %dma_wait3A_57 = tpu.memref_squeeze %dma_wait3A_56 : memref<1x80xi32, #tpu.memory_space<vmem>> -> memref<80xi32, #tpu.memory_space<vmem>>
        %dma_wait3A_58 = arith.constant 0 : i32
        %dma_wait3A_59 = arith.constant 0 : i32
        %dma_wait3A_60 = tpu.memref_slice %arg2[%dma_wait3A_58, %dma_wait3A_59] : memref<10000x64xf32, #tpu.memory_space<hbm>> -> memref<10000x64xf32, #tpu.memory_space<hbm>>
        tpu.wait_indirect_dma semaphore(%arg13 : memref<!tpu.dma_semaphore, #tpu.memory_space<semaphore_mem>>) src(%dma_wait3A_60 : memref<10000x64xf32, #tpu.memory_space<hbm>>) dst(%arg10 : memref<80x64xf32, #tpu.memory_space<vmem>>)
        "tpu.region"() ({
          %run_scoped3A = tpu.sem_alloc : memref<!tpu.dma_semaphore, #tpu.memory_space<semaphore_mem>>
          %dma_start3A_61 = arith.constant 0 : i32
          %dma_start3A_62 = tpu.memref_slice %arg8[%scan3A_15, %dma_start3A_61] : memref<125x80xi32, #tpu.memory_space<vmem>> -> memref<1x80xi32, #tpu.memory_space<vmem>>
          %dma_start3A_63 = tpu.memref_squeeze %dma_start3A_62 : memref<1x80xi32, #tpu.memory_space<vmem>> -> memref<80xi32, #tpu.memory_space<vmem>>
          %dma_start3A_64 = arith.constant 0 : i32
          %dma_start3A_65 = arith.constant 0 : i32
          %dma_start3A_66 = tpu.memref_slice %arg11[%dma_start3A_64, %dma_start3A_65] : memref<10240x64xf32, #tpu.memory_space<vmem_shared>> -> memref<10240x64xf32, #tpu.memory_space<vmem_shared>>
          tpu.enqueue_indirect_dma source(%arg10 : memref<80x64xf32, #tpu.memory_space<vmem>>) target(%dma_start3A_66 : memref<10240x64xf32, #tpu.memory_space<vmem_shared>>) offsets(%dma_start3A_63 : memref<80xi32, #tpu.memory_space<vmem>>) semaphore(%run_scoped3A : memref<!tpu.dma_semaphore, #tpu.memory_space<semaphore_mem>>) {add = true}
          %dma_wait3A_67 = arith.constant 0 : i32
          %dma_wait3A_68 = tpu.memref_slice %arg8[%scan3A_15, %dma_wait3A_67] : memref<125x80xi32, #tpu.memory_space<vmem>> -> memref<1x80xi32, #tpu.memory_space<vmem>>
          %dma_wait3A_69 = tpu.memref_squeeze %dma_wait3A_68 : memref<1x80xi32, #tpu.memory_space<vmem>> -> memref<80xi32, #tpu.memory_space<vmem>>
          %dma_wait3A_70 = arith.constant 0 : i32
          %dma_wait3A_71 = arith.constant 0 : i32
          %dma_wait3A_72 = tpu.memref_slice %arg11[%dma_wait3A_70, %dma_wait3A_71] : memref<10240x64xf32, #tpu.memory_space<vmem_shared>> -> memref<10240x64xf32, #tpu.memory_space<vmem_shared>>
          tpu.wait_indirect_dma semaphore(%run_scoped3A : memref<!tpu.dma_semaphore, #tpu.memory_space<semaphore_mem>>) src(%arg10 : memref<80x64xf32, #tpu.memory_space<vmem>>) dst(%dma_wait3A_72 : memref<10240x64xf32, #tpu.memory_space<vmem_shared>>)
          tpu.yield
        }) : () -> ()
      } else {
      }
    }
    %scan3A_13 = arith.constant 125 : i32
    %barrier3A_14 = arith.constant 0 : index
    tpu.barrier barrier_id(%barrier3A_14)
    "tpu.region"() ({
      %run_scoped3A = tpu.sem_alloc : memref<!tpu.dma_semaphore, #tpu.memory_space<semaphore_mem>>
      %dma_start3A_15 = arith.constant 0 : i32
      %dma_start3A_16 = tpu.memref_slice %arg6[%arg0, %mul3A_2, %dma_start3A_15] : memref<2x10240x64xf32, #tpu.memory_space<hbm>> -> memref<1x640x64xf32, #tpu.memory_space<hbm>>
      %dma_start3A_17 = tpu.memref_squeeze %dma_start3A_16 : memref<1x640x64xf32, #tpu.memory_space<hbm>> -> memref<640x64xf32, #tpu.memory_space<hbm>>
      %dma_start3A_18 = arith.constant 0 : i32
      %dma_start3A_19 = tpu.memref_slice %arg11[%mul3A_2, %dma_start3A_18] : memref<10240x64xf32, #tpu.memory_space<vmem_shared>> -> memref<640x64xf32, #tpu.memory_space<vmem_shared>>
      tpu.enqueue_dma source(%dma_start3A_19 : memref<640x64xf32, #tpu.memory_space<vmem_shared>>) target(%dma_start3A_17 : memref<640x64xf32, #tpu.memory_space<hbm>>) target_semaphore(%run_scoped3A : memref<!tpu.dma_semaphore, #tpu.memory_space<semaphore_mem>>)
      %dma_wait3A = arith.constant 0 : i32
      %dma_wait3A_20 = tpu.memref_slice %arg6[%arg0, %mul3A_2, %dma_wait3A] : memref<2x10240x64xf32, #tpu.memory_space<hbm>> -> memref<1x640x64xf32, #tpu.memory_space<hbm>>
      %dma_wait3A_21 = tpu.memref_squeeze %dma_wait3A_20 : memref<1x640x64xf32, #tpu.memory_space<hbm>> -> memref<640x64xf32, #tpu.memory_space<hbm>>
      %dma_wait3A_22 = arith.constant 0 : i32
      %dma_wait3A_23 = tpu.memref_slice %arg11[%mul3A_2, %dma_wait3A_22] : memref<10240x64xf32, #tpu.memory_space<vmem_shared>> -> memref<640x64xf32, #tpu.memory_space<vmem_shared>>
      tpu.wait_dma2 semaphore(%run_scoped3A : memref<!tpu.dma_semaphore, #tpu.memory_space<semaphore_mem>>) src(%dma_wait3A_23 : memref<640x64xf32, #tpu.memory_space<vmem_shared>>) dst(%dma_wait3A_21 : memref<640x64xf32, #tpu.memory_space<hbm>>)
      tpu.yield
    }) : () -> ()
    return
  }
}

#map = affine_map<(d0, d1) -> (0, 0, 0)>
#map1 = affine_map<(d0, d1) -> (0, 0)>
module attributes {stable_mosaic.version = 14 : i64} {
  func.func @_deg_kernel(%arg0: i32, %arg1: i32, %arg2: memref<32x125x80xi32, #tpu.memory_space<hbm>>, %arg3: memref<80x16xf32, #tpu.memory_space<hbm>>, %arg4: memref<10240x16xf32, #tpu.memory_space<hbm>>, %arg5: memref<2x10240x16xf32, #tpu.memory_space<hbm>>, %arg6: memref<125x80xi32, #tpu.memory_space<vmem>>, %arg7: memref<80x16xf32, #tpu.memory_space<vmem>>, %arg8: memref<10240x16xf32, #tpu.memory_space<vmem_shared>>) attributes {dimension_semantics = [#tpu.dimension_semantics<core_parallel>, #tpu.dimension_semantics<subcore_parallel>], iteration_bounds = array<i64: 2, 16>, scalar_prefetch = 0 : i64, scratch_operands = 3 : i64, tpu.core_type = #tpu.core_type<sc_vector_subcore>, window_params = [{transform_indices = #map}, {transform_indices = #map1}, {transform_indices = #map1}, {transform_indices = #map}]} {
    %mul3A = arith.constant 16 : i32
    %mul3A_0 = arith.muli %arg0, %mul3A : i32
    %add3A = arith.addi %mul3A_0, %arg1 : i32
    %mul3A_1 = arith.constant 640 : i32
    %mul3A_2 = arith.muli %arg1, %mul3A_1 : i32
    "tpu.region"() ({
      %run_scoped3A = tpu.sem_alloc : memref<!tpu.dma_semaphore, #tpu.memory_space<semaphore_mem>>
      %dma_start3A = arith.constant 0 : i32
      %dma_start3A_9 = tpu.memref_slice %arg8[%mul3A_2, %dma_start3A] : memref<10240x16xf32, #tpu.memory_space<vmem_shared>> -> memref<640x16xf32, #tpu.memory_space<vmem_shared>>
      %dma_start3A_10 = arith.constant 0 : i32
      %dma_start3A_11 = tpu.memref_slice %arg4[%mul3A_2, %dma_start3A_10] : memref<10240x16xf32, #tpu.memory_space<hbm>> -> memref<640x16xf32, #tpu.memory_space<hbm>>
      tpu.enqueue_dma source(%dma_start3A_11 : memref<640x16xf32, #tpu.memory_space<hbm>>) target(%dma_start3A_9 : memref<640x16xf32, #tpu.memory_space<vmem_shared>>) target_semaphore(%run_scoped3A : memref<!tpu.dma_semaphore, #tpu.memory_space<semaphore_mem>>)
      %dma_wait3A = arith.constant 0 : i32
      %dma_wait3A_12 = tpu.memref_slice %arg8[%mul3A_2, %dma_wait3A] : memref<10240x16xf32, #tpu.memory_space<vmem_shared>> -> memref<640x16xf32, #tpu.memory_space<vmem_shared>>
      %dma_wait3A_13 = arith.constant 0 : i32
      %dma_wait3A_14 = tpu.memref_slice %arg4[%mul3A_2, %dma_wait3A_13] : memref<10240x16xf32, #tpu.memory_space<hbm>> -> memref<640x16xf32, #tpu.memory_space<hbm>>
      tpu.wait_dma2 semaphore(%run_scoped3A : memref<!tpu.dma_semaphore, #tpu.memory_space<semaphore_mem>>) src(%dma_wait3A_14 : memref<640x16xf32, #tpu.memory_space<hbm>>) dst(%dma_wait3A_12 : memref<640x16xf32, #tpu.memory_space<vmem_shared>>)
      tpu.yield
    }) : () -> ()
    "tpu.region"() ({
      %run_scoped3A = tpu.sem_alloc : memref<!tpu.dma_semaphore, #tpu.memory_space<semaphore_mem>>
      %dma_start3A = arith.constant 0 : i32
      %dma_start3A_9 = arith.constant 0 : i32
      %dma_start3A_10 = tpu.memref_slice %arg2[%add3A, %dma_start3A, %dma_start3A_9] : memref<32x125x80xi32, #tpu.memory_space<hbm>> -> memref<1x125x80xi32, #tpu.memory_space<hbm>>
      %dma_start3A_11 = tpu.memref_squeeze %dma_start3A_10 : memref<1x125x80xi32, #tpu.memory_space<hbm>> -> memref<125x80xi32, #tpu.memory_space<hbm>>
      %dma_start3A_12 = arith.constant 0 : i32
      %dma_start3A_13 = arith.constant 0 : i32
      %dma_start3A_14 = tpu.memref_slice %arg2[%add3A, %dma_start3A_12, %dma_start3A_13] : memref<32x125x80xi32, #tpu.memory_space<hbm>> -> memref<1x125x80xi32, #tpu.memory_space<hbm>>
      %dma_start3A_15 = tpu.memref_squeeze %dma_start3A_14 : memref<1x125x80xi32, #tpu.memory_space<hbm>> -> memref<125x80xi32, #tpu.memory_space<hbm>>
      tpu.enqueue_dma source(%dma_start3A_15 : memref<125x80xi32, #tpu.memory_space<hbm>>) target(%arg6 : memref<125x80xi32, #tpu.memory_space<vmem>>) target_semaphore(%run_scoped3A : memref<!tpu.dma_semaphore, #tpu.memory_space<semaphore_mem>>)
      %dma_wait3A = arith.constant 0 : i32
      %dma_wait3A_16 = arith.constant 0 : i32
      %dma_wait3A_17 = tpu.memref_slice %arg2[%add3A, %dma_wait3A, %dma_wait3A_16] : memref<32x125x80xi32, #tpu.memory_space<hbm>> -> memref<1x125x80xi32, #tpu.memory_space<hbm>>
      %dma_wait3A_18 = tpu.memref_squeeze %dma_wait3A_17 : memref<1x125x80xi32, #tpu.memory_space<hbm>> -> memref<125x80xi32, #tpu.memory_space<hbm>>
      %dma_wait3A_19 = arith.constant 0 : i32
      %dma_wait3A_20 = arith.constant 0 : i32
      %dma_wait3A_21 = tpu.memref_slice %arg2[%add3A, %dma_wait3A_19, %dma_wait3A_20] : memref<32x125x80xi32, #tpu.memory_space<hbm>> -> memref<1x125x80xi32, #tpu.memory_space<hbm>>
      %dma_wait3A_22 = tpu.memref_squeeze %dma_wait3A_21 : memref<1x125x80xi32, #tpu.memory_space<hbm>> -> memref<125x80xi32, #tpu.memory_space<hbm>>
      tpu.wait_dma2 semaphore(%run_scoped3A : memref<!tpu.dma_semaphore, #tpu.memory_space<semaphore_mem>>) src(%dma_wait3A_22 : memref<125x80xi32, #tpu.memory_space<hbm>>) dst(%arg6 : memref<125x80xi32, #tpu.memory_space<vmem>>)
      tpu.yield
    }) : () -> ()
    "tpu.region"() ({
      %run_scoped3A = tpu.sem_alloc : memref<!tpu.dma_semaphore, #tpu.memory_space<semaphore_mem>>
      tpu.enqueue_dma source(%arg3 : memref<80x16xf32, #tpu.memory_space<hbm>>) target(%arg7 : memref<80x16xf32, #tpu.memory_space<vmem>>) target_semaphore(%run_scoped3A : memref<!tpu.dma_semaphore, #tpu.memory_space<semaphore_mem>>)
      tpu.wait_dma2 semaphore(%run_scoped3A : memref<!tpu.dma_semaphore, #tpu.memory_space<semaphore_mem>>) src(%arg3 : memref<80x16xf32, #tpu.memory_space<hbm>>) dst(%arg7 : memref<80x16xf32, #tpu.memory_space<vmem>>)
      tpu.yield
    }) : () -> ()
    %barrier3A = arith.constant 0 : index
    tpu.barrier barrier_id(%barrier3A)
    %scan3A = arith.constant 0 : i32
    %scan3A_3 = arith.constant 0 : i32
    %scan3A_4 = arith.constant 125 : i32
    %scan3A_5 = arith.addi %scan3A_3, %scan3A_4 : i32
    %scan3A_6 = arith.constant 1 : i32
    scf.for %scan3A_9 = %scan3A_3 to %scan3A_5 step %scan3A_6  : i32 {
      "tpu.region"() ({
        %run_scoped3A = tpu.sem_alloc : memref<!tpu.dma_semaphore, #tpu.memory_space<semaphore_mem>>
        %dma_start3A = arith.constant 0 : i32
        %dma_start3A_10 = tpu.memref_slice %arg6[%scan3A_9, %dma_start3A] : memref<125x80xi32, #tpu.memory_space<vmem>> -> memref<1x80xi32, #tpu.memory_space<vmem>>
        %dma_start3A_11 = tpu.memref_squeeze %dma_start3A_10 : memref<1x80xi32, #tpu.memory_space<vmem>> -> memref<80xi32, #tpu.memory_space<vmem>>
        %dma_start3A_12 = arith.constant 0 : i32
        %dma_start3A_13 = arith.constant 0 : i32
        %dma_start3A_14 = tpu.memref_slice %arg8[%dma_start3A_12, %dma_start3A_13] : memref<10240x16xf32, #tpu.memory_space<vmem_shared>> -> memref<10240x16xf32, #tpu.memory_space<vmem_shared>>
        tpu.enqueue_indirect_dma source(%arg7 : memref<80x16xf32, #tpu.memory_space<vmem>>) target(%dma_start3A_14 : memref<10240x16xf32, #tpu.memory_space<vmem_shared>>) offsets(%dma_start3A_11 : memref<80xi32, #tpu.memory_space<vmem>>) semaphore(%run_scoped3A : memref<!tpu.dma_semaphore, #tpu.memory_space<semaphore_mem>>) {add = true}
        %dma_wait3A = arith.constant 0 : i32
        %dma_wait3A_15 = tpu.memref_slice %arg6[%scan3A_9, %dma_wait3A] : memref<125x80xi32, #tpu.memory_space<vmem>> -> memref<1x80xi32, #tpu.memory_space<vmem>>
        %dma_wait3A_16 = tpu.memref_squeeze %dma_wait3A_15 : memref<1x80xi32, #tpu.memory_space<vmem>> -> memref<80xi32, #tpu.memory_space<vmem>>
        %dma_wait3A_17 = arith.constant 0 : i32
        %dma_wait3A_18 = arith.constant 0 : i32
        %dma_wait3A_19 = tpu.memref_slice %arg8[%dma_wait3A_17, %dma_wait3A_18] : memref<10240x16xf32, #tpu.memory_space<vmem_shared>> -> memref<10240x16xf32, #tpu.memory_space<vmem_shared>>
        tpu.wait_indirect_dma semaphore(%run_scoped3A : memref<!tpu.dma_semaphore, #tpu.memory_space<semaphore_mem>>) src(%arg7 : memref<80x16xf32, #tpu.memory_space<vmem>>) dst(%dma_wait3A_19 : memref<10240x16xf32, #tpu.memory_space<vmem_shared>>)
        tpu.yield
      }) : () -> ()
    }
    %scan3A_7 = arith.constant 125 : i32
    %barrier3A_8 = arith.constant 0 : index
    tpu.barrier barrier_id(%barrier3A_8)
    "tpu.region"() ({
      %run_scoped3A = tpu.sem_alloc : memref<!tpu.dma_semaphore, #tpu.memory_space<semaphore_mem>>
      %dma_start3A = arith.constant 0 : i32
      %dma_start3A_9 = tpu.memref_slice %arg5[%arg0, %mul3A_2, %dma_start3A] : memref<2x10240x16xf32, #tpu.memory_space<hbm>> -> memref<1x640x16xf32, #tpu.memory_space<hbm>>
      %dma_start3A_10 = tpu.memref_squeeze %dma_start3A_9 : memref<1x640x16xf32, #tpu.memory_space<hbm>> -> memref<640x16xf32, #tpu.memory_space<hbm>>
      %dma_start3A_11 = arith.constant 0 : i32
      %dma_start3A_12 = tpu.memref_slice %arg8[%mul3A_2, %dma_start3A_11] : memref<10240x16xf32, #tpu.memory_space<vmem_shared>> -> memref<640x16xf32, #tpu.memory_space<vmem_shared>>
      tpu.enqueue_dma source(%dma_start3A_12 : memref<640x16xf32, #tpu.memory_space<vmem_shared>>) target(%dma_start3A_10 : memref<640x16xf32, #tpu.memory_space<hbm>>) target_semaphore(%run_scoped3A : memref<!tpu.dma_semaphore, #tpu.memory_space<semaphore_mem>>)
      %dma_wait3A = arith.constant 0 : i32
      %dma_wait3A_13 = tpu.memref_slice %arg5[%arg0, %mul3A_2, %dma_wait3A] : memref<2x10240x16xf32, #tpu.memory_space<hbm>> -> memref<1x640x16xf32, #tpu.memory_space<hbm>>
      %dma_wait3A_14 = tpu.memref_squeeze %dma_wait3A_13 : memref<1x640x16xf32, #tpu.memory_space<hbm>> -> memref<640x16xf32, #tpu.memory_space<hbm>>
      %dma_wait3A_15 = arith.constant 0 : i32
      %dma_wait3A_16 = tpu.memref_slice %arg8[%mul3A_2, %dma_wait3A_15] : memref<10240x16xf32, #tpu.memory_space<vmem_shared>> -> memref<640x16xf32, #tpu.memory_space<vmem_shared>>
      tpu.wait_dma2 semaphore(%run_scoped3A : memref<!tpu.dma_semaphore, #tpu.memory_space<semaphore_mem>>) src(%dma_wait3A_16 : memref<640x16xf32, #tpu.memory_space<vmem_shared>>) dst(%dma_wait3A_14 : memref<640x16xf32, #tpu.memory_space<hbm>>)
      tpu.yield
    }) : () -> ()
    return
  }
}

#map = affine_map<(d0, d1) -> (0, 0)>
#map1 = affine_map<(d0, d1) -> (0, 0, 0)>
module attributes {stable_mosaic.version = 14 : i64} {
  func.func @seg_sum(%arg0: i32, %arg1: i32, %arg2: memref<10000x64xf32, #tpu.memory_space<hbm>>, %arg3: memref<32x125x80xi32, #tpu.memory_space<hbm>>, %arg4: memref<32x125x80xi32, #tpu.memory_space<hbm>>, %arg5: memref<10240x64xf32, #tpu.memory_space<hbm>>, %arg6: memref<2x10240x64xf32, #tpu.memory_space<hbm>>, %arg7: memref<125x80xi32, #tpu.memory_space<vmem>>, %arg8: memref<125x80xi32, #tpu.memory_space<vmem>>, %arg9: memref<80x64xf32, #tpu.memory_space<vmem>>, %arg10: memref<80x64xf32, #tpu.memory_space<vmem>>, %arg11: memref<10240x64xf32, #tpu.memory_space<vmem_shared>>, %arg12: memref<!tpu.dma_semaphore, #tpu.memory_space<semaphore_mem>>, %arg13: memref<!tpu.dma_semaphore, #tpu.memory_space<semaphore_mem>>) attributes {dimension_semantics = [#tpu.dimension_semantics<core_parallel>, #tpu.dimension_semantics<subcore_parallel>], iteration_bounds = array<i64: 2, 16>, scalar_prefetch = 0 : i64, scratch_operands = 7 : i64, tpu.core_type = #tpu.core_type<sc_vector_subcore>, window_params = [{transform_indices = #map}, {transform_indices = #map1}, {transform_indices = #map1}, {transform_indices = #map}, {transform_indices = #map1}]} {
    %mul3A = arith.constant 16 : i32
    %mul3A_0 = arith.muli %arg0, %mul3A : i32
    %add3A = arith.addi %mul3A_0, %arg1 : i32
    %mul3A_1 = arith.constant 640 : i32
    %mul3A_2 = arith.muli %arg1, %mul3A_1 : i32
    "tpu.region"() ({
      %run_scoped3A = tpu.sem_alloc : memref<!tpu.dma_semaphore, #tpu.memory_space<semaphore_mem>>
      %dma_start3A_15 = arith.constant 0 : i32
      %dma_start3A_16 = tpu.memref_slice %arg11[%mul3A_2, %dma_start3A_15] : memref<10240x64xf32, #tpu.memory_space<vmem_shared>> -> memref<640x64xf32, #tpu.memory_space<vmem_shared>>
      %dma_start3A_17 = arith.constant 0 : i32
      %dma_start3A_18 = tpu.memref_slice %arg5[%mul3A_2, %dma_start3A_17] : memref<10240x64xf32, #tpu.memory_space<hbm>> -> memref<640x64xf32, #tpu.memory_space<hbm>>
      tpu.enqueue_dma source(%dma_start3A_18 : memref<640x64xf32, #tpu.memory_space<hbm>>) target(%dma_start3A_16 : memref<640x64xf32, #tpu.memory_space<vmem_shared>>) target_semaphore(%run_scoped3A : memref<!tpu.dma_semaphore, #tpu.memory_space<semaphore_mem>>)
      %dma_wait3A = arith.constant 0 : i32
      %dma_wait3A_19 = tpu.memref_slice %arg11[%mul3A_2, %dma_wait3A] : memref<10240x64xf32, #tpu.memory_space<vmem_shared>> -> memref<640x64xf32, #tpu.memory_space<vmem_shared>>
      %dma_wait3A_20 = arith.constant 0 : i32
      %dma_wait3A_21 = tpu.memref_slice %arg5[%mul3A_2, %dma_wait3A_20] : memref<10240x64xf32, #tpu.memory_space<hbm>> -> memref<640x64xf32, #tpu.memory_space<hbm>>
      tpu.wait_dma2 semaphore(%run_scoped3A : memref<!tpu.dma_semaphore, #tpu.memory_space<semaphore_mem>>) src(%dma_wait3A_21 : memref<640x64xf32, #tpu.memory_space<hbm>>) dst(%dma_wait3A_19 : memref<640x64xf32, #tpu.memory_space<vmem_shared>>)
      tpu.yield
    }) : () -> ()
    "tpu.region"() ({
      %run_scoped3A = tpu.sem_alloc : memref<!tpu.dma_semaphore, #tpu.memory_space<semaphore_mem>>
      %dma_start3A_15 = arith.constant 0 : i32
      %dma_start3A_16 = arith.constant 0 : i32
      %dma_start3A_17 = tpu.memref_slice %arg3[%add3A, %dma_start3A_15, %dma_start3A_16] : memref<32x125x80xi32, #tpu.memory_space<hbm>> -> memref<1x125x80xi32, #tpu.memory_space<hbm>>
      %dma_start3A_18 = tpu.memref_squeeze %dma_start3A_17 : memref<1x125x80xi32, #tpu.memory_space<hbm>> -> memref<125x80xi32, #tpu.memory_space<hbm>>
      %dma_start3A_19 = arith.constant 0 : i32
      %dma_start3A_20 = arith.constant 0 : i32
      %dma_start3A_21 = tpu.memref_slice %arg3[%add3A, %dma_start3A_19, %dma_start3A_20] : memref<32x125x80xi32, #tpu.memory_space<hbm>> -> memref<1x125x80xi32, #tpu.memory_space<hbm>>
      %dma_start3A_22 = tpu.memref_squeeze %dma_start3A_21 : memref<1x125x80xi32, #tpu.memory_space<hbm>> -> memref<125x80xi32, #tpu.memory_space<hbm>>
      tpu.enqueue_dma source(%dma_start3A_22 : memref<125x80xi32, #tpu.memory_space<hbm>>) target(%arg7 : memref<125x80xi32, #tpu.memory_space<vmem>>) target_semaphore(%run_scoped3A : memref<!tpu.dma_semaphore, #tpu.memory_space<semaphore_mem>>)
      %dma_wait3A = arith.constant 0 : i32
      %dma_wait3A_23 = arith.constant 0 : i32
      %dma_wait3A_24 = tpu.memref_slice %arg3[%add3A, %dma_wait3A, %dma_wait3A_23] : memref<32x125x80xi32, #tpu.memory_space<hbm>> -> memref<1x125x80xi32, #tpu.memory_space<hbm>>
      %dma_wait3A_25 = tpu.memref_squeeze %dma_wait3A_24 : memref<1x125x80xi32, #tpu.memory_space<hbm>> -> memref<125x80xi32, #tpu.memory_space<hbm>>
      %dma_wait3A_26 = arith.constant 0 : i32
      %dma_wait3A_27 = arith.constant 0 : i32
      %dma_wait3A_28 = tpu.memref_slice %arg3[%add3A, %dma_wait3A_26, %dma_wait3A_27] : memref<32x125x80xi32, #tpu.memory_space<hbm>> -> memref<1x125x80xi32, #tpu.memory_space<hbm>>
      %dma_wait3A_29 = tpu.memref_squeeze %dma_wait3A_28 : memref<1x125x80xi32, #tpu.memory_space<hbm>> -> memref<125x80xi32, #tpu.memory_space<hbm>>
      tpu.wait_dma2 semaphore(%run_scoped3A : memref<!tpu.dma_semaphore, #tpu.memory_space<semaphore_mem>>) src(%dma_wait3A_29 : memref<125x80xi32, #tpu.memory_space<hbm>>) dst(%arg7 : memref<125x80xi32, #tpu.memory_space<vmem>>)
      tpu.yield
    }) : () -> ()
    "tpu.region"() ({
      %run_scoped3A = tpu.sem_alloc : memref<!tpu.dma_semaphore, #tpu.memory_space<semaphore_mem>>
      %dma_start3A_15 = arith.constant 0 : i32
      %dma_start3A_16 = arith.constant 0 : i32
      %dma_start3A_17 = tpu.memref_slice %arg4[%add3A, %dma_start3A_15, %dma_start3A_16] : memref<32x125x80xi32, #tpu.memory_space<hbm>> -> memref<1x125x80xi32, #tpu.memory_space<hbm>>
      %dma_start3A_18 = tpu.memref_squeeze %dma_start3A_17 : memref<1x125x80xi32, #tpu.memory_space<hbm>> -> memref<125x80xi32, #tpu.memory_space<hbm>>
      %dma_start3A_19 = arith.constant 0 : i32
      %dma_start3A_20 = arith.constant 0 : i32
      %dma_start3A_21 = tpu.memref_slice %arg4[%add3A, %dma_start3A_19, %dma_start3A_20] : memref<32x125x80xi32, #tpu.memory_space<hbm>> -> memref<1x125x80xi32, #tpu.memory_space<hbm>>
      %dma_start3A_22 = tpu.memref_squeeze %dma_start3A_21 : memref<1x125x80xi32, #tpu.memory_space<hbm>> -> memref<125x80xi32, #tpu.memory_space<hbm>>
      tpu.enqueue_dma source(%dma_start3A_22 : memref<125x80xi32, #tpu.memory_space<hbm>>) target(%arg8 : memref<125x80xi32, #tpu.memory_space<vmem>>) target_semaphore(%run_scoped3A : memref<!tpu.dma_semaphore, #tpu.memory_space<semaphore_mem>>)
      %dma_wait3A = arith.constant 0 : i32
      %dma_wait3A_23 = arith.constant 0 : i32
      %dma_wait3A_24 = tpu.memref_slice %arg4[%add3A, %dma_wait3A, %dma_wait3A_23] : memref<32x125x80xi32, #tpu.memory_space<hbm>> -> memref<1x125x80xi32, #tpu.memory_space<hbm>>
      %dma_wait3A_25 = tpu.memref_squeeze %dma_wait3A_24 : memref<1x125x80xi32, #tpu.memory_space<hbm>> -> memref<125x80xi32, #tpu.memory_space<hbm>>
      %dma_wait3A_26 = arith.constant 0 : i32
      %dma_wait3A_27 = arith.constant 0 : i32
      %dma_wait3A_28 = tpu.memref_slice %arg4[%add3A, %dma_wait3A_26, %dma_wait3A_27] : memref<32x125x80xi32, #tpu.memory_space<hbm>> -> memref<1x125x80xi32, #tpu.memory_space<hbm>>
      %dma_wait3A_29 = tpu.memref_squeeze %dma_wait3A_28 : memref<1x125x80xi32, #tpu.memory_space<hbm>> -> memref<125x80xi32, #tpu.memory_space<hbm>>
      tpu.wait_dma2 semaphore(%run_scoped3A : memref<!tpu.dma_semaphore, #tpu.memory_space<semaphore_mem>>) src(%dma_wait3A_29 : memref<125x80xi32, #tpu.memory_space<hbm>>) dst(%arg8 : memref<125x80xi32, #tpu.memory_space<vmem>>)
      tpu.yield
    }) : () -> ()
    %barrier3A = arith.constant 0 : index
    tpu.barrier barrier_id(%barrier3A)
    %dma_start3A = arith.constant 0 : i32
    %dma_start3A_3 = arith.constant 0 : i32
    %dma_start3A_4 = tpu.memref_slice %arg7[%dma_start3A, %dma_start3A_3] : memref<125x80xi32, #tpu.memory_space<vmem>> -> memref<1x80xi32, #tpu.memory_space<vmem>>
    %dma_start3A_5 = tpu.memref_squeeze %dma_start3A_4 : memref<1x80xi32, #tpu.memory_space<vmem>> -> memref<80xi32, #tpu.memory_space<vmem>>
    %dma_start3A_6 = arith.constant 0 : i32
    %dma_start3A_7 = arith.constant 0 : i32
    %dma_start3A_8 = tpu.memref_slice %arg2[%dma_start3A_6, %dma_start3A_7] : memref<10000x64xf32, #tpu.memory_space<hbm>> -> memref<10000x64xf32, #tpu.memory_space<hbm>>
    tpu.enqueue_indirect_dma source(%dma_start3A_8 : memref<10000x64xf32, #tpu.memory_space<hbm>>) target(%arg9 : memref<80x64xf32, #tpu.memory_space<vmem>>) offsets(%dma_start3A_5 : memref<80xi32, #tpu.memory_space<vmem>>) semaphore(%arg12 : memref<!tpu.dma_semaphore, #tpu.memory_space<semaphore_mem>>)
    %scan3A = arith.constant 0 : i32
    %scan3A_9 = arith.constant 0 : i32
    %scan3A_10 = arith.constant 125 : i32
    %scan3A_11 = arith.addi %scan3A_9, %scan3A_10 : i32
    %scan3A_12 = arith.constant 1 : i32
    scf.for %scan3A_15 = %scan3A_9 to %scan3A_11 step %scan3A_12  : i32 {
      %jit3A = arith.constant 2 : i32
      %eq3A = arith.constant 0 : i32
      %eq3A_16 = arith.cmpi eq, %jit3A, %eq3A : i32
      %jit3A_17 = arith.constant 1 : i32
      %select_n3A = arith.select %eq3A_16, %jit3A_17, %jit3A : i32
      %rem3A = arith.remsi %scan3A_15, %select_n3A : i32
      %ne3A = arith.constant 0 : i32
      %ne3A_18 = arith.cmpi ne, %rem3A, %ne3A : i32
      %lt3A = arith.constant 0 : i32
      %lt3A_19 = arith.cmpi slt, %rem3A, %lt3A : i32
      %lt3A_20 = arith.constant 0 : i32
      %lt3A_21 = arith.cmpi slt, %select_n3A, %lt3A_20 : i32
      %ne3A_22 = arith.xori %lt3A_19, %lt3A_21 : i1
      %and3A = arith.andi %ne3A_22, %ne3A_18 : i1
      %add3A_23 = arith.addi %rem3A, %select_n3A : i32
      %select_n3A_24 = arith.select %and3A, %add3A_23, %rem3A : i32
      %eq3A_25 = arith.constant 0 : i32
      %eq3A_26 = arith.cmpi eq, %select_n3A_24, %eq3A_25 : i32
      %convert_element_type3A = arith.extui %eq3A_26 : i1 to i32
      %cond3A = arith.constant 0 : i32
      %cond3A_27 = arith.cmpi ne, %convert_element_type3A, %cond3A : i32
      scf.if %cond3A_27 {
        %add3A_49 = arith.constant 1 : i32
        %add3A_50 = arith.addi %scan3A_15, %add3A_49 : i32
        %lt3A_51 = arith.constant 125 : i32
        %lt3A_52 = arith.cmpi slt, %add3A_50, %lt3A_51 : i32
        %convert_element_type3A_53 = arith.extui %lt3A_52 : i1 to i32
        %cond3A_54 = arith.constant 0 : i32
        %cond3A_55 = arith.cmpi ne, %convert_element_type3A_53, %cond3A_54 : i32
        scf.if %cond3A_55 {
          %add3A_61 = arith.constant 1 : i32
          %add3A_62 = arith.addi %scan3A_15, %add3A_61 : i32
          %dma_start3A_63 = arith.constant 0 : i32
          %dma_start3A_64 = tpu.memref_slice %arg7[%add3A_62, %dma_start3A_63] : memref<125x80xi32, #tpu.memory_space<vmem>> -> memref<1x80xi32, #tpu.memory_space<vmem>>
          %dma_start3A_65 = tpu.memref_squeeze %dma_start3A_64 : memref<1x80xi32, #tpu.memory_space<vmem>> -> memref<80xi32, #tpu.memory_space<vmem>>
          %dma_start3A_66 = arith.constant 0 : i32
          %dma_start3A_67 = arith.constant 0 : i32
          %dma_start3A_68 = tpu.memref_slice %arg2[%dma_start3A_66, %dma_start3A_67] : memref<10000x64xf32, #tpu.memory_space<hbm>> -> memref<10000x64xf32, #tpu.memory_space<hbm>>
          tpu.enqueue_indirect_dma source(%dma_start3A_68 : memref<10000x64xf32, #tpu.memory_space<hbm>>) target(%arg10 : memref<80x64xf32, #tpu.memory_space<vmem>>) offsets(%dma_start3A_65 : memref<80xi32, #tpu.memory_space<vmem>>) semaphore(%arg13 : memref<!tpu.dma_semaphore, #tpu.memory_space<semaphore_mem>>)
        } else {
        }
        %dma_wait3A = arith.constant 0 : i32
        %dma_wait3A_56 = tpu.memref_slice %arg7[%scan3A_15, %dma_wait3A] : memref<125x80xi32, #tpu.memory_space<vmem>> -> memref<1x80xi32, #tpu.memory_space<vmem>>
        %dma_wait3A_57 = tpu.memref_squeeze %dma_wait3A_56 : memref<1x80xi32, #tpu.memory_space<vmem>> -> memref<80xi32, #tpu.memory_space<vmem>>
        %dma_wait3A_58 = arith.constant 0 : i32
        %dma_wait3A_59 = arith.constant 0 : i32
        %dma_wait3A_60 = tpu.memref_slice %arg2[%dma_wait3A_58, %dma_wait3A_59] : memref<10000x64xf32, #tpu.memory_space<hbm>> -> memref<10000x64xf32, #tpu.memory_space<hbm>>
        tpu.wait_indirect_dma semaphore(%arg12 : memref<!tpu.dma_semaphore, #tpu.memory_space<semaphore_mem>>) src(%dma_wait3A_60 : memref<10000x64xf32, #tpu.memory_space<hbm>>) dst(%arg9 : memref<80x64xf32, #tpu.memory_space<vmem>>)
        "tpu.region"() ({
          %run_scoped3A = tpu.sem_alloc : memref<!tpu.dma_semaphore, #tpu.memory_space<semaphore_mem>>
          %dma_start3A_61 = arith.constant 0 : i32
          %dma_start3A_62 = tpu.memref_slice %arg8[%scan3A_15, %dma_start3A_61] : memref<125x80xi32, #tpu.memory_space<vmem>> -> memref<1x80xi32, #tpu.memory_space<vmem>>
          %dma_start3A_63 = tpu.memref_squeeze %dma_start3A_62 : memref<1x80xi32, #tpu.memory_space<vmem>> -> memref<80xi32, #tpu.memory_space<vmem>>
          %dma_start3A_64 = arith.constant 0 : i32
          %dma_start3A_65 = arith.constant 0 : i32
          %dma_start3A_66 = tpu.memref_slice %arg11[%dma_start3A_64, %dma_start3A_65] : memref<10240x64xf32, #tpu.memory_space<vmem_shared>> -> memref<10240x64xf32, #tpu.memory_space<vmem_shared>>
          tpu.enqueue_indirect_dma source(%arg9 : memref<80x64xf32, #tpu.memory_space<vmem>>) target(%dma_start3A_66 : memref<10240x64xf32, #tpu.memory_space<vmem_shared>>) offsets(%dma_start3A_63 : memref<80xi32, #tpu.memory_space<vmem>>) semaphore(%run_scoped3A : memref<!tpu.dma_semaphore, #tpu.memory_space<semaphore_mem>>) {add = true}
          %dma_wait3A_67 = arith.constant 0 : i32
          %dma_wait3A_68 = tpu.memref_slice %arg8[%scan3A_15, %dma_wait3A_67] : memref<125x80xi32, #tpu.memory_space<vmem>> -> memref<1x80xi32, #tpu.memory_space<vmem>>
          %dma_wait3A_69 = tpu.memref_squeeze %dma_wait3A_68 : memref<1x80xi32, #tpu.memory_space<vmem>> -> memref<80xi32, #tpu.memory_space<vmem>>
          %dma_wait3A_70 = arith.constant 0 : i32
          %dma_wait3A_71 = arith.constant 0 : i32
          %dma_wait3A_72 = tpu.memref_slice %arg11[%dma_wait3A_70, %dma_wait3A_71] : memref<10240x64xf32, #tpu.memory_space<vmem_shared>> -> memref<10240x64xf32, #tpu.memory_space<vmem_shared>>
          tpu.wait_indirect_dma semaphore(%run_scoped3A : memref<!tpu.dma_semaphore, #tpu.memory_space<semaphore_mem>>) src(%arg9 : memref<80x64xf32, #tpu.memory_space<vmem>>) dst(%dma_wait3A_72 : memref<10240x64xf32, #tpu.memory_space<vmem_shared>>)
          tpu.yield
        }) : () -> ()
      } else {
      }
      %jit3A_28 = arith.constant 2 : i32
      %eq3A_29 = arith.constant 0 : i32
      %eq3A_30 = arith.cmpi eq, %jit3A_28, %eq3A_29 : i32
      %jit3A_31 = arith.constant 1 : i32
      %select_n3A_32 = arith.select %eq3A_30, %jit3A_31, %jit3A_28 : i32
      %rem3A_33 = arith.remsi %scan3A_15, %select_n3A_32 : i32
      %ne3A_34 = arith.constant 0 : i32
      %ne3A_35 = arith.cmpi ne, %rem3A_33, %ne3A_34 : i32
      %lt3A_36 = arith.constant 0 : i32
      %lt3A_37 = arith.cmpi slt, %rem3A_33, %lt3A_36 : i32
      %lt3A_38 = arith.constant 0 : i32
      %lt3A_39 = arith.cmpi slt, %select_n3A_32, %lt3A_38 : i32
      %ne3A_40 = arith.xori %lt3A_37, %lt3A_39 : i1
      %and3A_41 = arith.andi %ne3A_40, %ne3A_35 : i1
      %add3A_42 = arith.addi %rem3A_33, %select_n3A_32 : i32
      %select_n3A_43 = arith.select %and3A_41, %add3A_42, %rem3A_33 : i32
      %eq3A_44 = arith.constant 1 : i32
      %eq3A_45 = arith.cmpi eq, %select_n3A_43, %eq3A_44 : i32
      %convert_element_type3A_46 = arith.extui %eq3A_45 : i1 to i32
      %cond3A_47 = arith.constant 0 : i32
      %cond3A_48 = arith.cmpi ne, %convert_element_type3A_46, %cond3A_47 : i32
      scf.if %cond3A_48 {
        %add3A_49 = arith.constant 1 : i32
        %add3A_50 = arith.addi %scan3A_15, %add3A_49 : i32
        %lt3A_51 = arith.constant 125 : i32
        %lt3A_52 = arith.cmpi slt, %add3A_50, %lt3A_51 : i32
        %convert_element_type3A_53 = arith.extui %lt3A_52 : i1 to i32
        %cond3A_54 = arith.constant 0 : i32
        %cond3A_55 = arith.cmpi ne, %convert_element_type3A_53, %cond3A_54 : i32
        scf.if %cond3A_55 {
          %add3A_61 = arith.constant 1 : i32
          %add3A_62 = arith.addi %scan3A_15, %add3A_61 : i32
          %dma_start3A_63 = arith.constant 0 : i32
          %dma_start3A_64 = tpu.memref_slice %arg7[%add3A_62, %dma_start3A_63] : memref<125x80xi32, #tpu.memory_space<vmem>> -> memref<1x80xi32, #tpu.memory_space<vmem>>
          %dma_start3A_65 = tpu.memref_squeeze %dma_start3A_64 : memref<1x80xi32, #tpu.memory_space<vmem>> -> memref<80xi32, #tpu.memory_space<vmem>>
          %dma_start3A_66 = arith.constant 0 : i32
          %dma_start3A_67 = arith.constant 0 : i32
          %dma_start3A_68 = tpu.memref_slice %arg2[%dma_start3A_66, %dma_start3A_67] : memref<10000x64xf32, #tpu.memory_space<hbm>> -> memref<10000x64xf32, #tpu.memory_space<hbm>>
          tpu.enqueue_indirect_dma source(%dma_start3A_68 : memref<10000x64xf32, #tpu.memory_space<hbm>>) target(%arg9 : memref<80x64xf32, #tpu.memory_space<vmem>>) offsets(%dma_start3A_65 : memref<80xi32, #tpu.memory_space<vmem>>) semaphore(%arg12 : memref<!tpu.dma_semaphore, #tpu.memory_space<semaphore_mem>>)
        } else {
        }
        %dma_wait3A = arith.constant 0 : i32
        %dma_wait3A_56 = tpu.memref_slice %arg7[%scan3A_15, %dma_wait3A] : memref<125x80xi32, #tpu.memory_space<vmem>> -> memref<1x80xi32, #tpu.memory_space<vmem>>
        %dma_wait3A_57 = tpu.memref_squeeze %dma_wait3A_56 : memref<1x80xi32, #tpu.memory_space<vmem>> -> memref<80xi32, #tpu.memory_space<vmem>>
        %dma_wait3A_58 = arith.constant 0 : i32
        %dma_wait3A_59 = arith.constant 0 : i32
        %dma_wait3A_60 = tpu.memref_slice %arg2[%dma_wait3A_58, %dma_wait3A_59] : memref<10000x64xf32, #tpu.memory_space<hbm>> -> memref<10000x64xf32, #tpu.memory_space<hbm>>
        tpu.wait_indirect_dma semaphore(%arg13 : memref<!tpu.dma_semaphore, #tpu.memory_space<semaphore_mem>>) src(%dma_wait3A_60 : memref<10000x64xf32, #tpu.memory_space<hbm>>) dst(%arg10 : memref<80x64xf32, #tpu.memory_space<vmem>>)
        "tpu.region"() ({
          %run_scoped3A = tpu.sem_alloc : memref<!tpu.dma_semaphore, #tpu.memory_space<semaphore_mem>>
          %dma_start3A_61 = arith.constant 0 : i32
          %dma_start3A_62 = tpu.memref_slice %arg8[%scan3A_15, %dma_start3A_61] : memref<125x80xi32, #tpu.memory_space<vmem>> -> memref<1x80xi32, #tpu.memory_space<vmem>>
          %dma_start3A_63 = tpu.memref_squeeze %dma_start3A_62 : memref<1x80xi32, #tpu.memory_space<vmem>> -> memref<80xi32, #tpu.memory_space<vmem>>
          %dma_start3A_64 = arith.constant 0 : i32
          %dma_start3A_65 = arith.constant 0 : i32
          %dma_start3A_66 = tpu.memref_slice %arg11[%dma_start3A_64, %dma_start3A_65] : memref<10240x64xf32, #tpu.memory_space<vmem_shared>> -> memref<10240x64xf32, #tpu.memory_space<vmem_shared>>
          tpu.enqueue_indirect_dma source(%arg10 : memref<80x64xf32, #tpu.memory_space<vmem>>) target(%dma_start3A_66 : memref<10240x64xf32, #tpu.memory_space<vmem_shared>>) offsets(%dma_start3A_63 : memref<80xi32, #tpu.memory_space<vmem>>) semaphore(%run_scoped3A : memref<!tpu.dma_semaphore, #tpu.memory_space<semaphore_mem>>) {add = true}
          %dma_wait3A_67 = arith.constant 0 : i32
          %dma_wait3A_68 = tpu.memref_slice %arg8[%scan3A_15, %dma_wait3A_67] : memref<125x80xi32, #tpu.memory_space<vmem>> -> memref<1x80xi32, #tpu.memory_space<vmem>>
          %dma_wait3A_69 = tpu.memref_squeeze %dma_wait3A_68 : memref<1x80xi32, #tpu.memory_space<vmem>> -> memref<80xi32, #tpu.memory_space<vmem>>
          %dma_wait3A_70 = arith.constant 0 : i32
          %dma_wait3A_71 = arith.constant 0 : i32
          %dma_wait3A_72 = tpu.memref_slice %arg11[%dma_wait3A_70, %dma_wait3A_71] : memref<10240x64xf32, #tpu.memory_space<vmem_shared>> -> memref<10240x64xf32, #tpu.memory_space<vmem_shared>>
          tpu.wait_indirect_dma semaphore(%run_scoped3A : memref<!tpu.dma_semaphore, #tpu.memory_space<semaphore_mem>>) src(%arg10 : memref<80x64xf32, #tpu.memory_space<vmem>>) dst(%dma_wait3A_72 : memref<10240x64xf32, #tpu.memory_space<vmem_shared>>)
          tpu.yield
        }) : () -> ()
      } else {
      }
    }
    %scan3A_13 = arith.constant 125 : i32
    %barrier3A_14 = arith.constant 0 : index
    tpu.barrier barrier_id(%barrier3A_14)
    "tpu.region"() ({
      %run_scoped3A = tpu.sem_alloc : memref<!tpu.dma_semaphore, #tpu.memory_space<semaphore_mem>>
      %dma_start3A_15 = arith.constant 0 : i32
      %dma_start3A_16 = tpu.memref_slice %arg6[%arg0, %mul3A_2, %dma_start3A_15] : memref<2x10240x64xf32, #tpu.memory_space<hbm>> -> memref<1x640x64xf32, #tpu.memory_space<hbm>>
      %dma_start3A_17 = tpu.memref_squeeze %dma_start3A_16 : memref<1x640x64xf32, #tpu.memory_space<hbm>> -> memref<640x64xf32, #tpu.memory_space<hbm>>
      %dma_start3A_18 = arith.constant 0 : i32
      %dma_start3A_19 = tpu.memref_slice %arg11[%mul3A_2, %dma_start3A_18] : memref<10240x64xf32, #tpu.memory_space<vmem_shared>> -> memref<640x64xf32, #tpu.memory_space<vmem_shared>>
      tpu.enqueue_dma source(%dma_start3A_19 : memref<640x64xf32, #tpu.memory_space<vmem_shared>>) target(%dma_start3A_17 : memref<640x64xf32, #tpu.memory_space<hbm>>) target_semaphore(%run_scoped3A : memref<!tpu.dma_semaphore, #tpu.memory_space<semaphore_mem>>)
      %dma_wait3A = arith.constant 0 : i32
      %dma_wait3A_20 = tpu.memref_slice %arg6[%arg0, %mul3A_2, %dma_wait3A] : memref<2x10240x64xf32, #tpu.memory_space<hbm>> -> memref<1x640x64xf32, #tpu.memory_space<hbm>>
      %dma_wait3A_21 = tpu.memref_squeeze %dma_wait3A_20 : memref<1x640x64xf32, #tpu.memory_space<hbm>> -> memref<640x64xf32, #tpu.memory_space<hbm>>
      %dma_wait3A_22 = arith.constant 0 : i32
      %dma_wait3A_23 = tpu.memref_slice %arg11[%mul3A_2, %dma_wait3A_22] : memref<10240x64xf32, #tpu.memory_space<vmem_shared>> -> memref<640x64xf32, #tpu.memory_space<vmem_shared>>
      tpu.wait_dma2 semaphore(%run_scoped3A : memref<!tpu.dma_semaphore, #tpu.memory_space<semaphore_mem>>) src(%dma_wait3A_23 : memref<640x64xf32, #tpu.memory_space<vmem_shared>>) dst(%dma_wait3A_21 : memref<640x64xf32, #tpu.memory_space<hbm>>)
      tpu.yield
    }) : () -> ()
    return
  }
}

#map = affine_map<(d0, d1) -> (0, 0)>
#map1 = affine_map<(d0, d1) -> (0, 0, 0)>
#map2 = affine_map<(d0, d1) -> (0)>
module attributes {stable_mosaic.version = 14 : i64} {
  func.func @_gat_kernel(%arg0: i32, %arg1: i32, %arg2: memref<10000x128xf32, #tpu.memory_space<hbm>>, %arg3: memref<10000x16xf32, #tpu.memory_space<hbm>>, %arg4: memref<10000x16xf32, #tpu.memory_space<hbm>>, %arg5: memref<32x125x80xi32, #tpu.memory_space<hbm>>, %arg6: memref<32x125x80xi32, #tpu.memory_space<hbm>>, %arg7: memref<16xf32, #tpu.memory_space<hbm>>, %arg8: memref<16xf32, #tpu.memory_space<hbm>>, %arg9: memref<10240x128xf32, #tpu.memory_space<hbm>>, %arg10: memref<10240x16xf32, #tpu.memory_space<hbm>>, %arg11: memref<2x10240x128xf32, #tpu.memory_space<hbm>>, %arg12: memref<2x10240x16xf32, #tpu.memory_space<hbm>>, %arg13: memref<125x80xi32, #tpu.memory_space<vmem>>, %arg14: memref<125x80xi32, #tpu.memory_space<vmem>>, %arg15: memref<80x16xf32, #tpu.memory_space<vmem>>, %arg16: memref<80x16xf32, #tpu.memory_space<vmem>>, %arg17: memref<80x128xf32, #tpu.memory_space<vmem>>, %arg18: memref<16xf32, #tpu.memory_space<vmem>>, %arg19: memref<16xf32, #tpu.memory_space<vmem>>, %arg20: memref<10240x128xf32, #tpu.memory_space<vmem_shared>>, %arg21: memref<10240x16xf32, #tpu.memory_space<vmem_shared>>, %arg22: memref<!tpu.dma_semaphore, #tpu.memory_space<semaphore_mem>>, %arg23: memref<!tpu.dma_semaphore, #tpu.memory_space<semaphore_mem>>, %arg24: memref<!tpu.dma_semaphore, #tpu.memory_space<semaphore_mem>>) attributes {dimension_semantics = [#tpu.dimension_semantics<core_parallel>, #tpu.dimension_semantics<subcore_parallel>], iteration_bounds = array<i64: 2, 16>, scalar_prefetch = 0 : i64, scratch_operands = 12 : i64, tpu.core_type = #tpu.core_type<sc_vector_subcore>, window_params = [{transform_indices = #map}, {transform_indices = #map}, {transform_indices = #map}, {transform_indices = #map1}, {transform_indices = #map1}, {transform_indices = #map2}, {transform_indices = #map2}, {transform_indices = #map}, {transform_indices = #map}, {transform_indices = #map1}, {transform_indices = #map1}]} {
    %mul3A = arith.constant 16 : i32
    %mul3A_0 = arith.muli %arg0, %mul3A : i32
    %add3A = arith.addi %mul3A_0, %arg1 : i32
    %mul3A_1 = arith.constant 640 : i32
    %mul3A_2 = arith.muli %arg1, %mul3A_1 : i32
    "tpu.region"() ({
      %run_scoped3A = tpu.sem_alloc : memref<!tpu.dma_semaphore, #tpu.memory_space<semaphore_mem>>
      %dma_start3A = arith.constant 0 : i32
      %dma_start3A_20 = tpu.memref_slice %arg20[%mul3A_2, %dma_start3A] : memref<10240x128xf32, #tpu.memory_space<vmem_shared>> -> memref<640x128xf32, #tpu.memory_space<vmem_shared>>
      %dma_start3A_21 = arith.constant 0 : i32
      %dma_start3A_22 = tpu.memref_slice %arg9[%mul3A_2, %dma_start3A_21] : memref<10240x128xf32, #tpu.memory_space<hbm>> -> memref<640x128xf32, #tpu.memory_space<hbm>>
      tpu.enqueue_dma source(%dma_start3A_22 : memref<640x128xf32, #tpu.memory_space<hbm>>) target(%dma_start3A_20 : memref<640x128xf32, #tpu.memory_space<vmem_shared>>) target_semaphore(%run_scoped3A : memref<!tpu.dma_semaphore, #tpu.memory_space<semaphore_mem>>)
      %dma_wait3A = arith.constant 0 : i32
      %dma_wait3A_23 = tpu.memref_slice %arg20[%mul3A_2, %dma_wait3A] : memref<10240x128xf32, #tpu.memory_space<vmem_shared>> -> memref<640x128xf32, #tpu.memory_space<vmem_shared>>
      %dma_wait3A_24 = arith.constant 0 : i32
      %dma_wait3A_25 = tpu.memref_slice %arg9[%mul3A_2, %dma_wait3A_24] : memref<10240x128xf32, #tpu.memory_space<hbm>> -> memref<640x128xf32, #tpu.memory_space<hbm>>
      tpu.wait_dma2 semaphore(%run_scoped3A : memref<!tpu.dma_semaphore, #tpu.memory_space<semaphore_mem>>) src(%dma_wait3A_25 : memref<640x128xf32, #tpu.memory_space<hbm>>) dst(%dma_wait3A_23 : memref<640x128xf32, #tpu.memory_space<vmem_shared>>)
      tpu.yield
    }) : () -> ()
    "tpu.region"() ({
      %run_scoped3A = tpu.sem_alloc : memref<!tpu.dma_semaphore, #tpu.memory_space<semaphore_mem>>
      %dma_start3A = arith.constant 0 : i32
      %dma_start3A_20 = tpu.memref_slice %arg21[%mul3A_2, %dma_start3A] : memref<10240x16xf32, #tpu.memory_space<vmem_shared>> -> memref<640x16xf32, #tpu.memory_space<vmem_shared>>
      %dma_start3A_21 = arith.constant 0 : i32
      %dma_start3A_22 = tpu.memref_slice %arg10[%mul3A_2, %dma_start3A_21] : memref<10240x16xf32, #tpu.memory_space<hbm>> -> memref<640x16xf32, #tpu.memory_space<hbm>>
      tpu.enqueue_dma source(%dma_start3A_22 : memref<640x16xf32, #tpu.memory_space<hbm>>) target(%dma_start3A_20 : memref<640x16xf32, #tpu.memory_space<vmem_shared>>) target_semaphore(%run_scoped3A : memref<!tpu.dma_semaphore, #tpu.memory_space<semaphore_mem>>)
      %dma_wait3A = arith.constant 0 : i32
      %dma_wait3A_23 = tpu.memref_slice %arg21[%mul3A_2, %dma_wait3A] : memref<10240x16xf32, #tpu.memory_space<vmem_shared>> -> memref<640x16xf32, #tpu.memory_space<vmem_shared>>
      %dma_wait3A_24 = arith.constant 0 : i32
      %dma_wait3A_25 = tpu.memref_slice %arg10[%mul3A_2, %dma_wait3A_24] : memref<10240x16xf32, #tpu.memory_space<hbm>> -> memref<640x16xf32, #tpu.memory_space<hbm>>
      tpu.wait_dma2 semaphore(%run_scoped3A : memref<!tpu.dma_semaphore, #tpu.memory_space<semaphore_mem>>) src(%dma_wait3A_25 : memref<640x16xf32, #tpu.memory_space<hbm>>) dst(%dma_wait3A_23 : memref<640x16xf32, #tpu.memory_space<vmem_shared>>)
      tpu.yield
    }) : () -> ()
    "tpu.region"() ({
      %run_scoped3A = tpu.sem_alloc : memref<!tpu.dma_semaphore, #tpu.memory_space<semaphore_mem>>
      tpu.enqueue_dma source(%arg7 : memref<16xf32, #tpu.memory_space<hbm>>) target(%arg18 : memref<16xf32, #tpu.memory_space<vmem>>) target_semaphore(%run_scoped3A : memref<!tpu.dma_semaphore, #tpu.memory_space<semaphore_mem>>)
      tpu.wait_dma2 semaphore(%run_scoped3A : memref<!tpu.dma_semaphore, #tpu.memory_space<semaphore_mem>>) src(%arg7 : memref<16xf32, #tpu.memory_space<hbm>>) dst(%arg18 : memref<16xf32, #tpu.memory_space<vmem>>)
      tpu.yield
    }) : () -> ()
    "tpu.region"() ({
      %run_scoped3A = tpu.sem_alloc : memref<!tpu.dma_semaphore, #tpu.memory_space<semaphore_mem>>
      tpu.enqueue_dma source(%arg8 : memref<16xf32, #tpu.memory_space<hbm>>) target(%arg19 : memref<16xf32, #tpu.memory_space<vmem>>) target_semaphore(%run_scoped3A : memref<!tpu.dma_semaphore, #tpu.memory_space<semaphore_mem>>)
      tpu.wait_dma2 semaphore(%run_scoped3A : memref<!tpu.dma_semaphore, #tpu.memory_space<semaphore_mem>>) src(%arg8 : memref<16xf32, #tpu.memory_space<hbm>>) dst(%arg19 : memref<16xf32, #tpu.memory_space<vmem>>)
      tpu.yield
    }) : () -> ()
    "tpu.region"() ({
      %run_scoped3A = tpu.sem_alloc : memref<!tpu.dma_semaphore, #tpu.memory_space<semaphore_mem>>
      %dma_start3A = arith.constant 0 : i32
      %dma_start3A_20 = arith.constant 0 : i32
      %dma_start3A_21 = tpu.memref_slice %arg5[%add3A, %dma_start3A, %dma_start3A_20] : memref<32x125x80xi32, #tpu.memory_space<hbm>> -> memref<1x125x80xi32, #tpu.memory_space<hbm>>
      %dma_start3A_22 = tpu.memref_squeeze %dma_start3A_21 : memref<1x125x80xi32, #tpu.memory_space<hbm>> -> memref<125x80xi32, #tpu.memory_space<hbm>>
      %dma_start3A_23 = arith.constant 0 : i32
      %dma_start3A_24 = arith.constant 0 : i32
      %dma_start3A_25 = tpu.memref_slice %arg5[%add3A, %dma_start3A_23, %dma_start3A_24] : memref<32x125x80xi32, #tpu.memory_space<hbm>> -> memref<1x125x80xi32, #tpu.memory_space<hbm>>
      %dma_start3A_26 = tpu.memref_squeeze %dma_start3A_25 : memref<1x125x80xi32, #tpu.memory_space<hbm>> -> memref<125x80xi32, #tpu.memory_space<hbm>>
      tpu.enqueue_dma source(%dma_start3A_26 : memref<125x80xi32, #tpu.memory_space<hbm>>) target(%arg13 : memref<125x80xi32, #tpu.memory_space<vmem>>) target_semaphore(%run_scoped3A : memref<!tpu.dma_semaphore, #tpu.memory_space<semaphore_mem>>)
      %dma_wait3A = arith.constant 0 : i32
      %dma_wait3A_27 = arith.constant 0 : i32
      %dma_wait3A_28 = tpu.memref_slice %arg5[%add3A, %dma_wait3A, %dma_wait3A_27] : memref<32x125x80xi32, #tpu.memory_space<hbm>> -> memref<1x125x80xi32, #tpu.memory_space<hbm>>
      %dma_wait3A_29 = tpu.memref_squeeze %dma_wait3A_28 : memref<1x125x80xi32, #tpu.memory_space<hbm>> -> memref<125x80xi32, #tpu.memory_space<hbm>>
      %dma_wait3A_30 = arith.constant 0 : i32
      %dma_wait3A_31 = arith.constant 0 : i32
      %dma_wait3A_32 = tpu.memref_slice %arg5[%add3A, %dma_wait3A_30, %dma_wait3A_31] : memref<32x125x80xi32, #tpu.memory_space<hbm>> -> memref<1x125x80xi32, #tpu.memory_space<hbm>>
      %dma_wait3A_33 = tpu.memref_squeeze %dma_wait3A_32 : memref<1x125x80xi32, #tpu.memory_space<hbm>> -> memref<125x80xi32, #tpu.memory_space<hbm>>
      tpu.wait_dma2 semaphore(%run_scoped3A : memref<!tpu.dma_semaphore, #tpu.memory_space<semaphore_mem>>) src(%dma_wait3A_33 : memref<125x80xi32, #tpu.memory_space<hbm>>) dst(%arg13 : memref<125x80xi32, #tpu.memory_space<vmem>>)
      tpu.yield
    }) : () -> ()
    "tpu.region"() ({
      %run_scoped3A = tpu.sem_alloc : memref<!tpu.dma_semaphore, #tpu.memory_space<semaphore_mem>>
      %dma_start3A = arith.constant 0 : i32
      %dma_start3A_20 = arith.constant 0 : i32
      %dma_start3A_21 = tpu.memref_slice %arg6[%add3A, %dma_start3A, %dma_start3A_20] : memref<32x125x80xi32, #tpu.memory_space<hbm>> -> memref<1x125x80xi32, #tpu.memory_space<hbm>>
      %dma_start3A_22 = tpu.memref_squeeze %dma_start3A_21 : memref<1x125x80xi32, #tpu.memory_space<hbm>> -> memref<125x80xi32, #tpu.memory_space<hbm>>
      %dma_start3A_23 = arith.constant 0 : i32
      %dma_start3A_24 = arith.constant 0 : i32
      %dma_start3A_25 = tpu.memref_slice %arg6[%add3A, %dma_start3A_23, %dma_start3A_24] : memref<32x125x80xi32, #tpu.memory_space<hbm>> -> memref<1x125x80xi32, #tpu.memory_space<hbm>>
      %dma_start3A_26 = tpu.memref_squeeze %dma_start3A_25 : memref<1x125x80xi32, #tpu.memory_space<hbm>> -> memref<125x80xi32, #tpu.memory_space<hbm>>
      tpu.enqueue_dma source(%dma_start3A_26 : memref<125x80xi32, #tpu.memory_space<hbm>>) target(%arg14 : memref<125x80xi32, #tpu.memory_space<vmem>>) target_semaphore(%run_scoped3A : memref<!tpu.dma_semaphore, #tpu.memory_space<semaphore_mem>>)
      %dma_wait3A = arith.constant 0 : i32
      %dma_wait3A_27 = arith.constant 0 : i32
      %dma_wait3A_28 = tpu.memref_slice %arg6[%add3A, %dma_wait3A, %dma_wait3A_27] : memref<32x125x80xi32, #tpu.memory_space<hbm>> -> memref<1x125x80xi32, #tpu.memory_space<hbm>>
      %dma_wait3A_29 = tpu.memref_squeeze %dma_wait3A_28 : memref<1x125x80xi32, #tpu.memory_space<hbm>> -> memref<125x80xi32, #tpu.memory_space<hbm>>
      %dma_wait3A_30 = arith.constant 0 : i32
      %dma_wait3A_31 = arith.constant 0 : i32
      %dma_wait3A_32 = tpu.memref_slice %arg6[%add3A, %dma_wait3A_30, %dma_wait3A_31] : memref<32x125x80xi32, #tpu.memory_space<hbm>> -> memref<1x125x80xi32, #tpu.memory_space<hbm>>
      %dma_wait3A_33 = tpu.memref_squeeze %dma_wait3A_32 : memref<1x125x80xi32, #tpu.memory_space<hbm>> -> memref<125x80xi32, #tpu.memory_space<hbm>>
      tpu.wait_dma2 semaphore(%run_scoped3A : memref<!tpu.dma_semaphore, #tpu.memory_space<semaphore_mem>>) src(%dma_wait3A_33 : memref<125x80xi32, #tpu.memory_space<hbm>>) dst(%arg14 : memref<125x80xi32, #tpu.memory_space<vmem>>)
      tpu.yield
    }) : () -> ()
    %barrier3A = arith.constant 0 : index
    tpu.barrier barrier_id(%barrier3A)
    %get3A = arith.constant 0 : index
    %get3A_3 = tpu.vector_load %arg18[%get3A] {strides = array<i32>} : memref<16xf32, #tpu.memory_space<vmem>>, vector<16xf32>,
    %get3A_4 = vector.shape_cast %get3A_3 : vector<16xf32> to vector<16xf32>
    %get3A_5 = arith.constant 0 : index
    %get3A_6 = tpu.vector_load %arg19[%get3A_5] {strides = array<i32>} : memref<16xf32, #tpu.memory_space<vmem>>, vector<16xf32>,
    %get3A_7 = vector.shape_cast %get3A_6 : vector<16xf32> to vector<16xf32>
    %add3A_8 = arith.addf %get3A_4, %get3A_7 : vector<16xf32>
    %gt3A = arith.constant 0.000000e+00 : f32
    %gt3A_9 = vector.broadcast %gt3A : f32 to vector<16xf32>
    %gt3A_10 = arith.cmpf ogt, %add3A_8, %gt3A_9 : vector<16xf32>
    %mul3A_11 = arith.constant 2.000000e-01 : f32
    %mul3A_12 = vector.broadcast %mul3A_11 : f32 to vector<16xf32>
    %mul3A_13 = arith.mulf %add3A_8, %mul3A_12 : vector<16xf32>
    %select_n3A = arith.select %gt3A_10, %add3A_8, %mul3A_13 : vector<16xi1>, vector<16xf32>
    %scan3A = arith.constant 0 : i32
    %scan3A_14 = arith.constant 0 : i32
    %scan3A_15 = arith.constant 125 : i32
    %scan3A_16 = arith.addi %scan3A_14, %scan3A_15 : i32
    %scan3A_17 = arith.constant 1 : i32
    scf.for %scan3A_20 = %scan3A_14 to %scan3A_16 step %scan3A_17  : i32 {
      %dma_start3A = arith.constant 0 : i32
      %dma_start3A_21 = tpu.memref_slice %arg13[%scan3A_20, %dma_start3A] : memref<125x80xi32, #tpu.memory_space<vmem>> -> memref<1x80xi32, #tpu.memory_space<vmem>>
      %dma_start3A_22 = tpu.memref_squeeze %dma_start3A_21 : memref<1x80xi32, #tpu.memory_space<vmem>> -> memref<80xi32, #tpu.memory_space<vmem>>
      %dma_start3A_23 = arith.constant 0 : i32
      %dma_start3A_24 = arith.constant 0 : i32
      %dma_start3A_25 = tpu.memref_slice %arg2[%dma_start3A_23, %dma_start3A_24] : memref<10000x128xf32, #tpu.memory_space<hbm>> -> memref<10000x128xf32, #tpu.memory_space<hbm>>
      tpu.enqueue_indirect_dma source(%dma_start3A_25 : memref<10000x128xf32, #tpu.memory_space<hbm>>) target(%arg17 : memref<80x128xf32, #tpu.memory_space<vmem>>) offsets(%dma_start3A_22 : memref<80xi32, #tpu.memory_space<vmem>>) semaphore(%arg22 : memref<!tpu.dma_semaphore, #tpu.memory_space<semaphore_mem>>)
      %dma_start3A_26 = arith.constant 0 : i32
      %dma_start3A_27 = tpu.memref_slice %arg13[%scan3A_20, %dma_start3A_26] : memref<125x80xi32, #tpu.memory_space<vmem>> -> memref<1x80xi32, #tpu.memory_space<vmem>>
      %dma_start3A_28 = tpu.memref_squeeze %dma_start3A_27 : memref<1x80xi32, #tpu.memory_space<vmem>> -> memref<80xi32, #tpu.memory_space<vmem>>
      %dma_start3A_29 = arith.constant 0 : i32
      %dma_start3A_30 = arith.constant 0 : i32
      %dma_start3A_31 = tpu.memref_slice %arg3[%dma_start3A_29, %dma_start3A_30] : memref<10000x16xf32, #tpu.memory_space<hbm>> -> memref<10000x16xf32, #tpu.memory_space<hbm>>
      tpu.enqueue_indirect_dma source(%dma_start3A_31 : memref<10000x16xf32, #tpu.memory_space<hbm>>) target(%arg15 : memref<80x16xf32, #tpu.memory_space<vmem>>) offsets(%dma_start3A_28 : memref<80xi32, #tpu.memory_space<vmem>>) semaphore(%arg23 : memref<!tpu.dma_semaphore, #tpu.memory_space<semaphore_mem>>)
      %dma_start3A_32 = arith.constant 0 : i32
      %dma_start3A_33 = tpu.memref_slice %arg14[%scan3A_20, %dma_start3A_32] : memref<125x80xi32, #tpu.memory_space<vmem>> -> memref<1x80xi32, #tpu.memory_space<vmem>>
      %dma_start3A_34 = tpu.memref_squeeze %dma_start3A_33 : memref<1x80xi32, #tpu.memory_space<vmem>> -> memref<80xi32, #tpu.memory_space<vmem>>
      %dma_start3A_35 = arith.constant 0 : i32
      %dma_start3A_36 = arith.constant 0 : i32
      %dma_start3A_37 = tpu.memref_slice %arg4[%dma_start3A_35, %dma_start3A_36] : memref<10000x16xf32, #tpu.memory_space<hbm>> -> memref<10000x16xf32, #tpu.memory_space<hbm>>
      tpu.enqueue_indirect_dma source(%dma_start3A_37 : memref<10000x16xf32, #tpu.memory_space<hbm>>) target(%arg16 : memref<80x16xf32, #tpu.memory_space<vmem>>) offsets(%dma_start3A_34 : memref<80xi32, #tpu.memory_space<vmem>>) semaphore(%arg24 : memref<!tpu.dma_semaphore, #tpu.memory_space<semaphore_mem>>)
      %dma_wait3A = arith.constant 0 : i32
      %dma_wait3A_38 = tpu.memref_slice %arg13[%scan3A_20, %dma_wait3A] : memref<125x80xi32, #tpu.memory_space<vmem>> -> memref<1x80xi32, #tpu.memory_space<vmem>>
      %dma_wait3A_39 = tpu.memref_squeeze %dma_wait3A_38 : memref<1x80xi32, #tpu.memory_space<vmem>> -> memref<80xi32, #tpu.memory_space<vmem>>
      %dma_wait3A_40 = arith.constant 0 : i32
      %dma_wait3A_41 = arith.constant 0 : i32
      %dma_wait3A_42 = tpu.memref_slice %arg3[%dma_wait3A_40, %dma_wait3A_41] : memref<10000x16xf32, #tpu.memory_space<hbm>> -> memref<10000x16xf32, #tpu.memory_space<hbm>>
      tpu.wait_indirect_dma semaphore(%arg23 : memref<!tpu.dma_semaphore, #tpu.memory_space<semaphore_mem>>) src(%dma_wait3A_42 : memref<10000x16xf32, #tpu.memory_space<hbm>>) dst(%arg15 : memref<80x16xf32, #tpu.memory_space<vmem>>)
      %dma_wait3A_43 = arith.constant 0 : i32
      %dma_wait3A_44 = tpu.memref_slice %arg14[%scan3A_20, %dma_wait3A_43] : memref<125x80xi32, #tpu.memory_space<vmem>> -> memref<1x80xi32, #tpu.memory_space<vmem>>
      %dma_wait3A_45 = tpu.memref_squeeze %dma_wait3A_44 : memref<1x80xi32, #tpu.memory_space<vmem>> -> memref<80xi32, #tpu.memory_space<vmem>>
      %dma_wait3A_46 = arith.constant 0 : i32
      %dma_wait3A_47 = arith.constant 0 : i32
      %dma_wait3A_48 = tpu.memref_slice %arg4[%dma_wait3A_46, %dma_wait3A_47] : memref<10000x16xf32, #tpu.memory_space<hbm>> -> memref<10000x16xf32, #tpu.memory_space<hbm>>
      tpu.wait_indirect_dma semaphore(%arg24 : memref<!tpu.dma_semaphore, #tpu.memory_space<semaphore_mem>>) src(%dma_wait3A_48 : memref<10000x16xf32, #tpu.memory_space<hbm>>) dst(%arg16 : memref<80x16xf32, #tpu.memory_space<vmem>>)
      %scan3A_49 = arith.constant 0 : i32
      %scan3A_50 = arith.constant 0 : i32
      %scan3A_51 = arith.constant 80 : i32
      %scan3A_52 = arith.addi %scan3A_50, %scan3A_51 : i32
      %scan3A_53 = arith.constant 1 : i32
      scf.for %scan3A_67 = %scan3A_50 to %scan3A_52 step %scan3A_53  : i32 {
        %get3A_68 = arith.index_cast %scan3A_67 : i32 to index
        %get3A_69 = arith.constant 0 : index
        %get3A_70 = tpu.vector_load %arg15[%get3A_68, %get3A_69] {strides = array<i32>} : memref<80x16xf32, #tpu.memory_space<vmem>>, vector<1x16xf32>,
        %get3A_71 = vector.shape_cast %get3A_70 : vector<1x16xf32> to vector<16xf32>
        %get3A_72 = arith.index_cast %scan3A_67 : i32 to index
        %get3A_73 = arith.constant 0 : index
        %get3A_74 = tpu.vector_load %arg16[%get3A_72, %get3A_73] {strides = array<i32>} : memref<80x16xf32, #tpu.memory_space<vmem>>, vector<1x16xf32>,
        %get3A_75 = vector.shape_cast %get3A_74 : vector<1x16xf32> to vector<16xf32>
        %add3A_76 = arith.addf %get3A_71, %get3A_75 : vector<16xf32>
        %gt3A_77 = arith.constant 0.000000e+00 : f32
        %gt3A_78 = vector.broadcast %gt3A_77 : f32 to vector<16xf32>
        %gt3A_79 = arith.cmpf ogt, %add3A_76, %gt3A_78 : vector<16xf32>
        %mul3A_80 = arith.constant 2.000000e-01 : f32
        %mul3A_81 = vector.broadcast %mul3A_80 : f32 to vector<16xf32>
        %mul3A_82 = arith.mulf %add3A_76, %mul3A_81 : vector<16xf32>
        %select_n3A_83 = arith.select %gt3A_79, %add3A_76, %mul3A_82 : vector<16xi1>, vector<16xf32>
        %sub3A = arith.subf %select_n3A_83, %select_n3A : vector<16xf32>
        %exp3A = math.exp %sub3A : vector<16xf32>
        %swap3A = arith.index_cast %scan3A_67 : i32 to index
        %swap3A_84 = arith.constant 0 : index
        %swap3A_85 = tpu.vector_load %arg15[%swap3A, %swap3A_84] {strides = array<i32>} : memref<80x16xf32, #tpu.memory_space<vmem>>, vector<1x16xf32>,
        %swap3A_86 = vector.shape_cast %swap3A_85 : vector<1x16xf32> to vector<16xf32>
        %swap3A_87 = vector.shape_cast %exp3A : vector<16xf32> to vector<1x16xf32>
        tpu.vector_store %arg15[%swap3A, %swap3A_84], %swap3A_87 {strides = array<i32>} : memref<80x16xf32, #tpu.memory_space<vmem>>, vector<1x16xf32>,
      }
      %scan3A_54 = arith.constant 80 : i32
      "tpu.region"() ({
        %run_scoped3A = tpu.sem_alloc : memref<!tpu.dma_semaphore, #tpu.memory_space<semaphore_mem>>
        %dma_start3A_67 = arith.constant 0 : i32
        %dma_start3A_68 = tpu.memref_slice %arg14[%scan3A_20, %dma_start3A_67] : memref<125x80xi32, #tpu.memory_space<vmem>> -> memref<1x80xi32, #tpu.memory_space<vmem>>
        %dma_start3A_69 = tpu.memref_squeeze %dma_start3A_68 : memref<1x80xi32, #tpu.memory_space<vmem>> -> memref<80xi32, #tpu.memory_space<vmem>>
        %dma_start3A_70 = arith.constant 0 : i32
        %dma_start3A_71 = arith.constant 0 : i32
        %dma_start3A_72 = tpu.memref_slice %arg21[%dma_start3A_70, %dma_start3A_71] : memref<10240x16xf32, #tpu.memory_space<vmem_shared>> -> memref<10240x16xf32, #tpu.memory_space<vmem_shared>>
        tpu.enqueue_indirect_dma source(%arg15 : memref<80x16xf32, #tpu.memory_space<vmem>>) target(%dma_start3A_72 : memref<10240x16xf32, #tpu.memory_space<vmem_shared>>) offsets(%dma_start3A_69 : memref<80xi32, #tpu.memory_space<vmem>>) semaphore(%run_scoped3A : memref<!tpu.dma_semaphore, #tpu.memory_space<semaphore_mem>>) {add = true}
        %dma_wait3A_73 = arith.constant 0 : i32
        %dma_wait3A_74 = tpu.memref_slice %arg14[%scan3A_20, %dma_wait3A_73] : memref<125x80xi32, #tpu.memory_space<vmem>> -> memref<1x80xi32, #tpu.memory_space<vmem>>
        %dma_wait3A_75 = tpu.memref_squeeze %dma_wait3A_74 : memref<1x80xi32, #tpu.memory_space<vmem>> -> memref<80xi32, #tpu.memory_space<vmem>>
        %dma_wait3A_76 = arith.constant 0 : i32
        %dma_wait3A_77 = arith.constant 0 : i32
        %dma_wait3A_78 = tpu.memref_slice %arg21[%dma_wait3A_76, %dma_wait3A_77] : memref<10240x16xf32, #tpu.memory_space<vmem_shared>> -> memref<10240x16xf32, #tpu.memory_space<vmem_shared>>
        tpu.wait_indirect_dma semaphore(%run_scoped3A : memref<!tpu.dma_semaphore, #tpu.memory_space<semaphore_mem>>) src(%arg15 : memref<80x16xf32, #tpu.memory_space<vmem>>) dst(%dma_wait3A_78 : memref<10240x16xf32, #tpu.memory_space<vmem_shared>>)
        tpu.yield
      }) : () -> ()
      %dma_wait3A_55 = arith.constant 0 : i32
      %dma_wait3A_56 = tpu.memref_slice %arg13[%scan3A_20, %dma_wait3A_55] : memref<125x80xi32, #tpu.memory_space<vmem>> -> memref<1x80xi32, #tpu.memory_space<vmem>>
      %dma_wait3A_57 = tpu.memref_squeeze %dma_wait3A_56 : memref<1x80xi32, #tpu.memory_space<vmem>> -> memref<80xi32, #tpu.memory_space<vmem>>
      %dma_wait3A_58 = arith.constant 0 : i32
      %dma_wait3A_59 = arith.constant 0 : i32
      %dma_wait3A_60 = tpu.memref_slice %arg2[%dma_wait3A_58, %dma_wait3A_59] : memref<10000x128xf32, #tpu.memory_space<hbm>> -> memref<10000x128xf32, #tpu.memory_space<hbm>>
      tpu.wait_indirect_dma semaphore(%arg22 : memref<!tpu.dma_semaphore, #tpu.memory_space<semaphore_mem>>) src(%dma_wait3A_60 : memref<10000x128xf32, #tpu.memory_space<hbm>>) dst(%arg17 : memref<80x128xf32, #tpu.memory_space<vmem>>)
      %scan3A_61 = arith.constant 0 : i32
      %scan3A_62 = arith.constant 0 : i32
      %scan3A_63 = arith.constant 80 : i32
      %scan3A_64 = arith.addi %scan3A_62, %scan3A_63 : i32
      %scan3A_65 = arith.constant 1 : i32
      scf.for %scan3A_67 = %scan3A_62 to %scan3A_64 step %scan3A_65  : i32 {
        %get3A_68 = arith.index_cast %scan3A_67 : i32 to index
        %get3A_69 = arith.constant 0 : index
        %get3A_70 = tpu.vector_load %arg15[%get3A_68, %get3A_69] {strides = array<i32>} : memref<80x16xf32, #tpu.memory_space<vmem>>, vector<1x16xf32>,
        %get3A_71 = vector.shape_cast %get3A_70 : vector<1x16xf32> to vector<16xf32>
        %get3A_72 = arith.index_cast %scan3A_67 : i32 to index
        %get3A_73 = arith.constant 0 : index
        %get3A_74 = tpu.vector_load %arg17[%get3A_72, %get3A_73] {strides = array<i32>} : memref<80x128xf32, #tpu.memory_space<vmem>>, vector<1x16xf32>,
        %get3A_75 = vector.shape_cast %get3A_74 : vector<1x16xf32> to vector<16xf32>
        %slice3A = vector.extract_strided_slice %get3A_71 {offsets = [0], sizes = [1], strides = [1]} : vector<16xf32> to vector<1xf32>
        %squeeze3A = vector.extract %slice3A[0] : f32 from vector<1xf32>
        %mul3A_76 = vector.broadcast %squeeze3A : f32 to vector<16xf32>
        %mul3A_77 = arith.mulf %get3A_75, %mul3A_76 : vector<16xf32>
        %swap3A = arith.index_cast %scan3A_67 : i32 to index
        %swap3A_78 = arith.constant 0 : index
        %swap3A_79 = tpu.vector_load %arg17[%swap3A, %swap3A_78] {strides = array<i32>} : memref<80x128xf32, #tpu.memory_space<vmem>>, vector<1x16xf32>,
        %swap3A_80 = vector.shape_cast %swap3A_79 : vector<1x16xf32> to vector<16xf32>
        %swap3A_81 = vector.shape_cast %mul3A_77 : vector<16xf32> to vector<1x16xf32>
        tpu.vector_store %arg17[%swap3A, %swap3A_78], %swap3A_81 {strides = array<i32>} : memref<80x128xf32, #tpu.memory_space<vmem>>, vector<1x16xf32>,
        %get3A_82 = arith.index_cast %scan3A_67 : i32 to index
        %get3A_83 = arith.constant 16 : index
        %get3A_84 = tpu.vector_load %arg17[%get3A_82, %get3A_83] {strides = array<i32>} : memref<80x128xf32, #tpu.memory_space<vmem>>, vector<1x16xf32>,
        %get3A_85 = vector.shape_cast %get3A_84 : vector<1x16xf32> to vector<16xf32>
        %slice3A_86 = vector.extract_strided_slice %get3A_71 {offsets = [0], sizes = [1], strides = [1]} : vector<16xf32> to vector<1xf32>
        %squeeze3A_87 = vector.extract %slice3A_86[0] : f32 from vector<1xf32>
        %mul3A_88 = vector.broadcast %squeeze3A_87 : f32 to vector<16xf32>
        %mul3A_89 = arith.mulf %get3A_85, %mul3A_88 : vector<16xf32>
        %swap3A_90 = arith.index_cast %scan3A_67 : i32 to index
        %swap3A_91 = arith.constant 16 : index
        %swap3A_92 = tpu.vector_load %arg17[%swap3A_90, %swap3A_91] {strides = array<i32>} : memref<80x128xf32, #tpu.memory_space<vmem>>, vector<1x16xf32>,
        %swap3A_93 = vector.shape_cast %swap3A_92 : vector<1x16xf32> to vector<16xf32>
        %swap3A_94 = vector.shape_cast %mul3A_89 : vector<16xf32> to vector<1x16xf32>
        tpu.vector_store %arg17[%swap3A_90, %swap3A_91], %swap3A_94 {strides = array<i32>} : memref<80x128xf32, #tpu.memory_space<vmem>>, vector<1x16xf32>,
        %get3A_95 = arith.index_cast %scan3A_67 : i32 to index
        %get3A_96 = arith.constant 32 : index
        %get3A_97 = tpu.vector_load %arg17[%get3A_95, %get3A_96] {strides = array<i32>} : memref<80x128xf32, #tpu.memory_space<vmem>>, vector<1x16xf32>,
        %get3A_98 = vector.shape_cast %get3A_97 : vector<1x16xf32> to vector<16xf32>
        %slice3A_99 = vector.extract_strided_slice %get3A_71 {offsets = [1], sizes = [1], strides = [1]} : vector<16xf32> to vector<1xf32>
        %squeeze3A_100 = vector.extract %slice3A_99[0] : f32 from vector<1xf32>
        %mul3A_101 = vector.broadcast %squeeze3A_100 : f32 to vector<16xf32>
        %mul3A_102 = arith.mulf %get3A_98, %mul3A_101 : vector<16xf32>
        %swap3A_103 = arith.index_cast %scan3A_67 : i32 to index
        %swap3A_104 = arith.constant 32 : index
        %swap3A_105 = tpu.vector_load %arg17[%swap3A_103, %swap3A_104] {strides = array<i32>} : memref<80x128xf32, #tpu.memory_space<vmem>>, vector<1x16xf32>,
        %swap3A_106 = vector.shape_cast %swap3A_105 : vector<1x16xf32> to vector<16xf32>
        %swap3A_107 = vector.shape_cast %mul3A_102 : vector<16xf32> to vector<1x16xf32>
        tpu.vector_store %arg17[%swap3A_103, %swap3A_104], %swap3A_107 {strides = array<i32>} : memref<80x128xf32, #tpu.memory_space<vmem>>, vector<1x16xf32>,
        %get3A_108 = arith.index_cast %scan3A_67 : i32 to index
        %get3A_109 = arith.constant 48 : index
        %get3A_110 = tpu.vector_load %arg17[%get3A_108, %get3A_109] {strides = array<i32>} : memref<80x128xf32, #tpu.memory_space<vmem>>, vector<1x16xf32>,
        %get3A_111 = vector.shape_cast %get3A_110 : vector<1x16xf32> to vector<16xf32>
        %slice3A_112 = vector.extract_strided_slice %get3A_71 {offsets = [1], sizes = [1], strides = [1]} : vector<16xf32> to vector<1xf32>
        %squeeze3A_113 = vector.extract %slice3A_112[0] : f32 from vector<1xf32>
        %mul3A_114 = vector.broadcast %squeeze3A_113 : f32 to vector<16xf32>
        %mul3A_115 = arith.mulf %get3A_111, %mul3A_114 : vector<16xf32>
        %swap3A_116 = arith.index_cast %scan3A_67 : i32 to index
        %swap3A_117 = arith.constant 48 : index
        %swap3A_118 = tpu.vector_load %arg17[%swap3A_116, %swap3A_117] {strides = array<i32>} : memref<80x128xf32, #tpu.memory_space<vmem>>, vector<1x16xf32>,
        %swap3A_119 = vector.shape_cast %swap3A_118 : vector<1x16xf32> to vector<16xf32>
        %swap3A_120 = vector.shape_cast %mul3A_115 : vector<16xf32> to vector<1x16xf32>
        tpu.vector_store %arg17[%swap3A_116, %swap3A_117], %swap3A_120 {strides = array<i32>} : memref<80x128xf32, #tpu.memory_space<vmem>>, vector<1x16xf32>,
        %get3A_121 = arith.index_cast %scan3A_67 : i32 to index
        %get3A_122 = arith.constant 64 : index
        %get3A_123 = tpu.vector_load %arg17[%get3A_121, %get3A_122] {strides = array<i32>} : memref<80x128xf32, #tpu.memory_space<vmem>>, vector<1x16xf32>,
        %get3A_124 = vector.shape_cast %get3A_123 : vector<1x16xf32> to vector<16xf32>
        %slice3A_125 = vector.extract_strided_slice %get3A_71 {offsets = [2], sizes = [1], strides = [1]} : vector<16xf32> to vector<1xf32>
        %squeeze3A_126 = vector.extract %slice3A_125[0] : f32 from vector<1xf32>
        %mul3A_127 = vector.broadcast %squeeze3A_126 : f32 to vector<16xf32>
        %mul3A_128 = arith.mulf %get3A_124, %mul3A_127 : vector<16xf32>
        %swap3A_129 = arith.index_cast %scan3A_67 : i32 to index
        %swap3A_130 = arith.constant 64 : index
        %swap3A_131 = tpu.vector_load %arg17[%swap3A_129, %swap3A_130] {strides = array<i32>} : memref<80x128xf32, #tpu.memory_space<vmem>>, vector<1x16xf32>,
        %swap3A_132 = vector.shape_cast %swap3A_131 : vector<1x16xf32> to vector<16xf32>
        %swap3A_133 = vector.shape_cast %mul3A_128 : vector<16xf32> to vector<1x16xf32>
        tpu.vector_store %arg17[%swap3A_129, %swap3A_130], %swap3A_133 {strides = array<i32>} : memref<80x128xf32, #tpu.memory_space<vmem>>, vector<1x16xf32>,
        %get3A_134 = arith.index_cast %scan3A_67 : i32 to index
        %get3A_135 = arith.constant 80 : index
        %get3A_136 = tpu.vector_load %arg17[%get3A_134, %get3A_135] {strides = array<i32>} : memref<80x128xf32, #tpu.memory_space<vmem>>, vector<1x16xf32>,
        %get3A_137 = vector.shape_cast %get3A_136 : vector<1x16xf32> to vector<16xf32>
        %slice3A_138 = vector.extract_strided_slice %get3A_71 {offsets = [2], sizes = [1], strides = [1]} : vector<16xf32> to vector<1xf32>
        %squeeze3A_139 = vector.extract %slice3A_138[0] : f32 from vector<1xf32>
        %mul3A_140 = vector.broadcast %squeeze3A_139 : f32 to vector<16xf32>
        %mul3A_141 = arith.mulf %get3A_137, %mul3A_140 : vector<16xf32>
        %swap3A_142 = arith.index_cast %scan3A_67 : i32 to index
        %swap3A_143 = arith.constant 80 : index
        %swap3A_144 = tpu.vector_load %arg17[%swap3A_142, %swap3A_143] {strides = array<i32>} : memref<80x128xf32, #tpu.memory_space<vmem>>, vector<1x16xf32>,
        %swap3A_145 = vector.shape_cast %swap3A_144 : vector<1x16xf32> to vector<16xf32>
        %swap3A_146 = vector.shape_cast %mul3A_141 : vector<16xf32> to vector<1x16xf32>
        tpu.vector_store %arg17[%swap3A_142, %swap3A_143], %swap3A_146 {strides = array<i32>} : memref<80x128xf32, #tpu.memory_space<vmem>>, vector<1x16xf32>,
        %get3A_147 = arith.index_cast %scan3A_67 : i32 to index
        %get3A_148 = arith.constant 96 : index
        %get3A_149 = tpu.vector_load %arg17[%get3A_147, %get3A_148] {strides = array<i32>} : memref<80x128xf32, #tpu.memory_space<vmem>>, vector<1x16xf32>,
        %get3A_150 = vector.shape_cast %get3A_149 : vector<1x16xf32> to vector<16xf32>
        %slice3A_151 = vector.extract_strided_slice %get3A_71 {offsets = [3], sizes = [1], strides = [1]} : vector<16xf32> to vector<1xf32>
        %squeeze3A_152 = vector.extract %slice3A_151[0] : f32 from vector<1xf32>
        %mul3A_153 = vector.broadcast %squeeze3A_152 : f32 to vector<16xf32>
        %mul3A_154 = arith.mulf %get3A_150, %mul3A_153 : vector<16xf32>
        %swap3A_155 = arith.index_cast %scan3A_67 : i32 to index
        %swap3A_156 = arith.constant 96 : index
        %swap3A_157 = tpu.vector_load %arg17[%swap3A_155, %swap3A_156] {strides = array<i32>} : memref<80x128xf32, #tpu.memory_space<vmem>>, vector<1x16xf32>,
        %swap3A_158 = vector.shape_cast %swap3A_157 : vector<1x16xf32> to vector<16xf32>
        %swap3A_159 = vector.shape_cast %mul3A_154 : vector<16xf32> to vector<1x16xf32>
        tpu.vector_store %arg17[%swap3A_155, %swap3A_156], %swap3A_159 {strides = array<i32>} : memref<80x128xf32, #tpu.memory_space<vmem>>, vector<1x16xf32>,
        %get3A_160 = arith.index_cast %scan3A_67 : i32 to index
        %get3A_161 = arith.constant 112 : index
        %get3A_162 = tpu.vector_load %arg17[%get3A_160, %get3A_161] {strides = array<i32>} : memref<80x128xf32, #tpu.memory_space<vmem>>, vector<1x16xf32>,
        %get3A_163 = vector.shape_cast %get3A_162 : vector<1x16xf32> to vector<16xf32>
        %slice3A_164 = vector.extract_strided_slice %get3A_71 {offsets = [3], sizes = [1], strides = [1]} : vector<16xf32> to vector<1xf32>
        %squeeze3A_165 = vector.extract %slice3A_164[0] : f32 from vector<1xf32>
        %mul3A_166 = vector.broadcast %squeeze3A_165 : f32 to vector<16xf32>
        %mul3A_167 = arith.mulf %get3A_163, %mul3A_166 : vector<16xf32>
        %swap3A_168 = arith.index_cast %scan3A_67 : i32 to index
        %swap3A_169 = arith.constant 112 : index
        %swap3A_170 = tpu.vector_load %arg17[%swap3A_168, %swap3A_169] {strides = array<i32>} : memref<80x128xf32, #tpu.memory_space<vmem>>, vector<1x16xf32>,
        %swap3A_171 = vector.shape_cast %swap3A_170 : vector<1x16xf32> to vector<16xf32>
        %swap3A_172 = vector.shape_cast %mul3A_167 : vector<16xf32> to vector<1x16xf32>
        tpu.vector_store %arg17[%swap3A_168, %swap3A_169], %swap3A_172 {strides = array<i32>} : memref<80x128xf32, #tpu.memory_space<vmem>>, vector<1x16xf32>,
      }
      %scan3A_66 = arith.constant 80 : i32
      "tpu.region"() ({
        %run_scoped3A = tpu.sem_alloc : memref<!tpu.dma_semaphore, #tpu.memory_space<semaphore_mem>>
        %dma_start3A_67 = arith.constant 0 : i32
        %dma_start3A_68 = tpu.memref_slice %arg14[%scan3A_20, %dma_start3A_67] : memref<125x80xi32, #tpu.memory_space<vmem>> -> memref<1x80xi32, #tpu.memory_space<vmem>>
        %dma_start3A_69 = tpu.memref_squeeze %dma_start3A_68 : memref<1x80xi32, #tpu.memory_space<vmem>> -> memref<80xi32, #tpu.memory_space<vmem>>
        %dma_start3A_70 = arith.constant 0 : i32
        %dma_start3A_71 = arith.constant 0 : i32
        %dma_start3A_72 = tpu.memref_slice %arg20[%dma_start3A_70, %dma_start3A_71] : memref<10240x128xf32, #tpu.memory_space<vmem_shared>> -> memref<10240x128xf32, #tpu.memory_space<vmem_shared>>
        tpu.enqueue_indirect_dma source(%arg17 : memref<80x128xf32, #tpu.memory_space<vmem>>) target(%dma_start3A_72 : memref<10240x128xf32, #tpu.memory_space<vmem_shared>>) offsets(%dma_start3A_69 : memref<80xi32, #tpu.memory_space<vmem>>) semaphore(%run_scoped3A : memref<!tpu.dma_semaphore, #tpu.memory_space<semaphore_mem>>) {add = true}
        %dma_wait3A_73 = arith.constant 0 : i32
        %dma_wait3A_74 = tpu.memref_slice %arg14[%scan3A_20, %dma_wait3A_73] : memref<125x80xi32, #tpu.memory_space<vmem>> -> memref<1x80xi32, #tpu.memory_space<vmem>>
        %dma_wait3A_75 = tpu.memref_squeeze %dma_wait3A_74 : memref<1x80xi32, #tpu.memory_space<vmem>> -> memref<80xi32, #tpu.memory_space<vmem>>
        %dma_wait3A_76 = arith.constant 0 : i32
        %dma_wait3A_77 = arith.constant 0 : i32
        %dma_wait3A_78 = tpu.memref_slice %arg20[%dma_wait3A_76, %dma_wait3A_77] : memref<10240x128xf32, #tpu.memory_space<vmem_shared>> -> memref<10240x128xf32, #tpu.memory_space<vmem_shared>>
        tpu.wait_indirect_dma semaphore(%run_scoped3A : memref<!tpu.dma_semaphore, #tpu.memory_space<semaphore_mem>>) src(%arg17 : memref<80x128xf32, #tpu.memory_space<vmem>>) dst(%dma_wait3A_78 : memref<10240x128xf32, #tpu.memory_space<vmem_shared>>)
        tpu.yield
      }) : () -> ()
    }
    %scan3A_18 = arith.constant 125 : i32
    %barrier3A_19 = arith.constant 0 : index
    tpu.barrier barrier_id(%barrier3A_19)
    "tpu.region"() ({
      %run_scoped3A = tpu.sem_alloc : memref<!tpu.dma_semaphore, #tpu.memory_space<semaphore_mem>>
      %dma_start3A = arith.constant 0 : i32
      %dma_start3A_20 = tpu.memref_slice %arg11[%arg0, %mul3A_2, %dma_start3A] : memref<2x10240x128xf32, #tpu.memory_space<hbm>> -> memref<1x640x128xf32, #tpu.memory_space<hbm>>
      %dma_start3A_21 = tpu.memref_squeeze %dma_start3A_20 : memref<1x640x128xf32, #tpu.memory_space<hbm>> -> memref<640x128xf32, #tpu.memory_space<hbm>>
      %dma_start3A_22 = arith.constant 0 : i32
      %dma_start3A_23 = tpu.memref_slice %arg20[%mul3A_2, %dma_start3A_22] : memref<10240x128xf32, #tpu.memory_space<vmem_shared>> -> memref<640x128xf32, #tpu.memory_space<vmem_shared>>
      tpu.enqueue_dma source(%dma_start3A_23 : memref<640x128xf32, #tpu.memory_space<vmem_shared>>) target(%dma_start3A_21 : memref<640x128xf32, #tpu.memory_space<hbm>>) target_semaphore(%run_scoped3A : memref<!tpu.dma_semaphore, #tpu.memory_space<semaphore_mem>>)
      %dma_wait3A = arith.constant 0 : i32
      %dma_wait3A_24 = tpu.memref_slice %arg11[%arg0, %mul3A_2, %dma_wait3A] : memref<2x10240x128xf32, #tpu.memory_space<hbm>> -> memref<1x640x128xf32, #tpu.memory_space<hbm>>
      %dma_wait3A_25 = tpu.memref_squeeze %dma_wait3A_24 : memref<1x640x128xf32, #tpu.memory_space<hbm>> -> memref<640x128xf32, #tpu.memory_space<hbm>>
      %dma_wait3A_26 = arith.constant 0 : i32
      %dma_wait3A_27 = tpu.memref_slice %arg20[%mul3A_2, %dma_wait3A_26] : memref<10240x128xf32, #tpu.memory_space<vmem_shared>> -> memref<640x128xf32, #tpu.memory_space<vmem_shared>>
      tpu.wait_dma2 semaphore(%run_scoped3A : memref<!tpu.dma_semaphore, #tpu.memory_space<semaphore_mem>>) src(%dma_wait3A_27 : memref<640x128xf32, #tpu.memory_space<vmem_shared>>) dst(%dma_wait3A_25 : memref<640x128xf32, #tpu.memory_space<hbm>>)
      tpu.yield
    }) : () -> ()
    "tpu.region"() ({
      %run_scoped3A = tpu.sem_alloc : memref<!tpu.dma_semaphore, #tpu.memory_space<semaphore_mem>>
      %dma_start3A = arith.constant 0 : i32
      %dma_start3A_20 = tpu.memref_slice %arg12[%arg0, %mul3A_2, %dma_start3A] : memref<2x10240x16xf32, #tpu.memory_space<hbm>> -> memref<1x640x16xf32, #tpu.memory_space<hbm>>
      %dma_start3A_21 = tpu.memref_squeeze %dma_start3A_20 : memref<1x640x16xf32, #tpu.memory_space<hbm>> -> memref<640x16xf32, #tpu.memory_space<hbm>>
      %dma_start3A_22 = arith.constant 0 : i32
      %dma_start3A_23 = tpu.memref_slice %arg21[%mul3A_2, %dma_start3A_22] : memref<10240x16xf32, #tpu.memory_space<vmem_shared>> -> memref<640x16xf32, #tpu.memory_space<vmem_shared>>
      tpu.enqueue_dma source(%dma_start3A_23 : memref<640x16xf32, #tpu.memory_space<vmem_shared>>) target(%dma_start3A_21 : memref<640x16xf32, #tpu.memory_space<hbm>>) target_semaphore(%run_scoped3A : memref<!tpu.dma_semaphore, #tpu.memory_space<semaphore_mem>>)
      %dma_wait3A = arith.constant 0 : i32
      %dma_wait3A_24 = tpu.memref_slice %arg12[%arg0, %mul3A_2, %dma_wait3A] : memref<2x10240x16xf32, #tpu.memory_space<hbm>> -> memref<1x640x16xf32, #tpu.memory_space<hbm>>
      %dma_wait3A_25 = tpu.memref_squeeze %dma_wait3A_24 : memref<1x640x16xf32, #tpu.memory_space<hbm>> -> memref<640x16xf32, #tpu.memory_space<hbm>>
      %dma_wait3A_26 = arith.constant 0 : i32
      %dma_wait3A_27 = tpu.memref_slice %arg21[%mul3A_2, %dma_wait3A_26] : memref<10240x16xf32, #tpu.memory_space<vmem_shared>> -> memref<640x16xf32, #tpu.memory_space<vmem_shared>>
      tpu.wait_dma2 semaphore(%run_scoped3A : memref<!tpu.dma_semaphore, #tpu.memory_space<semaphore_mem>>) src(%dma_wait3A_27 : memref<640x16xf32, #tpu.memory_space<vmem_shared>>) dst(%dma_wait3A_25 : memref<640x16xf32, #tpu.memory_space<hbm>>)
      tpu.yield
    }) : () -> ()
    return
  }
}

module attributes {stable_mosaic.version = 14 : i64} {
  func.func @_tc_a(%arg0: i32, %arg1: memref<2000x128xf32, #tpu.memory_space<vmem>>, %arg2: memref<128x16xf32, #tpu.memory_space<vmem>>, %arg3: memref<2x2000x16xf32, #tpu.memory_space<vmem>>, %arg4: memref<2000x16xf32, #tpu.memory_space<vmem>>, %arg5: memref<2000x1xf32, #tpu.memory_space<vmem>>) attributes {dimension_semantics = [#tpu.dimension_semantics<arbitrary>], iteration_bounds = array<i64: 5>, scalar_prefetch = 0 : i64, scratch_operands = 0 : i64, tpu.core_type = #tpu.core_type<tc>, window_params = [{transform_indices = @transform_0, window_bounds = array<i64: 2000, 128>}, {pipeline_mode = #tpu.pipeline_mode<synchronous>, transform_indices = @transform_1, window_bounds = array<i64: 128, 16>}, {transform_indices = @transform_2, window_bounds = array<i64: 2, 2000, 16>}, {transform_indices = @transform_3, window_bounds = array<i64: 2000, 16>}, {transform_indices = @transform_4, window_bounds = array<i64: 2000, 1>}]} {
    %get3A = arith.constant 0 : index
    %get3A_0 = arith.constant 0 : index
    %get3A_1 = arith.constant 0 : index
    %get3A_2 = vector.load %arg3[%get3A, %get3A_0, %get3A_1] : memref<2x2000x16xf32, #tpu.memory_space<vmem>>, vector<1x2000x1xf32>
    %get3A_3 = vector.shape_cast %get3A_2 : vector<1x2000x1xf32> to vector<2000x1xf32>
    %get3A_4 = arith.constant 1 : index
    %get3A_5 = arith.constant 0 : index
    %get3A_6 = arith.constant 0 : index
    %get3A_7 = vector.load %arg3[%get3A_4, %get3A_5, %get3A_6] : memref<2x2000x16xf32, #tpu.memory_space<vmem>>, vector<1x2000x1xf32>
    %get3A_8 = vector.shape_cast %get3A_7 : vector<1x2000x1xf32> to vector<2000x1xf32>
    %add3A = arith.addf %get3A_3, %get3A_8 : vector<2000x1xf32>
    %add3A_9 = arith.constant 1.000000e+00 : f32
    %add3A_10 = vector.broadcast %add3A_9 : f32 to vector<2000x1xf32>
    %add3A_11 = arith.addf %add3A, %add3A_10 : vector<2000x1xf32>
    %rsqrt3A = math.rsqrt %add3A_11 : vector<2000x1xf32>
    %get3A_12 = arith.constant 0 : index
    %get3A_13 = arith.constant 0 : index
    %get3A_14 = vector.load %arg1[%get3A_12, %get3A_13] : memref<2000x128xf32, #tpu.memory_space<vmem>>, vector<2000x128xf32>
    %get3A_15 = arith.constant 0 : index
    %get3A_16 = arith.constant 0 : index
    %get3A_17 = vector.load %arg2[%get3A_15, %get3A_16] : memref<128x16xf32, #tpu.memory_space<vmem>>, vector<128x16xf32>
    %dot_general3A = arith.constant dense<0.000000e+00> : vector<2000x16xf32>
    %dot_general3A_18 = tpu.matmul %get3A_14, %get3A_17, %dot_general3A {dimension_numbers = #tpu.dot_dimension_numbers<[1], [0], [0], [1], [0, 0, 1, 1], [], []>, precision = #tpu.contract_precision<fp32>, transpose_lhs_hint = false} : vector<2000x128xf32>, vector<128x16xf32>, vector<2000x16xf32> -> vector<2000x16xf32>
    %mul3A = vector.broadcast %rsqrt3A : vector<2000x1xf32> to vector<2000x16xf32>
    %mul3A_19 = arith.mulf %mul3A, %dot_general3A_18 : vector<2000x16xf32>
    %swap3A = arith.constant 0 : index
    %swap3A_20 = arith.constant 0 : index
    %swap3A_21 = vector.load %arg4[%swap3A, %swap3A_20] : memref<2000x16xf32, #tpu.memory_space<vmem>>, vector<2000x16xf32>
    tpu.vector_store %arg4[%swap3A, %swap3A_20], %mul3A_19 {strides = array<i32>} : memref<2000x16xf32, #tpu.memory_space<vmem>>, vector<2000x16xf32>,
    %swap3A_22 = arith.constant 0 : index
    %swap3A_23 = arith.constant 0 : index
    %swap3A_24 = vector.load %arg5[%swap3A_22, %swap3A_23] : memref<2000x1xf32, #tpu.memory_space<vmem>>, vector<2000x1xf32>
    tpu.vector_store %arg5[%swap3A_22, %swap3A_23], %rsqrt3A {strides = array<i32>} : memref<2000x1xf32, #tpu.memory_space<vmem>>, vector<2000x1xf32>,
    return
  }
  func.func @transform_0(%arg0: i32) -> (i32, i32) {
    %c0_i32 = arith.constant 0 : i32
    %c0_i32_0 = arith.constant 0 : i32
    return %arg0, %c0_i32 : i32, i32
  }
  func.func @transform_1(%arg0: i32) -> (i32, i32) {
    %c0_i32 = arith.constant 0 : i32
    %c0_i32_0 = arith.constant 0 : i32
    %c0_i32_1 = arith.constant 0 : i32
    return %c0_i32, %c0_i32_0 : i32, i32
  }
  func.func @transform_2(%arg0: i32) -> (i32, i32, i32) {
    %c0_i32 = arith.constant 0 : i32
    %c0_i32_0 = arith.constant 0 : i32
    %c0_i32_1 = arith.constant 0 : i32
    return %c0_i32, %arg0, %c0_i32_0 : i32, i32, i32
  }
  func.func @transform_3(%arg0: i32) -> (i32, i32) {
    %c0_i32 = arith.constant 0 : i32
    %c0_i32_0 = arith.constant 0 : i32
    return %arg0, %c0_i32 : i32, i32
  }
  func.func @transform_4(%arg0: i32) -> (i32, i32) {
    %c0_i32 = arith.constant 0 : i32
    %c0_i32_0 = arith.constant 0 : i32
    return %arg0, %c0_i32 : i32, i32
  }
}

module attributes {stable_mosaic.version = 14 : i64} {
  func.func @_tc_pre(%arg0: i32, %arg1: memref<2x2000x16xf32, #tpu.memory_space<vmem>>, %arg2: memref<2000x16xf32, #tpu.memory_space<vmem>>, %arg3: memref<2000x1xf32, #tpu.memory_space<vmem>>, %arg4: memref<1x16xf32, #tpu.memory_space<vmem>>, %arg5: memref<2000x16xf32, #tpu.memory_space<vmem>>, %arg6: memref<2x16xf32, #tpu.memory_space<vmem>>) attributes {dimension_semantics = [#tpu.dimension_semantics<arbitrary>], iteration_bounds = array<i64: 5>, scalar_prefetch = 0 : i64, scratch_operands = 0 : i64, tpu.core_type = #tpu.core_type<tc>, window_params = [{transform_indices = @transform_0, window_bounds = array<i64: 2, 2000, 16>}, {transform_indices = @transform_1, window_bounds = array<i64: 2000, 16>}, {transform_indices = @transform_2, window_bounds = array<i64: 2000, 1>}, {pipeline_mode = #tpu.pipeline_mode<synchronous>, transform_indices = @transform_3, window_bounds = array<i64: 1, 16>}, {transform_indices = @transform_4, window_bounds = array<i64: 2000, 16>}, {pipeline_mode = #tpu.pipeline_mode<synchronous>, transform_indices = @transform_5, window_bounds = array<i64: 2, 16>}]} {
    %get3A = arith.constant 0 : index
    %get3A_0 = arith.constant 0 : index
    %get3A_1 = vector.load %arg3[%get3A, %get3A_0] : memref<2000x1xf32, #tpu.memory_space<vmem>>, vector<2000x1xf32>
    %get3A_2 = arith.constant 0 : index
    %get3A_3 = arith.constant 0 : index
    %get3A_4 = arith.constant 0 : index
    %get3A_5 = vector.load %arg1[%get3A_2, %get3A_3, %get3A_4] : memref<2x2000x16xf32, #tpu.memory_space<vmem>>, vector<1x2000x16xf32>
    %get3A_6 = vector.shape_cast %get3A_5 : vector<1x2000x16xf32> to vector<2000x16xf32>
    %get3A_7 = arith.constant 1 : index
    %get3A_8 = arith.constant 0 : index
    %get3A_9 = arith.constant 0 : index
    %get3A_10 = vector.load %arg1[%get3A_7, %get3A_8, %get3A_9] : memref<2x2000x16xf32, #tpu.memory_space<vmem>>, vector<1x2000x16xf32>
    %get3A_11 = vector.shape_cast %get3A_10 : vector<1x2000x16xf32> to vector<2000x16xf32>
    %add3A = arith.addf %get3A_6, %get3A_11 : vector<2000x16xf32>
    %get3A_12 = arith.constant 0 : index
    %get3A_13 = arith.constant 0 : index
    %get3A_14 = vector.load %arg2[%get3A_12, %get3A_13] : memref<2000x16xf32, #tpu.memory_space<vmem>>, vector<2000x16xf32>
    %add3A_15 = arith.addf %add3A, %get3A_14 : vector<2000x16xf32>
    %mul3A = vector.broadcast %get3A_1 : vector<2000x1xf32> to vector<2000x16xf32>
    %mul3A_16 = arith.mulf %mul3A, %add3A_15 : vector<2000x16xf32>
    %get3A_17 = arith.constant 0 : index
    %get3A_18 = arith.constant 0 : index
    %get3A_19 = vector.load %arg4[%get3A_17, %get3A_18] : memref<1x16xf32, #tpu.memory_space<vmem>>, vector<1x16xf32>
    %add3A_20 = vector.broadcast %get3A_19 : vector<1x16xf32> to vector<2000x16xf32>
    %add3A_21 = arith.addf %mul3A_16, %add3A_20 : vector<2000x16xf32>
    %swap3A = arith.constant 0 : index
    %swap3A_22 = arith.constant 0 : index
    %swap3A_23 = vector.load %arg5[%swap3A, %swap3A_22] : memref<2000x16xf32, #tpu.memory_space<vmem>>, vector<2000x16xf32>
    tpu.vector_store %arg5[%swap3A, %swap3A_22], %add3A_21 {strides = array<i32>} : memref<2000x16xf32, #tpu.memory_space<vmem>>, vector<2000x16xf32>,
    %reduce_sum3A = arith.constant dense<0.000000e+00> : vector<16xf32>
    %reduce_sum3A_24 = vector.multi_reduction <add>, %add3A_21, %reduce_sum3A [0] : vector<2000x16xf32> to vector<16xf32>
    %broadcast_in_dim3A = vector.shape_cast %reduce_sum3A_24 : vector<16xf32> to vector<1x16xf32>
    %mul3A_25 = arith.mulf %add3A_21, %add3A_21 : vector<2000x16xf32>
    %reduce_sum3A_26 = arith.constant dense<0.000000e+00> : vector<16xf32>
    %reduce_sum3A_27 = vector.multi_reduction <add>, %mul3A_25, %reduce_sum3A_26 [0] : vector<2000x16xf32> to vector<16xf32>
    %broadcast_in_dim3A_28 = vector.shape_cast %reduce_sum3A_27 : vector<16xf32> to vector<1x16xf32>
    %concatenate3A = tpu.concatenate %broadcast_in_dim3A, %broadcast_in_dim3A_28 in 0 : vector<1x16xf32>, vector<1x16xf32> -> vector<2x16xf32>
    %eq3A = arith.constant 0 : i32
    %eq3A_29 = arith.cmpi eq, %arg0, %eq3A : i32
    %convert_element_type3A = arith.extui %eq3A_29 : i1 to i32
    %cond3A = arith.constant 0 : i32
    %cond3A_30 = arith.cmpi ne, %convert_element_type3A, %cond3A : i32
    scf.if %cond3A_30 {
      %swap3A_35 = arith.constant 0 : index
      %swap3A_36 = arith.constant 0 : index
      %swap3A_37 = vector.load %arg6[%swap3A_35, %swap3A_36] : memref<2x16xf32, #tpu.memory_space<vmem>>, vector<2x16xf32>
      tpu.vector_store %arg6[%swap3A_35, %swap3A_36], %concatenate3A {strides = array<i32>} : memref<2x16xf32, #tpu.memory_space<vmem>>, vector<2x16xf32>,
    } else {
    }
    %gt3A = arith.constant 0 : i32
    %gt3A_31 = arith.cmpi sgt, %arg0, %gt3A : i32
    %convert_element_type3A_32 = arith.extui %gt3A_31 : i1 to i32
    %cond3A_33 = arith.constant 0 : i32
    %cond3A_34 = arith.cmpi ne, %convert_element_type3A_32, %cond3A_33 : i32
    scf.if %cond3A_34 {
      %get3A_35 = arith.constant 0 : index
      %get3A_36 = arith.constant 0 : index
      %get3A_37 = vector.load %arg6[%get3A_35, %get3A_36] : memref<2x16xf32, #tpu.memory_space<vmem>>, vector<2x16xf32>
      %add3A_38 = arith.addf %get3A_37, %concatenate3A : vector<2x16xf32>
      %swap3A_39 = arith.constant 0 : index
      %swap3A_40 = arith.constant 0 : index
      %swap3A_41 = vector.load %arg6[%swap3A_39, %swap3A_40] : memref<2x16xf32, #tpu.memory_space<vmem>>, vector<2x16xf32>
      tpu.vector_store %arg6[%swap3A_39, %swap3A_40], %add3A_38 {strides = array<i32>} : memref<2x16xf32, #tpu.memory_space<vmem>>, vector<2x16xf32>,
    } else {
    }
    return
  }
  func.func @transform_0(%arg0: i32) -> (i32, i32, i32) {
    %c0_i32 = arith.constant 0 : i32
    %c0_i32_0 = arith.constant 0 : i32
    %c0_i32_1 = arith.constant 0 : i32
    return %c0_i32, %arg0, %c0_i32_0 : i32, i32, i32
  }
  func.func @transform_1(%arg0: i32) -> (i32, i32) {
    %c0_i32 = arith.constant 0 : i32
    %c0_i32_0 = arith.constant 0 : i32
    return %arg0, %c0_i32 : i32, i32
  }
  func.func @transform_2(%arg0: i32) -> (i32, i32) {
    %c0_i32 = arith.constant 0 : i32
    %c0_i32_0 = arith.constant 0 : i32
    return %arg0, %c0_i32 : i32, i32
  }
  func.func @transform_3(%arg0: i32) -> (i32, i32) {
    %c0_i32 = arith.constant 0 : i32
    %c0_i32_0 = arith.constant 0 : i32
    %c0_i32_1 = arith.constant 0 : i32
    return %c0_i32, %c0_i32_0 : i32, i32
  }
  func.func @transform_4(%arg0: i32) -> (i32, i32) {
    %c0_i32 = arith.constant 0 : i32
    %c0_i32_0 = arith.constant 0 : i32
    return %arg0, %c0_i32 : i32, i32
  }
  func.func @transform_5(%arg0: i32) -> (i32, i32) {
    %c0_i32 = arith.constant 0 : i32
    %c0_i32_0 = arith.constant 0 : i32
    %c0_i32_1 = arith.constant 0 : i32
    return %c0_i32, %c0_i32_0 : i32, i32
  }
}

module attributes {stable_mosaic.version = 14 : i64} {
  func.func @_tc_gcn(%arg0: i32, %arg1: memref<2000x16xf32, #tpu.memory_space<vmem>>, %arg2: memref<2x16xf32, #tpu.memory_space<vmem>>, %arg3: memref<1x16xf32, #tpu.memory_space<vmem>>, %arg4: memref<1x16xf32, #tpu.memory_space<vmem>>, %arg5: memref<2000x1xf32, #tpu.memory_space<vmem>>, %arg6: memref<16x64xf32, #tpu.memory_space<vmem>>, %arg7: memref<2000x64xf32, #tpu.memory_space<vmem>>, %arg8: memref<2000x16xf32, #tpu.memory_space<vmem>>) attributes {dimension_semantics = [#tpu.dimension_semantics<arbitrary>], iteration_bounds = array<i64: 5>, scalar_prefetch = 0 : i64, scratch_operands = 0 : i64, tpu.core_type = #tpu.core_type<tc>, window_params = [{transform_indices = @transform_0, window_bounds = array<i64: 2000, 16>}, {pipeline_mode = #tpu.pipeline_mode<synchronous>, transform_indices = @transform_1, window_bounds = array<i64: 2, 16>}, {pipeline_mode = #tpu.pipeline_mode<synchronous>, transform_indices = @transform_2, window_bounds = array<i64: 1, 16>}, {pipeline_mode = #tpu.pipeline_mode<synchronous>, transform_indices = @transform_3, window_bounds = array<i64: 1, 16>}, {transform_indices = @transform_4, window_bounds = array<i64: 2000, 1>}, {pipeline_mode = #tpu.pipeline_mode<synchronous>, transform_indices = @transform_5, window_bounds = array<i64: 16, 64>}, {transform_indices = @transform_6, window_bounds = array<i64: 2000, 64>}, {transform_indices = @transform_7, window_bounds = array<i64: 2000, 16>}]} {
    %get3A = arith.constant 0 : index
    %get3A_0 = arith.constant 0 : index
    %get3A_1 = vector.load %arg1[%get3A, %get3A_0] : memref<2000x16xf32, #tpu.memory_space<vmem>>, vector<2000x16xf32>
    %get3A_2 = arith.constant 0 : index
    %get3A_3 = arith.constant 0 : index
    %get3A_4 = vector.load %arg2[%get3A_2, %get3A_3] : memref<2x16xf32, #tpu.memory_space<vmem>>, vector<2x16xf32>
    %get3A_5 = arith.constant 0 : index
    %get3A_6 = arith.constant 0 : index
    %get3A_7 = vector.load %arg3[%get3A_5, %get3A_6] : memref<1x16xf32, #tpu.memory_space<vmem>>, vector<1x16xf32>
    %get3A_8 = arith.constant 0 : index
    %get3A_9 = arith.constant 0 : index
    %get3A_10 = vector.load %arg4[%get3A_8, %get3A_9] : memref<1x16xf32, #tpu.memory_space<vmem>>, vector<1x16xf32>
    %slice3A = vector.extract_strided_slice %get3A_4 {offsets = [0, 0], sizes = [1, 16], strides = [1, 1]} : vector<2x16xf32> to vector<1x16xf32>
    %div3A = arith.constant 1.000000e+04 : f32
    %div3A_11 = vector.broadcast %div3A : f32 to vector<1x16xf32>
    %div3A_12 = arith.divf %slice3A, %div3A_11 : vector<1x16xf32>
    %slice3A_13 = vector.extract_strided_slice %get3A_4 {offsets = [1, 0], sizes = [1, 16], strides = [1, 1]} : vector<2x16xf32> to vector<1x16xf32>
    %div3A_14 = arith.constant 1.000000e+04 : f32
    %div3A_15 = vector.broadcast %div3A_14 : f32 to vector<1x16xf32>
    %div3A_16 = arith.divf %slice3A_13, %div3A_15 : vector<1x16xf32>
    %mul3A = arith.mulf %div3A_12, %div3A_12 : vector<1x16xf32>
    %sub3A = arith.subf %div3A_16, %mul3A : vector<1x16xf32>
    %sub3A_17 = vector.broadcast %div3A_12 : vector<1x16xf32> to vector<2000x16xf32>
    %sub3A_18 = arith.subf %get3A_1, %sub3A_17 : vector<2000x16xf32>
    %mul3A_19 = vector.broadcast %get3A_7 : vector<1x16xf32> to vector<2000x16xf32>
    %mul3A_20 = arith.mulf %mul3A_19, %sub3A_18 : vector<2000x16xf32>
    %add3A = arith.constant 9.99999974E-6 : f32
    %add3A_21 = vector.broadcast %add3A : f32 to vector<1x16xf32>
    %add3A_22 = arith.addf %sub3A, %add3A_21 : vector<1x16xf32>
    %sqrt3A = math.sqrt %add3A_22 : vector<1x16xf32>
    %div3A_23 = vector.broadcast %sqrt3A : vector<1x16xf32> to vector<2000x16xf32>
    %div3A_24 = arith.divf %mul3A_20, %div3A_23 : vector<2000x16xf32>
    %add3A_25 = vector.broadcast %get3A_10 : vector<1x16xf32> to vector<2000x16xf32>
    %add3A_26 = arith.addf %div3A_24, %add3A_25 : vector<2000x16xf32>
    %max3A = arith.constant 0.000000e+00 : f32
    %max3A_27 = vector.broadcast %max3A : f32 to vector<2000x16xf32>
    %max3A_28 = arith.maximumf %add3A_26, %max3A_27 : vector<2000x16xf32>
    %swap3A = arith.constant 0 : index
    %swap3A_29 = arith.constant 0 : index
    %swap3A_30 = vector.load %arg8[%swap3A, %swap3A_29] : memref<2000x16xf32, #tpu.memory_space<vmem>>, vector<2000x16xf32>
    tpu.vector_store %arg8[%swap3A, %swap3A_29], %max3A_28 {strides = array<i32>} : memref<2000x16xf32, #tpu.memory_space<vmem>>, vector<2000x16xf32>,
    %get3A_31 = arith.constant 0 : index
    %get3A_32 = arith.constant 0 : index
    %get3A_33 = vector.load %arg5[%get3A_31, %get3A_32] : memref<2000x1xf32, #tpu.memory_space<vmem>>, vector<2000x1xf32>
    %get3A_34 = arith.constant 0 : index
    %get3A_35 = arith.constant 0 : index
    %get3A_36 = vector.load %arg6[%get3A_34, %get3A_35] : memref<16x64xf32, #tpu.memory_space<vmem>>, vector<16x64xf32>
    %dot_general3A = arith.constant dense<0.000000e+00> : vector<2000x64xf32>
    %dot_general3A_37 = tpu.matmul %max3A_28, %get3A_36, %dot_general3A {dimension_numbers = #tpu.dot_dimension_numbers<[1], [0], [0], [1], [0, 0, 1, 1], [], []>, precision = #tpu.contract_precision<fp32>, transpose_lhs_hint = false} : vector<2000x16xf32>, vector<16x64xf32>, vector<2000x64xf32> -> vector<2000x64xf32>
    %mul3A_38 = vector.broadcast %get3A_33 : vector<2000x1xf32> to vector<2000x64xf32>
    %mul3A_39 = arith.mulf %mul3A_38, %dot_general3A_37 : vector<2000x64xf32>
    %swap3A_40 = arith.constant 0 : index
    %swap3A_41 = arith.constant 0 : index
    %swap3A_42 = vector.load %arg7[%swap3A_40, %swap3A_41] : memref<2000x64xf32, #tpu.memory_space<vmem>>, vector<2000x64xf32>
    tpu.vector_store %arg7[%swap3A_40, %swap3A_41], %mul3A_39 {strides = array<i32>} : memref<2000x64xf32, #tpu.memory_space<vmem>>, vector<2000x64xf32>,
    return
  }
  func.func @transform_0(%arg0: i32) -> (i32, i32) {
    %c0_i32 = arith.constant 0 : i32
    %c0_i32_0 = arith.constant 0 : i32
    return %arg0, %c0_i32 : i32, i32
  }
  func.func @transform_1(%arg0: i32) -> (i32, i32) {
    %c0_i32 = arith.constant 0 : i32
    %c0_i32_0 = arith.constant 0 : i32
    %c0_i32_1 = arith.constant 0 : i32
    return %c0_i32, %c0_i32_0 : i32, i32
  }
  func.func @transform_2(%arg0: i32) -> (i32, i32) {
    %c0_i32 = arith.constant 0 : i32
    %c0_i32_0 = arith.constant 0 : i32
    %c0_i32_1 = arith.constant 0 : i32
    return %c0_i32, %c0_i32_0 : i32, i32
  }
  func.func @transform_3(%arg0: i32) -> (i32, i32) {
    %c0_i32 = arith.constant 0 : i32
    %c0_i32_0 = arith.constant 0 : i32
    %c0_i32_1 = arith.constant 0 : i32
    return %c0_i32, %c0_i32_0 : i32, i32
  }
  func.func @transform_4(%arg0: i32) -> (i32, i32) {
    %c0_i32 = arith.constant 0 : i32
    %c0_i32_0 = arith.constant 0 : i32
    return %arg0, %c0_i32 : i32, i32
  }
  func.func @transform_5(%arg0: i32) -> (i32, i32) {
    %c0_i32 = arith.constant 0 : i32
    %c0_i32_0 = arith.constant 0 : i32
    %c0_i32_1 = arith.constant 0 : i32
    return %c0_i32, %c0_i32_0 : i32, i32
  }
  func.func @transform_6(%arg0: i32) -> (i32, i32) {
    %c0_i32 = arith.constant 0 : i32
    %c0_i32_0 = arith.constant 0 : i32
    return %arg0, %c0_i32 : i32, i32
  }
  func.func @transform_7(%arg0: i32) -> (i32, i32) {
    %c0_i32 = arith.constant 0 : i32
    %c0_i32_0 = arith.constant 0 : i32
    return %arg0, %c0_i32 : i32, i32
  }
}

module attributes {stable_mosaic.version = 14 : i64} {
  func.func @_tc_pre(%arg0: i32, %arg1: memref<2x2000x64xf32, #tpu.memory_space<vmem>>, %arg2: memref<2000x64xf32, #tpu.memory_space<vmem>>, %arg3: memref<2000x1xf32, #tpu.memory_space<vmem>>, %arg4: memref<1x64xf32, #tpu.memory_space<vmem>>, %arg5: memref<2000x64xf32, #tpu.memory_space<vmem>>, %arg6: memref<2x64xf32, #tpu.memory_space<vmem>>) attributes {dimension_semantics = [#tpu.dimension_semantics<arbitrary>], iteration_bounds = array<i64: 5>, scalar_prefetch = 0 : i64, scratch_operands = 0 : i64, tpu.core_type = #tpu.core_type<tc>, window_params = [{transform_indices = @transform_0, window_bounds = array<i64: 2, 2000, 64>}, {transform_indices = @transform_1, window_bounds = array<i64: 2000, 64>}, {transform_indices = @transform_2, window_bounds = array<i64: 2000, 1>}, {pipeline_mode = #tpu.pipeline_mode<synchronous>, transform_indices = @transform_3, window_bounds = array<i64: 1, 64>}, {transform_indices = @transform_4, window_bounds = array<i64: 2000, 64>}, {pipeline_mode = #tpu.pipeline_mode<synchronous>, transform_indices = @transform_5, window_bounds = array<i64: 2, 64>}]} {
    %get3A = arith.constant 0 : index
    %get3A_0 = arith.constant 0 : index
    %get3A_1 = vector.load %arg3[%get3A, %get3A_0] : memref<2000x1xf32, #tpu.memory_space<vmem>>, vector<2000x1xf32>
    %get3A_2 = arith.constant 0 : index
    %get3A_3 = arith.constant 0 : index
    %get3A_4 = arith.constant 0 : index
    %get3A_5 = vector.load %arg1[%get3A_2, %get3A_3, %get3A_4] : memref<2x2000x64xf32, #tpu.memory_space<vmem>>, vector<1x2000x64xf32>
    %get3A_6 = vector.shape_cast %get3A_5 : vector<1x2000x64xf32> to vector<2000x64xf32>
    %get3A_7 = arith.constant 1 : index
    %get3A_8 = arith.constant 0 : index
    %get3A_9 = arith.constant 0 : index
    %get3A_10 = vector.load %arg1[%get3A_7, %get3A_8, %get3A_9] : memref<2x2000x64xf32, #tpu.memory_space<vmem>>, vector<1x2000x64xf32>
    %get3A_11 = vector.shape_cast %get3A_10 : vector<1x2000x64xf32> to vector<2000x64xf32>
    %add3A = arith.addf %get3A_6, %get3A_11 : vector<2000x64xf32>
    %get3A_12 = arith.constant 0 : index
    %get3A_13 = arith.constant 0 : index
    %get3A_14 = vector.load %arg2[%get3A_12, %get3A_13] : memref<2000x64xf32, #tpu.memory_space<vmem>>, vector<2000x64xf32>
    %add3A_15 = arith.addf %add3A, %get3A_14 : vector<2000x64xf32>
    %mul3A = vector.broadcast %get3A_1 : vector<2000x1xf32> to vector<2000x64xf32>
    %mul3A_16 = arith.mulf %mul3A, %add3A_15 : vector<2000x64xf32>
    %get3A_17 = arith.constant 0 : index
    %get3A_18 = arith.constant 0 : index
    %get3A_19 = vector.load %arg4[%get3A_17, %get3A_18] : memref<1x64xf32, #tpu.memory_space<vmem>>, vector<1x64xf32>
    %add3A_20 = vector.broadcast %get3A_19 : vector<1x64xf32> to vector<2000x64xf32>
    %add3A_21 = arith.addf %mul3A_16, %add3A_20 : vector<2000x64xf32>
    %swap3A = arith.constant 0 : index
    %swap3A_22 = arith.constant 0 : index
    %swap3A_23 = vector.load %arg5[%swap3A, %swap3A_22] : memref<2000x64xf32, #tpu.memory_space<vmem>>, vector<2000x64xf32>
    tpu.vector_store %arg5[%swap3A, %swap3A_22], %add3A_21 {strides = array<i32>} : memref<2000x64xf32, #tpu.memory_space<vmem>>, vector<2000x64xf32>,
    %reduce_sum3A = arith.constant dense<0.000000e+00> : vector<64xf32>
    %reduce_sum3A_24 = vector.multi_reduction <add>, %add3A_21, %reduce_sum3A [0] : vector<2000x64xf32> to vector<64xf32>
    %broadcast_in_dim3A = vector.shape_cast %reduce_sum3A_24 : vector<64xf32> to vector<1x64xf32>
    %mul3A_25 = arith.mulf %add3A_21, %add3A_21 : vector<2000x64xf32>
    %reduce_sum3A_26 = arith.constant dense<0.000000e+00> : vector<64xf32>
    %reduce_sum3A_27 = vector.multi_reduction <add>, %mul3A_25, %reduce_sum3A_26 [0] : vector<2000x64xf32> to vector<64xf32>
    %broadcast_in_dim3A_28 = vector.shape_cast %reduce_sum3A_27 : vector<64xf32> to vector<1x64xf32>
    %concatenate3A = tpu.concatenate %broadcast_in_dim3A, %broadcast_in_dim3A_28 in 0 : vector<1x64xf32>, vector<1x64xf32> -> vector<2x64xf32>
    %eq3A = arith.constant 0 : i32
    %eq3A_29 = arith.cmpi eq, %arg0, %eq3A : i32
    %convert_element_type3A = arith.extui %eq3A_29 : i1 to i32
    %cond3A = arith.constant 0 : i32
    %cond3A_30 = arith.cmpi ne, %convert_element_type3A, %cond3A : i32
    scf.if %cond3A_30 {
      %swap3A_35 = arith.constant 0 : index
      %swap3A_36 = arith.constant 0 : index
      %swap3A_37 = vector.load %arg6[%swap3A_35, %swap3A_36] : memref<2x64xf32, #tpu.memory_space<vmem>>, vector<2x64xf32>
      tpu.vector_store %arg6[%swap3A_35, %swap3A_36], %concatenate3A {strides = array<i32>} : memref<2x64xf32, #tpu.memory_space<vmem>>, vector<2x64xf32>,
    } else {
    }
    %gt3A = arith.constant 0 : i32
    %gt3A_31 = arith.cmpi sgt, %arg0, %gt3A : i32
    %convert_element_type3A_32 = arith.extui %gt3A_31 : i1 to i32
    %cond3A_33 = arith.constant 0 : i32
    %cond3A_34 = arith.cmpi ne, %convert_element_type3A_32, %cond3A_33 : i32
    scf.if %cond3A_34 {
      %get3A_35 = arith.constant 0 : index
      %get3A_36 = arith.constant 0 : index
      %get3A_37 = vector.load %arg6[%get3A_35, %get3A_36] : memref<2x64xf32, #tpu.memory_space<vmem>>, vector<2x64xf32>
      %add3A_38 = arith.addf %get3A_37, %concatenate3A : vector<2x64xf32>
      %swap3A_39 = arith.constant 0 : index
      %swap3A_40 = arith.constant 0 : index
      %swap3A_41 = vector.load %arg6[%swap3A_39, %swap3A_40] : memref<2x64xf32, #tpu.memory_space<vmem>>, vector<2x64xf32>
      tpu.vector_store %arg6[%swap3A_39, %swap3A_40], %add3A_38 {strides = array<i32>} : memref<2x64xf32, #tpu.memory_space<vmem>>, vector<2x64xf32>,
    } else {
    }
    return
  }
  func.func @transform_0(%arg0: i32) -> (i32, i32, i32) {
    %c0_i32 = arith.constant 0 : i32
    %c0_i32_0 = arith.constant 0 : i32
    %c0_i32_1 = arith.constant 0 : i32
    return %c0_i32, %arg0, %c0_i32_0 : i32, i32, i32
  }
  func.func @transform_1(%arg0: i32) -> (i32, i32) {
    %c0_i32 = arith.constant 0 : i32
    %c0_i32_0 = arith.constant 0 : i32
    return %arg0, %c0_i32 : i32, i32
  }
  func.func @transform_2(%arg0: i32) -> (i32, i32) {
    %c0_i32 = arith.constant 0 : i32
    %c0_i32_0 = arith.constant 0 : i32
    return %arg0, %c0_i32 : i32, i32
  }
  func.func @transform_3(%arg0: i32) -> (i32, i32) {
    %c0_i32 = arith.constant 0 : i32
    %c0_i32_0 = arith.constant 0 : i32
    %c0_i32_1 = arith.constant 0 : i32
    return %c0_i32, %c0_i32_0 : i32, i32
  }
  func.func @transform_4(%arg0: i32) -> (i32, i32) {
    %c0_i32 = arith.constant 0 : i32
    %c0_i32_0 = arith.constant 0 : i32
    return %arg0, %c0_i32 : i32, i32
  }
  func.func @transform_5(%arg0: i32) -> (i32, i32) {
    %c0_i32 = arith.constant 0 : i32
    %c0_i32_0 = arith.constant 0 : i32
    %c0_i32_1 = arith.constant 0 : i32
    return %c0_i32, %c0_i32_0 : i32, i32
  }
}

module attributes {stable_mosaic.version = 14 : i64} {
  func.func @_tc_gcn(%arg0: i32, %arg1: memref<2000x64xf32, #tpu.memory_space<vmem>>, %arg2: memref<2x64xf32, #tpu.memory_space<vmem>>, %arg3: memref<1x64xf32, #tpu.memory_space<vmem>>, %arg4: memref<1x64xf32, #tpu.memory_space<vmem>>, %arg5: memref<2000x1xf32, #tpu.memory_space<vmem>>, %arg6: memref<64x64xf32, #tpu.memory_space<vmem>>, %arg7: memref<2000x64xf32, #tpu.memory_space<vmem>>, %arg8: memref<2000x64xf32, #tpu.memory_space<vmem>>) attributes {dimension_semantics = [#tpu.dimension_semantics<arbitrary>], iteration_bounds = array<i64: 5>, scalar_prefetch = 0 : i64, scratch_operands = 0 : i64, tpu.core_type = #tpu.core_type<tc>, window_params = [{transform_indices = @transform_0, window_bounds = array<i64: 2000, 64>}, {pipeline_mode = #tpu.pipeline_mode<synchronous>, transform_indices = @transform_1, window_bounds = array<i64: 2, 64>}, {pipeline_mode = #tpu.pipeline_mode<synchronous>, transform_indices = @transform_2, window_bounds = array<i64: 1, 64>}, {pipeline_mode = #tpu.pipeline_mode<synchronous>, transform_indices = @transform_3, window_bounds = array<i64: 1, 64>}, {transform_indices = @transform_4, window_bounds = array<i64: 2000, 1>}, {pipeline_mode = #tpu.pipeline_mode<synchronous>, transform_indices = @transform_5, window_bounds = array<i64: 64, 64>}, {transform_indices = @transform_6, window_bounds = array<i64: 2000, 64>}, {transform_indices = @transform_7, window_bounds = array<i64: 2000, 64>}]} {
    %get3A = arith.constant 0 : index
    %get3A_0 = arith.constant 0 : index
    %get3A_1 = vector.load %arg1[%get3A, %get3A_0] : memref<2000x64xf32, #tpu.memory_space<vmem>>, vector<2000x64xf32>
    %get3A_2 = arith.constant 0 : index
    %get3A_3 = arith.constant 0 : index
    %get3A_4 = vector.load %arg2[%get3A_2, %get3A_3] : memref<2x64xf32, #tpu.memory_space<vmem>>, vector<2x64xf32>
    %get3A_5 = arith.constant 0 : index
    %get3A_6 = arith.constant 0 : index
    %get3A_7 = vector.load %arg3[%get3A_5, %get3A_6] : memref<1x64xf32, #tpu.memory_space<vmem>>, vector<1x64xf32>
    %get3A_8 = arith.constant 0 : index
    %get3A_9 = arith.constant 0 : index
    %get3A_10 = vector.load %arg4[%get3A_8, %get3A_9] : memref<1x64xf32, #tpu.memory_space<vmem>>, vector<1x64xf32>
    %slice3A = vector.extract_strided_slice %get3A_4 {offsets = [0, 0], sizes = [1, 64], strides = [1, 1]} : vector<2x64xf32> to vector<1x64xf32>
    %div3A = arith.constant 1.000000e+04 : f32
    %div3A_11 = vector.broadcast %div3A : f32 to vector<1x64xf32>
    %div3A_12 = arith.divf %slice3A, %div3A_11 : vector<1x64xf32>
    %slice3A_13 = vector.extract_strided_slice %get3A_4 {offsets = [1, 0], sizes = [1, 64], strides = [1, 1]} : vector<2x64xf32> to vector<1x64xf32>
    %div3A_14 = arith.constant 1.000000e+04 : f32
    %div3A_15 = vector.broadcast %div3A_14 : f32 to vector<1x64xf32>
    %div3A_16 = arith.divf %slice3A_13, %div3A_15 : vector<1x64xf32>
    %mul3A = arith.mulf %div3A_12, %div3A_12 : vector<1x64xf32>
    %sub3A = arith.subf %div3A_16, %mul3A : vector<1x64xf32>
    %sub3A_17 = vector.broadcast %div3A_12 : vector<1x64xf32> to vector<2000x64xf32>
    %sub3A_18 = arith.subf %get3A_1, %sub3A_17 : vector<2000x64xf32>
    %mul3A_19 = vector.broadcast %get3A_7 : vector<1x64xf32> to vector<2000x64xf32>
    %mul3A_20 = arith.mulf %mul3A_19, %sub3A_18 : vector<2000x64xf32>
    %add3A = arith.constant 9.99999974E-6 : f32
    %add3A_21 = vector.broadcast %add3A : f32 to vector<1x64xf32>
    %add3A_22 = arith.addf %sub3A, %add3A_21 : vector<1x64xf32>
    %sqrt3A = math.sqrt %add3A_22 : vector<1x64xf32>
    %div3A_23 = vector.broadcast %sqrt3A : vector<1x64xf32> to vector<2000x64xf32>
    %div3A_24 = arith.divf %mul3A_20, %div3A_23 : vector<2000x64xf32>
    %add3A_25 = vector.broadcast %get3A_10 : vector<1x64xf32> to vector<2000x64xf32>
    %add3A_26 = arith.addf %div3A_24, %add3A_25 : vector<2000x64xf32>
    %max3A = arith.constant 0.000000e+00 : f32
    %max3A_27 = vector.broadcast %max3A : f32 to vector<2000x64xf32>
    %max3A_28 = arith.maximumf %add3A_26, %max3A_27 : vector<2000x64xf32>
    %swap3A = arith.constant 0 : index
    %swap3A_29 = arith.constant 0 : index
    %swap3A_30 = vector.load %arg8[%swap3A, %swap3A_29] : memref<2000x64xf32, #tpu.memory_space<vmem>>, vector<2000x64xf32>
    tpu.vector_store %arg8[%swap3A, %swap3A_29], %max3A_28 {strides = array<i32>} : memref<2000x64xf32, #tpu.memory_space<vmem>>, vector<2000x64xf32>,
    %get3A_31 = arith.constant 0 : index
    %get3A_32 = arith.constant 0 : index
    %get3A_33 = vector.load %arg5[%get3A_31, %get3A_32] : memref<2000x1xf32, #tpu.memory_space<vmem>>, vector<2000x1xf32>
    %get3A_34 = arith.constant 0 : index
    %get3A_35 = arith.constant 0 : index
    %get3A_36 = vector.load %arg6[%get3A_34, %get3A_35] : memref<64x64xf32, #tpu.memory_space<vmem>>, vector<64x64xf32>
    %dot_general3A = arith.constant dense<0.000000e+00> : vector<2000x64xf32>
    %dot_general3A_37 = tpu.matmul %max3A_28, %get3A_36, %dot_general3A {dimension_numbers = #tpu.dot_dimension_numbers<[1], [0], [0], [1], [0, 0, 1, 1], [], []>, precision = #tpu.contract_precision<fp32>, transpose_lhs_hint = false} : vector<2000x64xf32>, vector<64x64xf32>, vector<2000x64xf32> -> vector<2000x64xf32>
    %mul3A_38 = vector.broadcast %get3A_33 : vector<2000x1xf32> to vector<2000x64xf32>
    %mul3A_39 = arith.mulf %mul3A_38, %dot_general3A_37 : vector<2000x64xf32>
    %swap3A_40 = arith.constant 0 : index
    %swap3A_41 = arith.constant 0 : index
    %swap3A_42 = vector.load %arg7[%swap3A_40, %swap3A_41] : memref<2000x64xf32, #tpu.memory_space<vmem>>, vector<2000x64xf32>
    tpu.vector_store %arg7[%swap3A_40, %swap3A_41], %mul3A_39 {strides = array<i32>} : memref<2000x64xf32, #tpu.memory_space<vmem>>, vector<2000x64xf32>,
    return
  }
  func.func @transform_0(%arg0: i32) -> (i32, i32) {
    %c0_i32 = arith.constant 0 : i32
    %c0_i32_0 = arith.constant 0 : i32
    return %arg0, %c0_i32 : i32, i32
  }
  func.func @transform_1(%arg0: i32) -> (i32, i32) {
    %c0_i32 = arith.constant 0 : i32
    %c0_i32_0 = arith.constant 0 : i32
    %c0_i32_1 = arith.constant 0 : i32
    return %c0_i32, %c0_i32_0 : i32, i32
  }
  func.func @transform_2(%arg0: i32) -> (i32, i32) {
    %c0_i32 = arith.constant 0 : i32
    %c0_i32_0 = arith.constant 0 : i32
    %c0_i32_1 = arith.constant 0 : i32
    return %c0_i32, %c0_i32_0 : i32, i32
  }
  func.func @transform_3(%arg0: i32) -> (i32, i32) {
    %c0_i32 = arith.constant 0 : i32
    %c0_i32_0 = arith.constant 0 : i32
    %c0_i32_1 = arith.constant 0 : i32
    return %c0_i32, %c0_i32_0 : i32, i32
  }
  func.func @transform_4(%arg0: i32) -> (i32, i32) {
    %c0_i32 = arith.constant 0 : i32
    %c0_i32_0 = arith.constant 0 : i32
    return %arg0, %c0_i32 : i32, i32
  }
  func.func @transform_5(%arg0: i32) -> (i32, i32) {
    %c0_i32 = arith.constant 0 : i32
    %c0_i32_0 = arith.constant 0 : i32
    %c0_i32_1 = arith.constant 0 : i32
    return %c0_i32, %c0_i32_0 : i32, i32
  }
  func.func @transform_6(%arg0: i32) -> (i32, i32) {
    %c0_i32 = arith.constant 0 : i32
    %c0_i32_0 = arith.constant 0 : i32
    return %arg0, %c0_i32 : i32, i32
  }
  func.func @transform_7(%arg0: i32) -> (i32, i32) {
    %c0_i32 = arith.constant 0 : i32
    %c0_i32_0 = arith.constant 0 : i32
    return %arg0, %c0_i32 : i32, i32
  }
}

module attributes {stable_mosaic.version = 14 : i64} {
  func.func @_tc_gat_in(%arg0: i32, %arg1: memref<2000x64xf32, #tpu.memory_space<vmem>>, %arg2: memref<2x64xf32, #tpu.memory_space<vmem>>, %arg3: memref<1x64xf32, #tpu.memory_space<vmem>>, %arg4: memref<1x64xf32, #tpu.memory_space<vmem>>, %arg5: memref<2000x64xf32, #tpu.memory_space<vmem>>, %arg6: memref<64x128xf32, #tpu.memory_space<vmem>>, %arg7: memref<128x16xf32, #tpu.memory_space<vmem>>, %arg8: memref<128x16xf32, #tpu.memory_space<vmem>>, %arg9: memref<2000x128xf32, #tpu.memory_space<vmem>>, %arg10: memref<2000x16xf32, #tpu.memory_space<vmem>>, %arg11: memref<2000x16xf32, #tpu.memory_space<vmem>>, %arg12: memref<1x16xf32, #tpu.memory_space<vmem>>, %arg13: memref<1x16xf32, #tpu.memory_space<vmem>>) attributes {dimension_semantics = [#tpu.dimension_semantics<arbitrary>], iteration_bounds = array<i64: 5>, scalar_prefetch = 0 : i64, scratch_operands = 0 : i64, tpu.core_type = #tpu.core_type<tc>, window_params = [{transform_indices = @transform_0, window_bounds = array<i64: 2000, 64>}, {pipeline_mode = #tpu.pipeline_mode<synchronous>, transform_indices = @transform_1, window_bounds = array<i64: 2, 64>}, {pipeline_mode = #tpu.pipeline_mode<synchronous>, transform_indices = @transform_2, window_bounds = array<i64: 1, 64>}, {pipeline_mode = #tpu.pipeline_mode<synchronous>, transform_indices = @transform_3, window_bounds = array<i64: 1, 64>}, {transform_indices = @transform_4, window_bounds = array<i64: 2000, 64>}, {pipeline_mode = #tpu.pipeline_mode<synchronous>, transform_indices = @transform_5, window_bounds = array<i64: 64, 128>}, {pipeline_mode = #tpu.pipeline_mode<synchronous>, transform_indices = @transform_6, window_bounds = array<i64: 128, 16>}, {pipeline_mode = #tpu.pipeline_mode<synchronous>, transform_indices = @transform_7, window_bounds = array<i64: 128, 16>}, {transform_indices = @transform_8, window_bounds = array<i64: 2000, 128>}, {transform_indices = @transform_9, window_bounds = array<i64: 2000, 16>}, {transform_indices = @transform_10, window_bounds = array<i64: 2000, 16>}, {pipeline_mode = #tpu.pipeline_mode<synchronous>, transform_indices = @transform_11, window_bounds = array<i64: 1, 16>}, {pipeline_mode = #tpu.pipeline_mode<synchronous>, transform_indices = @transform_12, window_bounds = array<i64: 1, 16>}]} {
    %get3A = arith.constant 0 : index
    %get3A_0 = arith.constant 0 : index
    %get3A_1 = vector.load %arg1[%get3A, %get3A_0] : memref<2000x64xf32, #tpu.memory_space<vmem>>, vector<2000x64xf32>
    %get3A_2 = arith.constant 0 : index
    %get3A_3 = arith.constant 0 : index
    %get3A_4 = vector.load %arg2[%get3A_2, %get3A_3] : memref<2x64xf32, #tpu.memory_space<vmem>>, vector<2x64xf32>
    %get3A_5 = arith.constant 0 : index
    %get3A_6 = arith.constant 0 : index
    %get3A_7 = vector.load %arg3[%get3A_5, %get3A_6] : memref<1x64xf32, #tpu.memory_space<vmem>>, vector<1x64xf32>
    %get3A_8 = arith.constant 0 : index
    %get3A_9 = arith.constant 0 : index
    %get3A_10 = vector.load %arg4[%get3A_8, %get3A_9] : memref<1x64xf32, #tpu.memory_space<vmem>>, vector<1x64xf32>
    %slice3A = vector.extract_strided_slice %get3A_4 {offsets = [0, 0], sizes = [1, 64], strides = [1, 1]} : vector<2x64xf32> to vector<1x64xf32>
    %div3A = arith.constant 1.000000e+04 : f32
    %div3A_11 = vector.broadcast %div3A : f32 to vector<1x64xf32>
    %div3A_12 = arith.divf %slice3A, %div3A_11 : vector<1x64xf32>
    %slice3A_13 = vector.extract_strided_slice %get3A_4 {offsets = [1, 0], sizes = [1, 64], strides = [1, 1]} : vector<2x64xf32> to vector<1x64xf32>
    %div3A_14 = arith.constant 1.000000e+04 : f32
    %div3A_15 = vector.broadcast %div3A_14 : f32 to vector<1x64xf32>
    %div3A_16 = arith.divf %slice3A_13, %div3A_15 : vector<1x64xf32>
    %mul3A = arith.mulf %div3A_12, %div3A_12 : vector<1x64xf32>
    %sub3A = arith.subf %div3A_16, %mul3A : vector<1x64xf32>
    %sub3A_17 = vector.broadcast %div3A_12 : vector<1x64xf32> to vector<2000x64xf32>
    %sub3A_18 = arith.subf %get3A_1, %sub3A_17 : vector<2000x64xf32>
    %mul3A_19 = vector.broadcast %get3A_7 : vector<1x64xf32> to vector<2000x64xf32>
    %mul3A_20 = arith.mulf %mul3A_19, %sub3A_18 : vector<2000x64xf32>
    %add3A = arith.constant 9.99999974E-6 : f32
    %add3A_21 = vector.broadcast %add3A : f32 to vector<1x64xf32>
    %add3A_22 = arith.addf %sub3A, %add3A_21 : vector<1x64xf32>
    %sqrt3A = math.sqrt %add3A_22 : vector<1x64xf32>
    %div3A_23 = vector.broadcast %sqrt3A : vector<1x64xf32> to vector<2000x64xf32>
    %div3A_24 = arith.divf %mul3A_20, %div3A_23 : vector<2000x64xf32>
    %add3A_25 = vector.broadcast %get3A_10 : vector<1x64xf32> to vector<2000x64xf32>
    %add3A_26 = arith.addf %div3A_24, %add3A_25 : vector<2000x64xf32>
    %max3A = arith.constant 0.000000e+00 : f32
    %max3A_27 = vector.broadcast %max3A : f32 to vector<2000x64xf32>
    %max3A_28 = arith.maximumf %add3A_26, %max3A_27 : vector<2000x64xf32>
    %get3A_29 = arith.constant 0 : index
    %get3A_30 = arith.constant 0 : index
    %get3A_31 = vector.load %arg5[%get3A_29, %get3A_30] : memref<2000x64xf32, #tpu.memory_space<vmem>>, vector<2000x64xf32>
    %add3A_32 = arith.addf %get3A_31, %max3A_28 : vector<2000x64xf32>
    %get3A_33 = arith.constant 0 : index
    %get3A_34 = arith.constant 0 : index
    %get3A_35 = vector.load %arg6[%get3A_33, %get3A_34] : memref<64x128xf32, #tpu.memory_space<vmem>>, vector<64x128xf32>
    %dot_general3A = arith.constant dense<0.000000e+00> : vector<2000x128xf32>
    %dot_general3A_36 = tpu.matmul %add3A_32, %get3A_35, %dot_general3A {dimension_numbers = #tpu.dot_dimension_numbers<[1], [0], [0], [1], [0, 0, 1, 1], [], []>, precision = #tpu.contract_precision<fp32>, transpose_lhs_hint = false} : vector<2000x64xf32>, vector<64x128xf32>, vector<2000x128xf32> -> vector<2000x128xf32>
    %get3A_37 = arith.constant 0 : index
    %get3A_38 = arith.constant 0 : index
    %get3A_39 = vector.load %arg7[%get3A_37, %get3A_38] : memref<128x16xf32, #tpu.memory_space<vmem>>, vector<128x16xf32>
    %dot_general3A_40 = arith.constant dense<0.000000e+00> : vector<2000x16xf32>
    %dot_general3A_41 = tpu.matmul %dot_general3A_36, %get3A_39, %dot_general3A_40 {dimension_numbers = #tpu.dot_dimension_numbers<[1], [0], [0], [1], [0, 0, 1, 1], [], []>, precision = #tpu.contract_precision<fp32>, transpose_lhs_hint = false} : vector<2000x128xf32>, vector<128x16xf32>, vector<2000x16xf32> -> vector<2000x16xf32>
    %get3A_42 = arith.constant 0 : index
    %get3A_43 = arith.constant 0 : index
    %get3A_44 = vector.load %arg8[%get3A_42, %get3A_43] : memref<128x16xf32, #tpu.memory_space<vmem>>, vector<128x16xf32>
    %dot_general3A_45 = arith.constant dense<0.000000e+00> : vector<2000x16xf32>
    %dot_general3A_46 = tpu.matmul %dot_general3A_36, %get3A_44, %dot_general3A_45 {dimension_numbers = #tpu.dot_dimension_numbers<[1], [0], [0], [1], [0, 0, 1, 1], [], []>, precision = #tpu.contract_precision<fp32>, transpose_lhs_hint = false} : vector<2000x128xf32>, vector<128x16xf32>, vector<2000x16xf32> -> vector<2000x16xf32>
    %swap3A = arith.constant 0 : index
    %swap3A_47 = arith.constant 0 : index
    %swap3A_48 = vector.load %arg9[%swap3A, %swap3A_47] : memref<2000x128xf32, #tpu.memory_space<vmem>>, vector<2000x128xf32>
    tpu.vector_store %arg9[%swap3A, %swap3A_47], %dot_general3A_36 {strides = array<i32>} : memref<2000x128xf32, #tpu.memory_space<vmem>>, vector<2000x128xf32>,
    %swap3A_49 = arith.constant 0 : index
    %swap3A_50 = arith.constant 0 : index
    %swap3A_51 = vector.load %arg10[%swap3A_49, %swap3A_50] : memref<2000x16xf32, #tpu.memory_space<vmem>>, vector<2000x16xf32>
    tpu.vector_store %arg10[%swap3A_49, %swap3A_50], %dot_general3A_41 {strides = array<i32>} : memref<2000x16xf32, #tpu.memory_space<vmem>>, vector<2000x16xf32>,
    %swap3A_52 = arith.constant 0 : index
    %swap3A_53 = arith.constant 0 : index
    %swap3A_54 = vector.load %arg11[%swap3A_52, %swap3A_53] : memref<2000x16xf32, #tpu.memory_space<vmem>>, vector<2000x16xf32>
    tpu.vector_store %arg11[%swap3A_52, %swap3A_53], %dot_general3A_46 {strides = array<i32>} : memref<2000x16xf32, #tpu.memory_space<vmem>>, vector<2000x16xf32>,
    %reduce_max3A = arith.constant dense<0xFF800000> : vector<16xf32>
    %reduce_max3A_55 = vector.multi_reduction <maximumf>, %dot_general3A_41, %reduce_max3A [0] : vector<2000x16xf32> to vector<16xf32>
    %broadcast_in_dim3A = vector.shape_cast %reduce_max3A_55 : vector<16xf32> to vector<1x16xf32>
    %reduce_max3A_56 = arith.constant dense<0xFF800000> : vector<16xf32>
    %reduce_max3A_57 = vector.multi_reduction <maximumf>, %dot_general3A_46, %reduce_max3A_56 [0] : vector<2000x16xf32> to vector<16xf32>
    %broadcast_in_dim3A_58 = vector.shape_cast %reduce_max3A_57 : vector<16xf32> to vector<1x16xf32>
    %eq3A = arith.constant 0 : i32
    %eq3A_59 = arith.cmpi eq, %arg0, %eq3A : i32
    %convert_element_type3A = arith.extui %eq3A_59 : i1 to i32
    %cond3A = arith.constant 0 : i32
    %cond3A_60 = arith.cmpi ne, %convert_element_type3A, %cond3A : i32
    scf.if %cond3A_60 {
      %swap3A_65 = arith.constant 0 : index
      %swap3A_66 = arith.constant 0 : index
      %swap3A_67 = vector.load %arg12[%swap3A_65, %swap3A_66] : memref<1x16xf32, #tpu.memory_space<vmem>>, vector<1x16xf32>
      tpu.vector_store %arg12[%swap3A_65, %swap3A_66], %broadcast_in_dim3A {strides = array<i32>} : memref<1x16xf32, #tpu.memory_space<vmem>>, vector<1x16xf32>,
      %swap3A_68 = arith.constant 0 : index
      %swap3A_69 = arith.constant 0 : index
      %swap3A_70 = vector.load %arg13[%swap3A_68, %swap3A_69] : memref<1x16xf32, #tpu.memory_space<vmem>>, vector<1x16xf32>
      tpu.vector_store %arg13[%swap3A_68, %swap3A_69], %broadcast_in_dim3A_58 {strides = array<i32>} : memref<1x16xf32, #tpu.memory_space<vmem>>, vector<1x16xf32>,
    } else {
    }
    %gt3A = arith.constant 0 : i32
    %gt3A_61 = arith.cmpi sgt, %arg0, %gt3A : i32
    %convert_element_type3A_62 = arith.extui %gt3A_61 : i1 to i32
    %cond3A_63 = arith.constant 0 : i32
    %cond3A_64 = arith.cmpi ne, %convert_element_type3A_62, %cond3A_63 : i32
    scf.if %cond3A_64 {
      %get3A_65 = arith.constant 0 : index
      %get3A_66 = arith.constant 0 : index
      %get3A_67 = vector.load %arg12[%get3A_65, %get3A_66] : memref<1x16xf32, #tpu.memory_space<vmem>>, vector<1x16xf32>
      %max3A_68 = arith.maximumf %get3A_67, %broadcast_in_dim3A : vector<1x16xf32>
      %swap3A_69 = arith.constant 0 : index
      %swap3A_70 = arith.constant 0 : index
      %swap3A_71 = vector.load %arg12[%swap3A_69, %swap3A_70] : memref<1x16xf32, #tpu.memory_space<vmem>>, vector<1x16xf32>
      tpu.vector_store %arg12[%swap3A_69, %swap3A_70], %max3A_68 {strides = array<i32>} : memref<1x16xf32, #tpu.memory_space<vmem>>, vector<1x16xf32>,
      %get3A_72 = arith.constant 0 : index
      %get3A_73 = arith.constant 0 : index
      %get3A_74 = vector.load %arg13[%get3A_72, %get3A_73] : memref<1x16xf32, #tpu.memory_space<vmem>>, vector<1x16xf32>
      %max3A_75 = arith.maximumf %get3A_74, %broadcast_in_dim3A_58 : vector<1x16xf32>
      %swap3A_76 = arith.constant 0 : index
      %swap3A_77 = arith.constant 0 : index
      %swap3A_78 = vector.load %arg13[%swap3A_76, %swap3A_77] : memref<1x16xf32, #tpu.memory_space<vmem>>, vector<1x16xf32>
      tpu.vector_store %arg13[%swap3A_76, %swap3A_77], %max3A_75 {strides = array<i32>} : memref<1x16xf32, #tpu.memory_space<vmem>>, vector<1x16xf32>,
    } else {
    }
    return
  }
  func.func @transform_0(%arg0: i32) -> (i32, i32) {
    %c0_i32 = arith.constant 0 : i32
    %c0_i32_0 = arith.constant 0 : i32
    return %arg0, %c0_i32 : i32, i32
  }
  func.func @transform_1(%arg0: i32) -> (i32, i32) {
    %c0_i32 = arith.constant 0 : i32
    %c0_i32_0 = arith.constant 0 : i32
    %c0_i32_1 = arith.constant 0 : i32
    return %c0_i32, %c0_i32_0 : i32, i32
  }
  func.func @transform_2(%arg0: i32) -> (i32, i32) {
    %c0_i32 = arith.constant 0 : i32
    %c0_i32_0 = arith.constant 0 : i32
    %c0_i32_1 = arith.constant 0 : i32
    return %c0_i32, %c0_i32_0 : i32, i32
  }
  func.func @transform_3(%arg0: i32) -> (i32, i32) {
    %c0_i32 = arith.constant 0 : i32
    %c0_i32_0 = arith.constant 0 : i32
    %c0_i32_1 = arith.constant 0 : i32
    return %c0_i32, %c0_i32_0 : i32, i32
  }
  func.func @transform_4(%arg0: i32) -> (i32, i32) {
    %c0_i32 = arith.constant 0 : i32
    %c0_i32_0 = arith.constant 0 : i32
    return %arg0, %c0_i32 : i32, i32
  }
  func.func @transform_5(%arg0: i32) -> (i32, i32) {
    %c0_i32 = arith.constant 0 : i32
    %c0_i32_0 = arith.constant 0 : i32
    %c0_i32_1 = arith.constant 0 : i32
    return %c0_i32, %c0_i32_0 : i32, i32
  }
  func.func @transform_6(%arg0: i32) -> (i32, i32) {
    %c0_i32 = arith.constant 0 : i32
    %c0_i32_0 = arith.constant 0 : i32
    %c0_i32_1 = arith.constant 0 : i32
    return %c0_i32, %c0_i32_0 : i32, i32
  }
  func.func @transform_7(%arg0: i32) -> (i32, i32) {
    %c0_i32 = arith.constant 0 : i32
    %c0_i32_0 = arith.constant 0 : i32
    %c0_i32_1 = arith.constant 0 : i32
    return %c0_i32, %c0_i32_0 : i32, i32
  }
  func.func @transform_8(%arg0: i32) -> (i32, i32) {
    %c0_i32 = arith.constant 0 : i32
    %c0_i32_0 = arith.constant 0 : i32
    return %arg0, %c0_i32 : i32, i32
  }
  func.func @transform_9(%arg0: i32) -> (i32, i32) {
    %c0_i32 = arith.constant 0 : i32
    %c0_i32_0 = arith.constant 0 : i32
    return %arg0, %c0_i32 : i32, i32
  }
  func.func @transform_10(%arg0: i32) -> (i32, i32) {
    %c0_i32 = arith.constant 0 : i32
    %c0_i32_0 = arith.constant 0 : i32
    return %arg0, %c0_i32 : i32, i32
  }
  func.func @transform_11(%arg0: i32) -> (i32, i32) {
    %c0_i32 = arith.constant 0 : i32
    %c0_i32_0 = arith.constant 0 : i32
    %c0_i32_1 = arith.constant 0 : i32
    return %c0_i32, %c0_i32_0 : i32, i32
  }
  func.func @transform_12(%arg0: i32) -> (i32, i32) {
    %c0_i32 = arith.constant 0 : i32
    %c0_i32_0 = arith.constant 0 : i32
    %c0_i32_1 = arith.constant 0 : i32
    return %c0_i32, %c0_i32_0 : i32, i32
  }
}

module attributes {stable_mosaic.version = 14 : i64} {
  func.func @_tc_gat_out(%arg0: i32, %arg1: memref<2x2000x128xf32, #tpu.memory_space<vmem>>, %arg2: memref<2x2000x16xf32, #tpu.memory_space<vmem>>, %arg3: memref<2000x128xf32, #tpu.memory_space<vmem>>, %arg4: memref<2000x16xf32, #tpu.memory_space<vmem>>, %arg5: memref<2000x16xf32, #tpu.memory_space<vmem>>, %arg6: memref<1x16xf32, #tpu.memory_space<vmem>>, %arg7: memref<1x16xf32, #tpu.memory_space<vmem>>, %arg8: memref<16x128xf32, #tpu.memory_space<vmem>>, %arg9: memref<1x128xf32, #tpu.memory_space<vmem>>, %arg10: memref<2000x128xf32, #tpu.memory_space<vmem>>, %arg11: memref<2x128xf32, #tpu.memory_space<vmem>>) attributes {dimension_semantics = [#tpu.dimension_semantics<arbitrary>], iteration_bounds = array<i64: 5>, scalar_prefetch = 0 : i64, scratch_operands = 0 : i64, tpu.core_type = #tpu.core_type<tc>, window_params = [{transform_indices = @transform_0, window_bounds = array<i64: 2, 2000, 128>}, {transform_indices = @transform_1, window_bounds = array<i64: 2, 2000, 16>}, {transform_indices = @transform_2, window_bounds = array<i64: 2000, 128>}, {transform_indices = @transform_3, window_bounds = array<i64: 2000, 16>}, {transform_indices = @transform_4, window_bounds = array<i64: 2000, 16>}, {pipeline_mode = #tpu.pipeline_mode<synchronous>, transform_indices = @transform_5, window_bounds = array<i64: 1, 16>}, {pipeline_mode = #tpu.pipeline_mode<synchronous>, transform_indices = @transform_6, window_bounds = array<i64: 1, 16>}, {pipeline_mode = #tpu.pipeline_mode<synchronous>, transform_indices = @transform_7, window_bounds = array<i64: 16, 128>}, {pipeline_mode = #tpu.pipeline_mode<synchronous>, transform_indices = @transform_8, window_bounds = array<i64: 1, 128>}, {transform_indices = @transform_9, window_bounds = array<i64: 2000, 128>}, {pipeline_mode = #tpu.pipeline_mode<synchronous>, transform_indices = @transform_10, window_bounds = array<i64: 2, 128>}]} {
    %get3A = arith.constant 0 : index
    %get3A_0 = arith.constant 0 : index
    %get3A_1 = vector.load %arg6[%get3A, %get3A_0] : memref<1x16xf32, #tpu.memory_space<vmem>>, vector<1x16xf32>
    %get3A_2 = arith.constant 0 : index
    %get3A_3 = arith.constant 0 : index
    %get3A_4 = vector.load %arg7[%get3A_2, %get3A_3] : memref<1x16xf32, #tpu.memory_space<vmem>>, vector<1x16xf32>
    %add3A = arith.addf %get3A_1, %get3A_4 : vector<1x16xf32>
    %gt3A = arith.constant 0.000000e+00 : f32
    %gt3A_5 = vector.broadcast %gt3A : f32 to vector<1x16xf32>
    %gt3A_6 = arith.cmpf ogt, %add3A, %gt3A_5 : vector<1x16xf32>
    %mul3A = arith.constant 2.000000e-01 : f32
    %mul3A_7 = vector.broadcast %mul3A : f32 to vector<1x16xf32>
    %mul3A_8 = arith.mulf %add3A, %mul3A_7 : vector<1x16xf32>
    %select_n3A = arith.select %gt3A_6, %add3A, %mul3A_8 : vector<1x16xi1>, vector<1x16xf32>
    %get3A_9 = arith.constant 0 : index
    %get3A_10 = arith.constant 0 : index
    %get3A_11 = vector.load %arg4[%get3A_9, %get3A_10] : memref<2000x16xf32, #tpu.memory_space<vmem>>, vector<2000x16xf32>
    %get3A_12 = arith.constant 0 : index
    %get3A_13 = arith.constant 0 : index
    %get3A_14 = vector.load %arg5[%get3A_12, %get3A_13] : memref<2000x16xf32, #tpu.memory_space<vmem>>, vector<2000x16xf32>
    %add3A_15 = arith.addf %get3A_11, %get3A_14 : vector<2000x16xf32>
    %gt3A_16 = arith.constant 0.000000e+00 : f32
    %gt3A_17 = vector.broadcast %gt3A_16 : f32 to vector<2000x16xf32>
    %gt3A_18 = arith.cmpf ogt, %add3A_15, %gt3A_17 : vector<2000x16xf32>
    %mul3A_19 = arith.constant 2.000000e-01 : f32
    %mul3A_20 = vector.broadcast %mul3A_19 : f32 to vector<2000x16xf32>
    %mul3A_21 = arith.mulf %add3A_15, %mul3A_20 : vector<2000x16xf32>
    %select_n3A_22 = arith.select %gt3A_18, %add3A_15, %mul3A_21 : vector<2000x16xi1>, vector<2000x16xf32>
    %sub3A = vector.broadcast %select_n3A : vector<1x16xf32> to vector<2000x16xf32>
    %sub3A_23 = arith.subf %select_n3A_22, %sub3A : vector<2000x16xf32>
    %exp3A = math.exp %sub3A_23 : vector<2000x16xf32>
    %get3A_24 = arith.constant 0 : index
    %get3A_25 = arith.constant 0 : index
    %get3A_26 = arith.constant 0 : index
    %get3A_27 = vector.load %arg2[%get3A_24, %get3A_25, %get3A_26] : memref<2x2000x16xf32, #tpu.memory_space<vmem>>, vector<1x2000x16xf32>
    %get3A_28 = vector.shape_cast %get3A_27 : vector<1x2000x16xf32> to vector<2000x16xf32>
    %get3A_29 = arith.constant 1 : index
    %get3A_30 = arith.constant 0 : index
    %get3A_31 = arith.constant 0 : index
    %get3A_32 = vector.load %arg2[%get3A_29, %get3A_30, %get3A_31] : memref<2x2000x16xf32, #tpu.memory_space<vmem>>, vector<1x2000x16xf32>
    %get3A_33 = vector.shape_cast %get3A_32 : vector<1x2000x16xf32> to vector<2000x16xf32>
    %add3A_34 = arith.addf %get3A_28, %get3A_33 : vector<2000x16xf32>
    %add3A_35 = arith.addf %add3A_34, %exp3A : vector<2000x16xf32>
    %get3A_36 = arith.constant 0 : index
    %get3A_37 = arith.constant 0 : index
    %get3A_38 = vector.load %arg8[%get3A_36, %get3A_37] : memref<16x128xf32, #tpu.memory_space<vmem>>, vector<16x128xf32>
    %dot_general3A = arith.constant dense<0.000000e+00> : vector<2000x128xf32>
    %dot_general3A_39 = tpu.matmul %add3A_35, %get3A_38, %dot_general3A {dimension_numbers = #tpu.dot_dimension_numbers<[1], [0], [0], [1], [0, 0, 1, 1], [], []>, precision = #tpu.contract_precision<fp32>, transpose_lhs_hint = false} : vector<2000x16xf32>, vector<16x128xf32>, vector<2000x128xf32> -> vector<2000x128xf32>
    %dot_general3A_40 = arith.constant dense<0.000000e+00> : vector<2000x128xf32>
    %dot_general3A_41 = tpu.matmul %exp3A, %get3A_38, %dot_general3A_40 {dimension_numbers = #tpu.dot_dimension_numbers<[1], [0], [0], [1], [0, 0, 1, 1], [], []>, precision = #tpu.contract_precision<fp32>, transpose_lhs_hint = false} : vector<2000x16xf32>, vector<16x128xf32>, vector<2000x128xf32> -> vector<2000x128xf32>
    %get3A_42 = arith.constant 0 : index
    %get3A_43 = arith.constant 0 : index
    %get3A_44 = vector.load %arg3[%get3A_42, %get3A_43] : memref<2000x128xf32, #tpu.memory_space<vmem>>, vector<2000x128xf32>
    %get3A_45 = arith.constant 0 : index
    %get3A_46 = arith.constant 0 : index
    %get3A_47 = arith.constant 0 : index
    %get3A_48 = vector.load %arg1[%get3A_45, %get3A_46, %get3A_47] : memref<2x2000x128xf32, #tpu.memory_space<vmem>>, vector<1x2000x128xf32>
    %get3A_49 = vector.shape_cast %get3A_48 : vector<1x2000x128xf32> to vector<2000x128xf32>
    %get3A_50 = arith.constant 1 : index
    %get3A_51 = arith.constant 0 : index
    %get3A_52 = arith.constant 0 : index
    %get3A_53 = vector.load %arg1[%get3A_50, %get3A_51, %get3A_52] : memref<2x2000x128xf32, #tpu.memory_space<vmem>>, vector<1x2000x128xf32>
    %get3A_54 = vector.shape_cast %get3A_53 : vector<1x2000x128xf32> to vector<2000x128xf32>
    %add3A_55 = arith.addf %get3A_49, %get3A_54 : vector<2000x128xf32>
    %mul3A_56 = arith.mulf %get3A_44, %dot_general3A_41 : vector<2000x128xf32>
    %add3A_57 = arith.addf %add3A_55, %mul3A_56 : vector<2000x128xf32>
    %add3A_58 = arith.constant 1.000000e-16 : f32
    %add3A_59 = vector.broadcast %add3A_58 : f32 to vector<2000x128xf32>
    %add3A_60 = arith.addf %dot_general3A_39, %add3A_59 : vector<2000x128xf32>
    %div3A = arith.divf %add3A_57, %add3A_60 : vector<2000x128xf32>
    %get3A_61 = arith.constant 0 : index
    %get3A_62 = arith.constant 0 : index
    %get3A_63 = vector.load %arg9[%get3A_61, %get3A_62] : memref<1x128xf32, #tpu.memory_space<vmem>>, vector<1x128xf32>
    %add3A_64 = vector.broadcast %get3A_63 : vector<1x128xf32> to vector<2000x128xf32>
    %add3A_65 = arith.addf %div3A, %add3A_64 : vector<2000x128xf32>
    %swap3A = arith.constant 0 : index
    %swap3A_66 = arith.constant 0 : index
    %swap3A_67 = vector.load %arg10[%swap3A, %swap3A_66] : memref<2000x128xf32, #tpu.memory_space<vmem>>, vector<2000x128xf32>
    tpu.vector_store %arg10[%swap3A, %swap3A_66], %add3A_65 {strides = array<i32>} : memref<2000x128xf32, #tpu.memory_space<vmem>>, vector<2000x128xf32>,
    %reduce_sum3A = arith.constant dense<0.000000e+00> : vector<128xf32>
    %reduce_sum3A_68 = vector.multi_reduction <add>, %add3A_65, %reduce_sum3A [0] : vector<2000x128xf32> to vector<128xf32>
    %broadcast_in_dim3A = vector.shape_cast %reduce_sum3A_68 : vector<128xf32> to vector<1x128xf32>
    %mul3A_69 = arith.mulf %add3A_65, %add3A_65 : vector<2000x128xf32>
    %reduce_sum3A_70 = arith.constant dense<0.000000e+00> : vector<128xf32>
    %reduce_sum3A_71 = vector.multi_reduction <add>, %mul3A_69, %reduce_sum3A_70 [0] : vector<2000x128xf32> to vector<128xf32>
    %broadcast_in_dim3A_72 = vector.shape_cast %reduce_sum3A_71 : vector<128xf32> to vector<1x128xf32>
    %concatenate3A = tpu.concatenate %broadcast_in_dim3A, %broadcast_in_dim3A_72 in 0 : vector<1x128xf32>, vector<1x128xf32> -> vector<2x128xf32>
    %eq3A = arith.constant 0 : i32
    %eq3A_73 = arith.cmpi eq, %arg0, %eq3A : i32
    %convert_element_type3A = arith.extui %eq3A_73 : i1 to i32
    %cond3A = arith.constant 0 : i32
    %cond3A_74 = arith.cmpi ne, %convert_element_type3A, %cond3A : i32
    scf.if %cond3A_74 {
      %swap3A_80 = arith.constant 0 : index
      %swap3A_81 = arith.constant 0 : index
      %swap3A_82 = vector.load %arg11[%swap3A_80, %swap3A_81] : memref<2x128xf32, #tpu.memory_space<vmem>>, vector<2x128xf32>
      tpu.vector_store %arg11[%swap3A_80, %swap3A_81], %concatenate3A {strides = array<i32>} : memref<2x128xf32, #tpu.memory_space<vmem>>, vector<2x128xf32>,
    } else {
    }
    %gt3A_75 = arith.constant 0 : i32
    %gt3A_76 = arith.cmpi sgt, %arg0, %gt3A_75 : i32
    %convert_element_type3A_77 = arith.extui %gt3A_76 : i1 to i32
    %cond3A_78 = arith.constant 0 : i32
    %cond3A_79 = arith.cmpi ne, %convert_element_type3A_77, %cond3A_78 : i32
    scf.if %cond3A_79 {
      %get3A_80 = arith.constant 0 : index
      %get3A_81 = arith.constant 0 : index
      %get3A_82 = vector.load %arg11[%get3A_80, %get3A_81] : memref<2x128xf32, #tpu.memory_space<vmem>>, vector<2x128xf32>
      %add3A_83 = arith.addf %get3A_82, %concatenate3A : vector<2x128xf32>
      %swap3A_84 = arith.constant 0 : index
      %swap3A_85 = arith.constant 0 : index
      %swap3A_86 = vector.load %arg11[%swap3A_84, %swap3A_85] : memref<2x128xf32, #tpu.memory_space<vmem>>, vector<2x128xf32>
      tpu.vector_store %arg11[%swap3A_84, %swap3A_85], %add3A_83 {strides = array<i32>} : memref<2x128xf32, #tpu.memory_space<vmem>>, vector<2x128xf32>,
    } else {
    }
    return
  }
  func.func @transform_0(%arg0: i32) -> (i32, i32, i32) {
    %c0_i32 = arith.constant 0 : i32
    %c0_i32_0 = arith.constant 0 : i32
    %c0_i32_1 = arith.constant 0 : i32
    return %c0_i32, %arg0, %c0_i32_0 : i32, i32, i32
  }
  func.func @transform_1(%arg0: i32) -> (i32, i32, i32) {
    %c0_i32 = arith.constant 0 : i32
    %c0_i32_0 = arith.constant 0 : i32
    %c0_i32_1 = arith.constant 0 : i32
    return %c0_i32, %arg0, %c0_i32_0 : i32, i32, i32
  }
  func.func @transform_2(%arg0: i32) -> (i32, i32) {
    %c0_i32 = arith.constant 0 : i32
    %c0_i32_0 = arith.constant 0 : i32
    return %arg0, %c0_i32 : i32, i32
  }
  func.func @transform_3(%arg0: i32) -> (i32, i32) {
    %c0_i32 = arith.constant 0 : i32
    %c0_i32_0 = arith.constant 0 : i32
    return %arg0, %c0_i32 : i32, i32
  }
  func.func @transform_4(%arg0: i32) -> (i32, i32) {
    %c0_i32 = arith.constant 0 : i32
    %c0_i32_0 = arith.constant 0 : i32
    return %arg0, %c0_i32 : i32, i32
  }
  func.func @transform_5(%arg0: i32) -> (i32, i32) {
    %c0_i32 = arith.constant 0 : i32
    %c0_i32_0 = arith.constant 0 : i32
    %c0_i32_1 = arith.constant 0 : i32
    return %c0_i32, %c0_i32_0 : i32, i32
  }
  func.func @transform_6(%arg0: i32) -> (i32, i32) {
    %c0_i32 = arith.constant 0 : i32
    %c0_i32_0 = arith.constant 0 : i32
    %c0_i32_1 = arith.constant 0 : i32
    return %c0_i32, %c0_i32_0 : i32, i32
  }
  func.func @transform_7(%arg0: i32) -> (i32, i32) {
    %c0_i32 = arith.constant 0 : i32
    %c0_i32_0 = arith.constant 0 : i32
    %c0_i32_1 = arith.constant 0 : i32
    return %c0_i32, %c0_i32_0 : i32, i32
  }
  func.func @transform_8(%arg0: i32) -> (i32, i32) {
    %c0_i32 = arith.constant 0 : i32
    %c0_i32_0 = arith.constant 0 : i32
    %c0_i32_1 = arith.constant 0 : i32
    return %c0_i32, %c0_i32_0 : i32, i32
  }
  func.func @transform_9(%arg0: i32) -> (i32, i32) {
    %c0_i32 = arith.constant 0 : i32
    %c0_i32_0 = arith.constant 0 : i32
    return %arg0, %c0_i32 : i32, i32
  }
  func.func @transform_10(%arg0: i32) -> (i32, i32) {
    %c0_i32 = arith.constant 0 : i32
    %c0_i32_0 = arith.constant 0 : i32
    %c0_i32_1 = arith.constant 0 : i32
    return %c0_i32, %c0_i32_0 : i32, i32
  }
}

module attributes {stable_mosaic.version = 14 : i64} {
  func.func @_tc_head(%arg0: i32, %arg1: memref<2000x128xf32, #tpu.memory_space<vmem>>, %arg2: memref<2x128xf32, #tpu.memory_space<vmem>>, %arg3: memref<1x128xf32, #tpu.memory_space<vmem>>, %arg4: memref<1x128xf32, #tpu.memory_space<vmem>>, %arg5: memref<128x1xf32, #tpu.memory_space<vmem>>, %arg6: memref<1x1xf32, #tpu.memory_space<vmem>>, %arg7: memref<2000x1xf32, #tpu.memory_space<vmem>>) attributes {dimension_semantics = [#tpu.dimension_semantics<arbitrary>], iteration_bounds = array<i64: 5>, scalar_prefetch = 0 : i64, scratch_operands = 0 : i64, tpu.core_type = #tpu.core_type<tc>, window_params = [{transform_indices = @transform_0, window_bounds = array<i64: 2000, 128>}, {pipeline_mode = #tpu.pipeline_mode<synchronous>, transform_indices = @transform_1, window_bounds = array<i64: 2, 128>}, {pipeline_mode = #tpu.pipeline_mode<synchronous>, transform_indices = @transform_2, window_bounds = array<i64: 1, 128>}, {pipeline_mode = #tpu.pipeline_mode<synchronous>, transform_indices = @transform_3, window_bounds = array<i64: 1, 128>}, {pipeline_mode = #tpu.pipeline_mode<synchronous>, transform_indices = @transform_4, window_bounds = array<i64: 128, 1>}, {pipeline_mode = #tpu.pipeline_mode<synchronous>, transform_indices = @transform_5, window_bounds = array<i64: 1, 1>}, {transform_indices = @transform_6, window_bounds = array<i64: 2000, 1>}]} {
    %get3A = arith.constant 0 : index
    %get3A_0 = arith.constant 0 : index
    %get3A_1 = vector.load %arg1[%get3A, %get3A_0] : memref<2000x128xf32, #tpu.memory_space<vmem>>, vector<2000x128xf32>
    %get3A_2 = arith.constant 0 : index
    %get3A_3 = arith.constant 0 : index
    %get3A_4 = vector.load %arg2[%get3A_2, %get3A_3] : memref<2x128xf32, #tpu.memory_space<vmem>>, vector<2x128xf32>
    %get3A_5 = arith.constant 0 : index
    %get3A_6 = arith.constant 0 : index
    %get3A_7 = vector.load %arg3[%get3A_5, %get3A_6] : memref<1x128xf32, #tpu.memory_space<vmem>>, vector<1x128xf32>
    %get3A_8 = arith.constant 0 : index
    %get3A_9 = arith.constant 0 : index
    %get3A_10 = vector.load %arg4[%get3A_8, %get3A_9] : memref<1x128xf32, #tpu.memory_space<vmem>>, vector<1x128xf32>
    %slice3A = vector.extract_strided_slice %get3A_4 {offsets = [0, 0], sizes = [1, 128], strides = [1, 1]} : vector<2x128xf32> to vector<1x128xf32>
    %div3A = arith.constant 1.000000e+04 : f32
    %div3A_11 = vector.broadcast %div3A : f32 to vector<1x128xf32>
    %div3A_12 = arith.divf %slice3A, %div3A_11 : vector<1x128xf32>
    %slice3A_13 = vector.extract_strided_slice %get3A_4 {offsets = [1, 0], sizes = [1, 128], strides = [1, 1]} : vector<2x128xf32> to vector<1x128xf32>
    %div3A_14 = arith.constant 1.000000e+04 : f32
    %div3A_15 = vector.broadcast %div3A_14 : f32 to vector<1x128xf32>
    %div3A_16 = arith.divf %slice3A_13, %div3A_15 : vector<1x128xf32>
    %mul3A = arith.mulf %div3A_12, %div3A_12 : vector<1x128xf32>
    %sub3A = arith.subf %div3A_16, %mul3A : vector<1x128xf32>
    %sub3A_17 = vector.broadcast %div3A_12 : vector<1x128xf32> to vector<2000x128xf32>
    %sub3A_18 = arith.subf %get3A_1, %sub3A_17 : vector<2000x128xf32>
    %mul3A_19 = vector.broadcast %get3A_7 : vector<1x128xf32> to vector<2000x128xf32>
    %mul3A_20 = arith.mulf %mul3A_19, %sub3A_18 : vector<2000x128xf32>
    %add3A = arith.constant 9.99999974E-6 : f32
    %add3A_21 = vector.broadcast %add3A : f32 to vector<1x128xf32>
    %add3A_22 = arith.addf %sub3A, %add3A_21 : vector<1x128xf32>
    %sqrt3A = math.sqrt %add3A_22 : vector<1x128xf32>
    %div3A_23 = vector.broadcast %sqrt3A : vector<1x128xf32> to vector<2000x128xf32>
    %div3A_24 = arith.divf %mul3A_20, %div3A_23 : vector<2000x128xf32>
    %add3A_25 = vector.broadcast %get3A_10 : vector<1x128xf32> to vector<2000x128xf32>
    %add3A_26 = arith.addf %div3A_24, %add3A_25 : vector<2000x128xf32>
    %gt3A = arith.constant 0.000000e+00 : f32
    %gt3A_27 = vector.broadcast %gt3A : f32 to vector<2000x128xf32>
    %gt3A_28 = arith.cmpf ogt, %add3A_26, %gt3A_27 : vector<2000x128xf32>
    %exp3A = math.exp %add3A_26 : vector<2000x128xf32>
    %sub3A_29 = arith.constant 1.000000e+00 : f32
    %sub3A_30 = vector.broadcast %sub3A_29 : f32 to vector<2000x128xf32>
    %sub3A_31 = arith.subf %exp3A, %sub3A_30 : vector<2000x128xf32>
    %select_n3A = arith.select %gt3A_28, %add3A_26, %sub3A_31 : vector<2000x128xi1>, vector<2000x128xf32>
    %get3A_32 = arith.constant 0 : index
    %get3A_33 = arith.constant 0 : index
    %get3A_34 = vector.load %arg5[%get3A_32, %get3A_33] : memref<128x1xf32, #tpu.memory_space<vmem>>, vector<128x1xf32>
    %dot_general3A = arith.constant dense<0.000000e+00> : vector<2000x1xf32>
    %dot_general3A_35 = tpu.matmul %select_n3A, %get3A_34, %dot_general3A {dimension_numbers = #tpu.dot_dimension_numbers<[1], [0], [0], [1], [0, 0, 1, 1], [], []>, precision = #tpu.contract_precision<fp32>, transpose_lhs_hint = false} : vector<2000x128xf32>, vector<128x1xf32>, vector<2000x1xf32> -> vector<2000x1xf32>
    %get3A_36 = arith.constant 0 : index
    %get3A_37 = arith.constant 0 : index
    %get3A_38 = vector.load %arg6[%get3A_36, %get3A_37] : memref<1x1xf32, #tpu.memory_space<vmem>>, vector<1x1xf32>
    %add3A_39 = vector.broadcast %get3A_38 : vector<1x1xf32> to vector<2000x1xf32>
    %add3A_40 = arith.addf %dot_general3A_35, %add3A_39 : vector<2000x1xf32>
    %swap3A = arith.constant 0 : index
    %swap3A_41 = arith.constant 0 : index
    %swap3A_42 = vector.load %arg7[%swap3A, %swap3A_41] : memref<2000x1xf32, #tpu.memory_space<vmem>>, vector<2000x1xf32>
    tpu.vector_store %arg7[%swap3A, %swap3A_41], %add3A_40 {strides = array<i32>} : memref<2000x1xf32, #tpu.memory_space<vmem>>, vector<2000x1xf32>,
    return
  }
  func.func @transform_0(%arg0: i32) -> (i32, i32) {
    %c0_i32 = arith.constant 0 : i32
    %c0_i32_0 = arith.constant 0 : i32
    return %arg0, %c0_i32 : i32, i32
  }
  func.func @transform_1(%arg0: i32) -> (i32, i32) {
    %c0_i32 = arith.constant 0 : i32
    %c0_i32_0 = arith.constant 0 : i32
    %c0_i32_1 = arith.constant 0 : i32
    return %c0_i32, %c0_i32_0 : i32, i32
  }
  func.func @transform_2(%arg0: i32) -> (i32, i32) {
    %c0_i32 = arith.constant 0 : i32
    %c0_i32_0 = arith.constant 0 : i32
    %c0_i32_1 = arith.constant 0 : i32
    return %c0_i32, %c0_i32_0 : i32, i32
  }
  func.func @transform_3(%arg0: i32) -> (i32, i32) {
    %c0_i32 = arith.constant 0 : i32
    %c0_i32_0 = arith.constant 0 : i32
    %c0_i32_1 = arith.constant 0 : i32
    return %c0_i32, %c0_i32_0 : i32, i32
  }
  func.func @transform_4(%arg0: i32) -> (i32, i32) {
    %c0_i32 = arith.constant 0 : i32
    %c0_i32_0 = arith.constant 0 : i32
    %c0_i32_1 = arith.constant 0 : i32
    return %c0_i32, %c0_i32_0 : i32, i32
  }
  func.func @transform_5(%arg0: i32) -> (i32, i32) {
    %c0_i32 = arith.constant 0 : i32
    %c0_i32_0 = arith.constant 0 : i32
    %c0_i32_1 = arith.constant 0 : i32
    return %c0_i32, %c0_i32_0 : i32, i32
  }
  func.func @transform_6(%arg0: i32) -> (i32, i32) {
    %c0_i32 = arith.constant 0 : i32
    %c0_i32_0 = arith.constant 0 : i32
    return %arg0, %c0_i32 : i32, i32
  }
}

</mosaic_0001>

<sc_bundles>
// kernel: kernel.16.cloned.1.call-start
scs
__scs_entry_jumppad:
0x0: {  	(pc) =	sbr.rel $0x88, $3  }
0x1: {  	(tag) =	ssettag $0x0;
	lr =	simm.s32 $0x1  }
0x2: {  	[smem:$0x3F8B] =	sst lr;
	_ =	strace $0xD0000000  }
0x3: {  	_ = 	snop  }
0x4: {  	_ = 	snop  }
0x5: {  	_ = 	snop  }
0x6: {  	_ = 	snop  }
0x7: {  	_ = 	snop  }
__scs_overlays_trampoline_lowered:
0x8: {  	[smem:$0x3F9A] =	sst s0  }
0x9: {  	[smem:$0x3F9B] =	sst s1  }
0xa: {  	[smem:$0x3F9C] =	sst s2  }
0xb: {  	[smem:$0x3F9D] =	sst s3  }
0xc: {  	[smem:$0x3F9E] =	sst s4  }
0xd: {  	[smem:$0x3F9F] =	sst s5  }
0xe: {  	[smem:$0x3FA0] =	sst s6  }
0xf: {  	[smem:$0x3FA1] =	sst s7  }
0x10: {  	[smem:$0x3FA2] =	sst s8  }
0x11: {  	[smem:$0x3FA3] =	sst s9;
	s0 =	simm.s32 @!p0 $0x0  }
0x12: {  	s1 =	sld [smem:$0x3F89];
	s0 =	simm.s32 @p0 $0x1  }
0x13: {  	[smem:$0x3FA4] =	sst s0;
	s0 =	simm.s32 @!p1 $0x0  }
0x14: {  	s2 =	sld [smem:$0x3F88];
	s0 =	simm.s32 @p1 $0x1  }
0x15: {  	[smem:$0x3FA5] =	sst s0;
	s0 =	simm.s32 @!p2 $0x0  }
0x16: {  	s3 =	sld [smem:$0x3FDB];
	s0 =	simm.s32 @p2 $0x1  }
0x17: {  	s4 =	simm.s32 $0x1BF5;
	[smem:$0x3FA7] =	sst s0  }
0x18: {  	s0 =	sld [smem:$0x3F8A];
	_ =	swait.ge [sflag:s4], $0x0  }
0x19: {  	s7 =	sld [smem:$0x3F8B]  }
0x1a: {  	s8 =	sadd.s32 $0xFFFFE003, lr  }
0x1b: {  	s9 =	sadd.s32 $0xFFFFFEF7, lr;
	s5 =	simm.s32 $0xFFFFFFFF;
	p2 =	slt.u32 s8, $0xFFFFF086  }
0x1c: {  	p1 =	slt.u32 s9, $0xF7A;
	s5 =	simm.s32 @!p2 $0x0  }
0x1d: {  	s5 =	simm.s32 @p1 $0x1;
	p0 =	seq.s32 s7, s2  }
0x1e: {  	s7 =	smul.u32 @!p0 $0xF7A, s2;
	p2 =	seq.s32 @!p0 s5, $0x0  }
0x1f: {  	s9 =	smul.u32 $0xF7A, s1;
	s8 =	simm.s32 @!p0 $0x1BF5;
	p2 =	por !p2, p0  }
0x20: {  	[sflag:s8] =	ssyncset.s32 @!p0 $0xFFFFF086;
	s6 =	sadd.s32 @!p0 s3, s7;
	s7 =	simm.s32 @!p0 $0x108  }
0x21: {  	s3 =	sadd.s32 s3, s9;
	s6 =	sadd.s32 @!p0 $0x88, s6;
	s7 =	simm.s32 @p2 $0x1082  }
0x22: {  	[simem:s7], [sflag:s8] =	dma.local @!p0 [hbm:s6], $0xF7A  }
0x23: {  	s9 =	sor.u32 $0xD0000000, s2;
	s6 =	simm.s32 $0x108;
	_ =	swait.ge @!p0 [sflag:s8], $0x0  }
0x24: {  	s3 =	sadd.s32 $0x88, s3;
	s6 =	simm.s32 @!p1 $0x1082;
	[sflag:s4] =	ssyncset.s32 $0xFFFFF086  }
0x25: {  	[simem:s6], [sflag:s4] =	dma.local [hbm:s3], $0xF7A  }
0x26: {  	[smem:$0x3F8B] =	sst s1;
	(tag) =	ssettag s2;
	_ =	strace s9  }
0x27: {  	s1 =	sld [smem:$0x3F9B]  }
0x28: {  	s2 =	sld [smem:$0x3F9C]  }
0x29: {  	s4 =	sld [smem:$0x3F9E]  }
0x2a: {  	p0 =	seq.s32 s5, $0x0;
	s5 =	sld [smem:$0x3F9F]  }
0x2b: {  	s6 =	sld [smem:$0x3FA0]  }
0x2c: {  	s7 =	sld [smem:$0x3FA1]  }
0x2d: {  	s3 =	simm.s32 $0x108;
	s8 =	sld [smem:$0x3FA2]  }
0x2e: {  	s3 =	simm.s32 @!p0 $0x1082;
	s9 =	sld [smem:$0x3FA3]  }
0x2f: {  	lr =	sadd.s32 s0, s3;
	s0 =	sld [smem:$0x3F9A]  }
0x30: {  	s3 =	sld [smem:$0x3F9D]  }
0x31: {  	[smem:$0x3FA6] =	sst s10  }
0x32: {  	s10 =	sld [smem:$0x3FA4];
	_ =	sdelay $0x3  }
0x33: {  	p0 =	seq.s32 s10, $0x1;
	s10 =	sld [smem:$0x3FA6];
	_ =	sdelay $0x3  }
0x34: {  	[smem:$0x3FA6] =	sst s10  }
0x35: {  	s10 =	sld [smem:$0x3FA5];
	_ =	sdelay $0x3  }
0x36: {  	p1 =	seq.s32 s10, $0x1;
	s10 =	sld [smem:$0x3FA6];
	_ =	sdelay $0x3  }
0x37: {  	[smem:$0x3FA6] =	sst s10  }
0x38: {  	s10 =	sld [smem:$0x3FA7]  }
0x39: {  	_ = 	snop;
	(pc) =	sbr.ind lr, $3  }
0x3a: {  	_ = 	snop  }
0x3b: {  	_ = 	snop  }
0x3c: {  	p2 =	seq.s32 s10, $0x1;
	s10 =	sld [smem:$0x3FA6]  }
0x3d: {  	_ =	shalt  }
0x3e: {  	_ =	shalt  }
0x3f: {  	_ =	shalt  }
0x40: {  	_ =	shalt  }
0x41: {  	_ =	shalt  }
0x42: {  	_ =	shalt  }
0x43: {  	_ =	shalt  }
0x44: {  	_ =	shalt  }
0x45: {  	_ =	shalt  }
0x46: {  	_ =	shalt  }
0x47: {  	_ =	shalt  }
0x48: {  	_ =	shalt  }
0x49: {  	_ =	shalt  }
0x4a: {  	_ =	shalt  }
0x4b: {  	_ =	shalt  }
0x4c: {  	_ =	shalt  }
0x4d: {  	_ =	shalt  }
0x4e: {  	_ =	shalt  }
0x4f: {  	_ =	shalt  }
0x50: {  	_ =	shalt  }
0x51: {  	_ =	shalt  }
0x52: {  	_ =	shalt  }
0x53: {  	_ =	shalt  }
0x54: {  	_ =	shalt  }
0x55: {  	_ =	shalt  }
0x56: {  	_ =	shalt  }
0x57: {  	_ =	shalt  }
0x58: {  	_ =	shalt  }
0x59: {  	_ =	shalt  }
0x5a: {  	_ =	shalt  }
0x5b: {  	_ =	shalt  }
0x5c: {  	_ =	shalt  }
0x5d: {  	_ =	shalt  }
0x5e: {  	_ =	shalt  }
0x5f: {  	_ =	shalt  }
0x60: {  	_ =	shalt  }
0x61: {  	_ =	shalt  }
0x62: {  	_ =	shalt  }
0x63: {  	_ =	shalt  }
0x64: {  	_ =	shalt  }
0x65: {  	_ =	shalt  }
0x66: {  	_ =	shalt  }
0x67: {  	_ =	shalt  }
0x68: {  	_ =	shalt  }
0x69: {  	_ =	shalt  }
0x6a: {  	_ =	shalt  }
0x6b: {  	_ =	shalt  }
0x6c: {  	_ =	shalt  }
0x6d: {  	_ =	shalt  }
0x6e: {  	_ =	shalt  }
0x6f: {  	_ =	shalt  }
0x70: {  	_ =	shalt  }
0x71: {  	_ =	shalt  }
0x72: {  	_ =	shalt  }
0x73: {  	_ =	shalt  }
0x74: {  	_ =	shalt  }
0x75: {  	_ =	shalt  }
0x76: {  	_ =	shalt  }
0x77: {  	_ =	shalt  }
0x78: {  	_ =	shalt  }
0x79: {  	_ =	shalt  }
0x7a: {  	_ =	shalt  }
0x7b: {  	_ =	shalt  }
0x7c: {  	_ =	shalt  }
0x7d: {  	_ =	shalt  }
0x7e: {  	_ =	shalt  }
0x7f: {  	_ =	shalt  }
0x80: {  	_ =	shalt  }
0x81: {  	_ =	shalt  }
0x82: {  	_ =	shalt  }
0x83: {  	_ =	shalt  }
0x84: {  	_ =	shalt  }
0x85: {  	_ =	shalt  }
0x86: {  	_ =	shalt  }
0x87: {  	_ =	shalt  }
.Lfunc_end0:
.L_simem_size_0:
called_computation_lowered:
.L_overlay_start_0:
0x88: {  	s2 =	sld [smem:$0x3FD9]  }
0x89: {  	s3 =	sld [smem:$0x3FFE];
	_ =	sdelay $0x1  }
0x8a: {  	s1 =	srdreg.scid  }
0x8b: {  	s0 =	sand.u32 $0x1, s1  }
0x8c: {  	s17 =	sshll.u32 s0, $0xA;
	s2 =	sadd.s32 s3, s2  }
0x8d: {  	s2 =	sadd.s32 s2, s17  }
0x8e: {  	[smem:$0x3FB2] =	sst s2  }
0x8f: {  	_ = 	snop  }
0x90: {  	s2 =	sld [smem:$0x3FD0];
	(tm) =	ssettm $0x1  }
0x91: {  	s18 =	sld [smem:$0x3FFB];
	_ =	sdelay $0x3  }
0x92: {  	_ =	strace s18  }
0x93: {  	s3 =	sld [smem:$0x3FFC];
	_ =	sdelay $0x3  }
0x94: {  	_ =	strace s3  }
0x95: {  	s3 =	sld [smem:$0x3FFD];
	_ =	sdelay $0x3  }
0x96: {  	_ =	strace s3  }
0x97: {  	_ =	strace $0x8FFFFFFF  }
0x98: {  	s19 =	sld [smem:$0x3FDB];
	_ =	sdelay $0x1  }
0x99: {  	s4 =	simm.s32 $_scs_section_size  }
0x9a: {  	s5 =	simm.s32 $_size__tile_overlayer_lowered;
	s6 =	simm.s32 $_tile_overlayer_lowered  }
0x9b: {  	s22 =	simm.s32 $0x1BFF;
	s21 =	sshll.u32 s6, $0x1;
	s3 =	sadd.s32 s4, s19  }
0x9c: {  	s7 =	simm.s32 $0x0;
	s20 =	sshll.u32 s5, $0x1;
	s5 =	sadd.s32 s21, s3  }
0x9d: {  	[timem:s7], [sflag:s22] =	dma.local [hbm:s5], s20  }
0x9e: {  	_ =	swait.ge [sflag:s22], s20  }
0x9f: {  	s4 =	ssub.s32 $0x0, s20;
	[sflag:s22] =	ssyncset.done $0x0  }
0xa0: {  	[sflag:s22] =	ssyncadd.s32 s4;
	_ =	sdelay $0x1  }
0xa1: {  	s23 =	simm.s32 $0x1B8B  }
0xa2: {  	_ =	swait.ge [sflag:s23], $0x1  }
0xa3: {  	[sflag:s23] =	ssyncset.done $0x0  }
0xa4: {  	s25 =	simm.s32 $0x1B8E;
	s24 =	sld [smem:$0x3FFE];
	[sflag:s23] =	ssyncadd.s32 $0xFFFFFFFF  }
0xa5: {  	s26 =	simm.s32 $execute0_lowered;
	[smem:$0x3FD2] =	sst s25  }
0xa6: {  	s5 =	sshll.u32 s26, $0x1;
	_ =	strace $0x80000046;
	[dreg:$0x1] =	wrdreg $0xFFFFFFFF  }
0xa7: {  	s28 =	simm.s32 $_size_execute0_lowered;
	s3 =	sadd.s32 s3, s5;
	[dreg:$0x0] =	wrdreg $0x0  }
0xa8: {  	s5 =	sshll.u32 s28, $0x1;
	[dreg:$0x2] =	wrdreg s3  }
0xa9: {  	[dreg:$0x3] =	wrdreg s5  }
0xaa: {  	[dreg:$0x4] =	wrdreg $0xC0  }
0xab: {  	_ =	task [dreg:s7], $0x5FFFF  }
0xac: {  	[dreg:$0x1] =	wrdreg $0xFFFFFFFF  }
0xad: {  	[dreg:$0x0] =	wrdreg $0x60  }
0xae: {  	[dreg:$0x2] =	wrdreg s24  }
0xaf: {  	[dreg:$0x3] =	wrdreg s2  }
0xb0: {  	[dreg:$0x4] =	wrdreg $0x2C100  }
0xb1: {  	[dreg:$0x5] =	wrdreg $0x9  }
0xb2: {  	_ =	task.clear_ibuf [dreg:s7], $0x6FFFF;
	_ =	strace $0x90000046  }
0xb3: {  	s29 =	simm.s32 $0x9;
	_ =	strace $0x80000048  }
0xb4: {  	_ =	swait.ge [sflag:s29], $0x1  }
0xb5: {  	[sflag:s29] =	ssyncadd.s32 $0xFFFFFFFF  }
0xb6: {  	_ =	strace $0x90000048  }
0xb7: {  	_ =	sfence  }
0xb8: {  	s30 =	sld [smem:$0x0];
	_ =	sdelay $0x2  }
0xb9: {  	s31 =	sshll.u32 s1, $0xD;
	s1 =	sshrl.u32 s1, $0x2  }
0xba: {  	s3 =	sand.u32 $0x4000, s31;
	s1 =	sadd.s32 s1, s30  }
0xbb: {  	s0 =	sor.u32 s3, s0;
	s1 =	sshll.u32 s1, $0x11  }
0xbc: {  	s0 =	sor.u32 s1, s0  }
0xbd: {  	s0 =	sadd.s32 $0x8F2B, s0  }
0xbe: {  	[sflag:s0] =	ssyncadd.remote.s32 $0x1  }
0xbf: {  	_ =	sfence.sel $0xFFFF  }
0xc0: {  	[dreg:$0x0] =	wrdreg $0xFFFFFFFF;
	(pc) =	sbr.abs _section_cstart, $3  }
0xc1: {  	[dreg:$0x1] =	wrdreg $0xFFFFFFFF  }
0xc2: {  	_ =	task.clear_ibuf [dreg:s7], $0x2FFFF;
	_ =	strace $0x9FFFFFFF  }
0xc3: {  	(tm) =	ssettm $0x7FFFFFFF  }
tec
execute0_lowered:
.L_overlay_start_1:
0x0: {  	(tag) =	ssettag $0x1  }
0x1: {  	s6 =	rddreg [dreg:$0x0]  }
0x2: {  	s0 =	srdreg.scid;
	s2 =	rddreg [dreg:$0x1]  }
0x3: {  	s3 =	rddreg [dreg:$0x2];
	s4 =	simm.s32 $0x0;
	s13 =	simm.s32 $0x50  }
0x4: {  	s14 =	simm.s32 $0x0;
	s5 =	sand.u32 $0x1, s0;
	s0 =	stileid.u32  }
0x5: {  	[smem:$0x7FF] =	sst s4;
	s1 =	sshll.u32 s5, $0x4;
	s8 =	smul.u32 $0x2800, s0  }
0x6: {  	s9 =	smul.u32 $0x28000, s5;
	s5 =	ssub.s32 $0x2, s5;
	s1 =	sor.u32 s0, s1  }
0x7: {  	s31 =	sshll.u32 s0, $0x6;
	s11 =	sshrl.u32 s5, $0x1;
	s7 =	smul.u32 $0x4E2, s1  }
0x8: {  	s1 =	rddreg [dreg:$0x3];
	_ =	strace $0x80000047;
	s9 =	sadd.s32 s8, s9  }
0x9: {  	s10 =	sshrl.u32 s8, $0x3;
	s11 =	ssub.s32 s5, s11;
	s12 =	sadd.s32 s8, s3  }
0xa: {  	s9 =	sshrl.u32 s9, $0x3;
	s10 =	sadd.s32 s10, s6;
	s7 =	sadd.s32 s7, s6  }
0xb: {  	s9 =	sadd.s32 s9, s6;
	s5 =	sadd.s32 $0x19800, s10;
	s6 =	sor.u32 $0x1C01, s31  }
0xc: {  	s10 =	sshrl.u32 s12, $0x3;
	s12 =	simm.s32 $0x2710;
	s7 =	sadd.s32 $0xFA00, s7  }
0xd: {  	s8 =	sadd.s32 $0x1E800, s9;
	s9 =	smax.u32 s11, $0x1;
	s11 =	simm.s32 $0x1  }
.LBB2_1:
0xe: {  	[spmem:s10], [sflag:s6] =	dma.local [hbm:s5], $0x500  }
0xf: {  	_ =	swait.ge [sflag:s11], $0x500  }
0x10: {  	[sflag:s11] =	ssyncset.done $0x0  }
0x11: {  	[sflag:s11] =	ssyncadd.s32 $0xFFFFFB00  }
0x12: {  	[tilespmem:s4], [sflag:$0x1] =	stream.linear.gather [hbm4b:s7+s4], $0x2710, $0x38;
	[tilespmem:$0x5410] =	vst v63  }
0x13: {  	_ =	swait.ge [sflag:s11], $0x2710  }
0x14: {  	[sflag:s11] =	ssyncset.done $0x0  }
0x15: {  	[sflag:s11] =	ssyncadd.s32 $0xFFFFD8F0  }
0x16: {  	[tilespmem:s12], [sflag:$0x1] =	stream.linear.gather [hbm4b:s2+s4], $0x500, $0x38;
	[tilespmem:$0x5410] =	vst v63  }
0x17: {  	_ =	swait.ge [sflag:s11], $0x500  }
0x18: {  	[sflag:s11] =	ssyncset.done $0x0  }
0x19: {  	[sflag:s11] =	ssyncadd.s32 $0xFFFFFB00  }
0x1a: {  	s15 =	simm.s32 $0x0;
	[bflag:$0x0] =	sbarrier.arrive $0xFFFF  }
0x1b: {  	[spmem:s3] =	stream.indirect.scatter.add.f32 [tilespmem:s12], [sflag:$0x1], $0x10, s15, s13, $0xb8;
	[tilespmem:$0x5410] =	vst v63  }
0x1c: {  	_ =	swait.ge [sflag:s11], $0x500  }
0x1d: {  	s15 =	simm.s32 $0x140;
	[sflag:s11] =	ssyncset.done $0x0  }
.LBB2_2:
0x1e: {  	s16 =	sshra.s32 s15, $0x2;
	[sflag:s11] =	ssyncadd.s32 $0xFFFFFB00;
	p0 =	sne.s32 s15, $0x9B00  }
0x1f: {  	[spmem:s3] =	stream.indirect.scatter.add.f32 [tilespmem:s12], [sflag:$0x1], $0x10, s16, s13, $0xb8;
	[tilespmem:$0x5410] =	vst v63  }
.Ltmp0:
0x20: {  	_ = 	snop;
	(pc) =	sbr.rel @p0 .LBB2_2-.Ltmp0, $4  }
0x21: {  	_ = 	snop  }
0x22: {  	s15 =	sadd.s32 $0x140, s15  }
0x23: {  	_ =	swait.ge [sflag:s11], $0x500  }
0x24: {  	[sflag:s11] =	ssyncset.done $0x0  }
0x25: {  	s14 =	sadd.s32 $0x1, s14  }
0x26: {  	[sflag:s11] =	ssyncadd.s32 $0xFFFFFB00;
	p0 =	sne.s32 s14, s9  }
.Ltmp1:
0x27: {  	[bflag:$0x0] =	sbarrier.arrive $0xFFFF;
	(pc) =	sbr.rel @p0 .LBB2_1-.Ltmp1, $4  }
0x28: {  	[hbm:s8], [sflag:s6] =	dma.local [spmem:s10], $0x500  }
0x29: {  	_ =	swait.ge [sflag:s11], $0x500  }
0x2a: {  	[sflag:s11] =	ssyncset.done $0x0  }
0x2b: {  	[sflag:s11] =	ssyncadd.s32 $0xFFFFFB00  }
0x2c: {  	_ =	sfence.sel $0x180000  }
0x2d: {  	[bflag:$0x0] =	sbarrier.arrive $0xFFFF  }
0x2e: {  	p0 =	sne.s32 s0, $0x0;
	_ =	strace $0x90000047  }
0x2f: {  	s0 =	sadd.s32 @!p0 $0x100000, s1;
	[bflag:$0x2] =	sbarrier.arrive $0xFFFF  }
0x30: {  	[sflag:s0] =	ssyncadd.tile.s32 @!p0 $0x1;
	_ =	shalt  }
.Lfunc_end2:
_tile_overlayer_lowered:
.L_overlay_start_2:
0x31: {  	(tag) =	ssettag $0x2  }
0x32: {  	s0 =	rddreg [dreg:$0x0];
	s2 =	stileid.u32  }
0x33: {  	s1 =	rddreg [dreg:$0x1];
	p0 =	sne.s32 s2, $0x0  }
0x34: {  	s3 =	rddreg [dreg:$0x2];
	[bflag:$0x3] =	sbarrier.arrive $0xFFFF;
	s2 =	simm.s32 @!p0 $0x1C01  }
0x35: {  	[timem:s3], [sflag:s2] =	dma.local @!p0 [hbm:s0], s1  }
0x36: {  	s0 =	simm.s32 @!p0 $0x1  }
0x37: {  	_ =	swait.ge @!p0 [sflag:s0], s1  }
0x38: {  	s1 =	ssub.s32 @!p0 $0x0, s1;
	[sflag:s0] =	ssyncset.done @!p0 $0x0  }
0x39: {  	[sflag:s0] =	ssyncadd.s32 @!p0 s1  }
0x3a: {  	[bflag:$0x3] =	sbarrier.arrive $0xFFFF  }
0x3b: {  	_ =	shalt  }

// kernel: kernel.19.cloned.1.call-start
scs
__scs_entry_jumppad:
0x0: {  	(pc) =	sbr.rel $0x88, $3  }
0x1: {  	(tag) =	ssettag $0x0;
	lr =	simm.s32 $0x1  }
0x2: {  	[smem:$0x3F8B] =	sst lr;
	_ =	strace $0xD0000000  }
0x3: {  	_ = 	snop  }
0x4: {  	_ = 	snop  }
0x5: {  	_ = 	snop  }
0x6: {  	_ = 	snop  }
0x7: {  	_ = 	snop  }
__scs_overlays_trampoline_lowered:
0x8: {  	[smem:$0x3F9A] =	sst s0  }
0x9: {  	[smem:$0x3F9B] =	sst s1  }
0xa: {  	[smem:$0x3F9C] =	sst s2  }
0xb: {  	[smem:$0x3F9D] =	sst s3  }
0xc: {  	[smem:$0x3F9E] =	sst s4  }
0xd: {  	[smem:$0x3F9F] =	sst s5  }
0xe: {  	[smem:$0x3FA0] =	sst s6  }
0xf: {  	[smem:$0x3FA1] =	sst s7  }
0x10: {  	[smem:$0x3FA2] =	sst s8  }
0x11: {  	[smem:$0x3FA3] =	sst s9;
	s0 =	simm.s32 @!p0 $0x0  }
0x12: {  	s1 =	sld [smem:$0x3F89];
	s0 =	simm.s32 @p0 $0x1  }
0x13: {  	[smem:$0x3FA4] =	sst s0;
	s0 =	simm.s32 @!p1 $0x0  }
0x14: {  	s2 =	sld [smem:$0x3F88];
	s0 =	simm.s32 @p1 $0x1  }
0x15: {  	[smem:$0x3FA5] =	sst s0;
	s0 =	simm.s32 @!p2 $0x0  }
0x16: {  	s3 =	sld [smem:$0x3FDB];
	s0 =	simm.s32 @p2 $0x1  }
0x17: {  	s4 =	simm.s32 $0x1BF5;
	[smem:$0x3FA7] =	sst s0  }
0x18: {  	s0 =	sld [smem:$0x3F8A];
	_ =	swait.ge [sflag:s4], $0x0  }
0x19: {  	s7 =	sld [smem:$0x3F8B]  }
0x1a: {  	s8 =	sadd.s32 $0xFFFFE003, lr  }
0x1b: {  	s9 =	sadd.s32 $0xFFFFFEF7, lr;
	s5 =	simm.s32 $0xFFFFFFFF;
	p2 =	slt.u32 s8, $0xFFFFF086  }
0x1c: {  	p1 =	slt.u32 s9, $0xF7A;
	s5 =	simm.s32 @!p2 $0x0  }
0x1d: {  	s5 =	simm.s32 @p1 $0x1;
	p0 =	seq.s32 s7, s2  }
0x1e: {  	s7 =	smul.u32 @!p0 $0xF7A, s2;
	p2 =	seq.s32 @!p0 s5, $0x0  }
0x1f: {  	s9 =	smul.u32 $0xF7A, s1;
	s8 =	simm.s32 @!p0 $0x1BF5;
	p2 =	por !p2, p0  }
0x20: {  	[sflag:s8] =	ssyncset.s32 @!p0 $0xFFFFF086;
	s6 =	sadd.s32 @!p0 s3, s7;
	s7 =	simm.s32 @!p0 $0x108  }
0x21: {  	s3 =	sadd.s32 s3, s9;
	s6 =	sadd.s32 @!p0 $0x88, s6;
	s7 =	simm.s32 @p2 $0x1082  }
0x22: {  	[simem:s7], [sflag:s8] =	dma.local @!p0 [hbm:s6], $0xF7A  }
0x23: {  	s9 =	sor.u32 $0xD0000000, s2;
	s6 =	simm.s32 $0x108;
	_ =	swait.ge @!p0 [sflag:s8], $0x0  }
0x24: {  	s3 =	sadd.s32 $0x88, s3;
	s6 =	simm.s32 @!p1 $0x1082;
	[sflag:s4] =	ssyncset.s32 $0xFFFFF086  }
0x25: {  	[simem:s6], [sflag:s4] =	dma.local [hbm:s3], $0xF7A  }
0x26: {  	[smem:$0x3F8B] =	sst s1;
	(tag) =	ssettag s2;
	_ =	strace s9  }
0x27: {  	s1 =	sld [smem:$0x3F9B]  }
0x28: {  	s2 =	sld [smem:$0x3F9C]  }
0x29: {  	s4 =	sld [smem:$0x3F9E]  }
0x2a: {  	p0 =	seq.s32 s5, $0x0;
	s5 =	sld [smem:$0x3F9F]  }
0x2b: {  	s6 =	sld [smem:$0x3FA0]  }
0x2c: {  	s7 =	sld [smem:$0x3FA1]  }
0x2d: {  	s3 =	simm.s32 $0x108;
	s8 =	sld [smem:$0x3FA2]  }
0x2e: {  	s3 =	simm.s32 @!p0 $0x1082;
	s9 =	sld [smem:$0x3FA3]  }
0x2f: {  	lr =	sadd.s32 s0, s3;
	s0 =	sld [smem:$0x3F9A]  }
0x30: {  	s3 =	sld [smem:$0x3F9D]  }
0x31: {  	[smem:$0x3FA6] =	sst s10  }
0x32: {  	s10 =	sld [smem:$0x3FA4];
	_ =	sdelay $0x3  }
0x33: {  	p0 =	seq.s32 s10, $0x1;
	s10 =	sld [smem:$0x3FA6];
	_ =	sdelay $0x3  }
0x34: {  	[smem:$0x3FA6] =	sst s10  }
0x35: {  	s10 =	sld [smem:$0x3FA5];
	_ =	sdelay $0x3  }
0x36: {  	p1 =	seq.s32 s10, $0x1;
	s10 =	sld [smem:$0x3FA6];
	_ =	sdelay $0x3  }
0x37: {  	[smem:$0x3FA6] =	sst s10  }
0x38: {  	s10 =	sld [smem:$0x3FA7]  }
0x39: {  	_ = 	snop;
	(pc) =	sbr.ind lr, $3  }
0x3a: {  	_ = 	snop  }
0x3b: {  	_ = 	snop  }
0x3c: {  	p2 =	seq.s32 s10, $0x1;
	s10 =	sld [smem:$0x3FA6]  }
0x3d: {  	_ =	shalt  }
0x3e: {  	_ =	shalt  }
0x3f: {  	_ =	shalt  }
0x40: {  	_ =	shalt  }
0x41: {  	_ =	shalt  }
0x42: {  	_ =	shalt  }
0x43: {  	_ =	shalt  }
0x44: {  	_ =	shalt  }
0x45: {  	_ =	shalt  }
0x46: {  	_ =	shalt  }
0x47: {  	_ =	shalt  }
0x48: {  	_ =	shalt  }
0x49: {  	_ =	shalt  }
0x4a: {  	_ =	shalt  }
0x4b: {  	_ =	shalt  }
0x4c: {  	_ =	shalt  }
0x4d: {  	_ =	shalt  }
0x4e: {  	_ =	shalt  }
0x4f: {  	_ =	shalt  }
0x50: {  	_ =	shalt  }
0x51: {  	_ =	shalt  }
0x52: {  	_ =	shalt  }
0x53: {  	_ =	shalt  }
0x54: {  	_ =	shalt  }
0x55: {  	_ =	shalt  }
0x56: {  	_ =	shalt  }
0x57: {  	_ =	shalt  }
0x58: {  	_ =	shalt  }
0x59: {  	_ =	shalt  }
0x5a: {  	_ =	shalt  }
0x5b: {  	_ =	shalt  }
0x5c: {  	_ =	shalt  }
0x5d: {  	_ =	shalt  }
0x5e: {  	_ =	shalt  }
0x5f: {  	_ =	shalt  }
0x60: {  	_ =	shalt  }
0x61: {  	_ =	shalt  }
0x62: {  	_ =	shalt  }
0x63: {  	_ =	shalt  }
0x64: {  	_ =	shalt  }
0x65: {  	_ =	shalt  }
0x66: {  	_ =	shalt  }
0x67: {  	_ =	shalt  }
0x68: {  	_ =	shalt  }
0x69: {  	_ =	shalt  }
0x6a: {  	_ =	shalt  }
0x6b: {  	_ =	shalt  }
0x6c: {  	_ =	shalt  }
0x6d: {  	_ =	shalt  }
0x6e: {  	_ =	shalt  }
0x6f: {  	_ =	shalt  }
0x70: {  	_ =	shalt  }
0x71: {  	_ =	shalt  }
0x72: {  	_ =	shalt  }
0x73: {  	_ =	shalt  }
0x74: {  	_ =	shalt  }
0x75: {  	_ =	shalt  }
0x76: {  	_ =	shalt  }
0x77: {  	_ =	shalt  }
0x78: {  	_ =	shalt  }
0x79: {  	_ =	shalt  }
0x7a: {  	_ =	shalt  }
0x7b: {  	_ =	shalt  }
0x7c: {  	_ =	shalt  }
0x7d: {  	_ =	shalt  }
0x7e: {  	_ =	shalt  }
0x7f: {  	_ =	shalt  }
0x80: {  	_ =	shalt  }
0x81: {  	_ =	shalt  }
0x82: {  	_ =	shalt  }
0x83: {  	_ =	shalt  }
0x84: {  	_ =	shalt  }
0x85: {  	_ =	shalt  }
0x86: {  	_ =	shalt  }
0x87: {  	_ =	shalt  }
.Lfunc_end0:
.L_simem_size_0:
called_computation.1_lowered:
.L_overlay_start_0:
0x88: {  	s2 =	sld [smem:$0x3FD9]  }
0x89: {  	s3 =	sld [smem:$0x3FFE];
	_ =	sdelay $0x1  }
0x8a: {  	s1 =	srdreg.scid  }
0x8b: {  	s0 =	sand.u32 $0x1, s1  }
0x8c: {  	s16 =	sshll.u32 s0, $0xA;
	s2 =	sadd.s32 s3, s2  }
0x8d: {  	s2 =	sadd.s32 s2, s16  }
0x8e: {  	[smem:$0x3FB2] =	sst s2  }
0x8f: {  	_ = 	snop  }
0x90: {  	(tm) =	ssettm $0x1  }
0x91: {  	s17 =	sld [smem:$0x3FFB];
	_ =	sdelay $0x3  }
0x92: {  	_ =	strace s17  }
0x93: {  	s2 =	sld [smem:$0x3FFC];
	_ =	sdelay $0x3  }
0x94: {  	_ =	strace s2  }
0x95: {  	s2 =	sld [smem:$0x3FFD];
	_ =	sdelay $0x3  }
0x96: {  	_ =	strace s2  }
0x97: {  	_ =	strace $0x8FFFFFFF  }
0x98: {  	s18 =	sld [smem:$0x3FDB];
	_ =	sdelay $0x1  }
0x99: {  	s19 =	simm.s32 $_scs_section_size  }
0x9a: {  	s4 =	simm.s32 $_size__tile_overlayer_lowered;
	s5 =	simm.s32 $_tile_overlayer_lowered  }
0x9b: {  	s22 =	simm.s32 $0x1BFF;
	s21 =	sshll.u32 s5, $0x1;
	s2 =	sadd.s32 s19, s18  }
0x9c: {  	s6 =	simm.s32 $0x0;
	s20 =	sshll.u32 s4, $0x1;
	s4 =	sadd.s32 s21, s2  }
0x9d: {  	[timem:s6], [sflag:s22] =	dma.local [hbm:s4], s20  }
0x9e: {  	_ =	swait.ge [sflag:s22], s20  }
0x9f: {  	s3 =	ssub.s32 $0x0, s20;
	[sflag:s22] =	ssyncset.done $0x0  }
0xa0: {  	[sflag:s22] =	ssyncadd.s32 s3;
	_ =	sdelay $0x1  }
0xa1: {  	s23 =	simm.s32 $0x1B8B  }
0xa2: {  	_ =	swait.ge [sflag:s23], $0x1  }
0xa3: {  	[sflag:s23] =	ssyncset.done $0x0  }
0xa4: {  	s25 =	simm.s32 $0x1B8E;
	s24 =	sld [smem:$0x3FFE];
	[sflag:s23] =	ssyncadd.s32 $0xFFFFFFFF  }
0xa5: {  	s26 =	simm.s32 $execute0_lowered;
	[smem:$0x3FD2] =	sst s25  }
0xa6: {  	s4 =	sshll.u32 s26, $0x1;
	_ =	strace $0x80000049;
	[dreg:$0x1] =	wrdreg $0xFFFFFFFF  }
0xa7: {  	s28 =	simm.s32 $_size_execute0_lowered;
	s2 =	sadd.s32 s2, s4;
	[dreg:$0x0] =	wrdreg $0x0  }
0xa8: {  	s4 =	sshll.u32 s28, $0x1;
	[dreg:$0x2] =	wrdreg s2  }
0xa9: {  	[dreg:$0x3] =	wrdreg s4  }
0xaa: {  	[dreg:$0x4] =	wrdreg $0xC0  }
0xab: {  	_ =	task [dreg:s6], $0x5FFFF  }
0xac: {  	[dreg:$0x1] =	wrdreg $0xFFFFFFFF  }
0xad: {  	[dreg:$0x0] =	wrdreg $0x60  }
0xae: {  	[dreg:$0x2] =	wrdreg s24  }
0xaf: {  	[dreg:$0x3] =	wrdreg $0x58200  }
0xb0: {  	[dreg:$0x4] =	wrdreg $0x9  }
0xb1: {  	_ =	task.clear_ibuf [dreg:s6], $0x5FFFF;
	_ =	strace $0x90000049  }
0xb2: {  	s29 =	simm.s32 $0x9;
	_ =	strace $0x8000004B  }
0xb3: {  	_ =	swait.ge [sflag:s29], $0x1  }
0xb4: {  	[sflag:s29] =	ssyncadd.s32 $0xFFFFFFFF  }
0xb5: {  	_ =	strace $0x9000004B  }
0xb6: {  	_ =	sfence  }
0xb7: {  	s30 =	sld [smem:$0x0];
	_ =	sdelay $0x2  }
0xb8: {  	s31 =	sshll.u32 s1, $0xD;
	s1 =	sshrl.u32 s1, $0x2  }
0xb9: {  	s3 =	sand.u32 $0x4000, s31;
	s1 =	sadd.s32 s1, s30  }
0xba: {  	s0 =	sor.u32 s3, s0;
	s1 =	sshll.u32 s1, $0x11  }
0xbb: {  	s0 =	sor.u32 s1, s0  }
0xbc: {  	s0 =	sadd.s32 $0x8F2B, s0  }
0xbd: {  	[sflag:s0] =	ssyncadd.remote.s32 $0x1  }
0xbe: {  	_ =	sfence.sel $0xFFFF  }
0xbf: {  	[dreg:$0x0] =	wrdreg $0xFFFFFFFF;
	(pc) =	sbr.abs _section_cstart, $3  }
0xc0: {  	[dreg:$0x1] =	wrdreg $0xFFFFFFFF  }
0xc1: {  	_ =	task.clear_ibuf [dreg:s6], $0x2FFFF;
	_ =	strace $0x9FFFFFFF  }
0xc2: {  	(tm) =	ssettm $0x7FFFFFFF  }
0xc3: {  	_ =	shalt  }
tec
execute0_lowered:
.L_overlay_start_1:
0x0: {  	(tag) =	ssettag $0x1  }
0x1: {  	s6 =	rddreg [dreg:$0x0]  }
0x2: {  	s0 =	srdreg.scid;
	s2 =	rddreg [dreg:$0x1];
	s3 =	simm.s32 $0x0  }
0x3: {  	s13 =	simm.s32 $0x4E20;
	s14 =	simm.s32 $0x1;
	s15 =	simm.s32 $0x50  }
0x4: {  	s16 =	simm.s32 $0x4DD0;
	s17 =	simm.s32 $0x4;
	s18 =	simm.s32 $0x0  }
0x5: {  	s5 =	sand.u32 $0x1, s0;
	s0 =	stileid.u32;
	[smem:$0x7FF] =	sst s3  }
0x6: {  	s4 =	sadd.s32 $0x1E800, s6;
	s1 =	sshll.u32 s5, $0x4;
	s8 =	smul.u32 $0x2800, s0  }
0x7: {  	s9 =	smul.u32 $0x28000, s5;
	s5 =	ssub.s32 $0x2, s5;
	s1 =	sor.u32 s0, s1  }
0x8: {  	s31 =	sshll.u32 s0, $0x6;
	s11 =	sshrl.u32 s5, $0x1;
	s7 =	smul.u32 $0x4E2, s1  }
0x9: {  	s1 =	rddreg [dreg:$0x2];
	_ =	strace $0x8000004A;
	s30 =	sshrl.u32 s8, $0x3  }
0xa: {  	s9 =	sadd.s32 s8, s9;
	s11 =	ssub.s32 s5, s11;
	s12 =	sadd.s32 s8, s2  }
0xb: {  	s9 =	sshrl.u32 s9, $0x3;
	s10 =	sadd.s32 s7, s6;
	s7 =	sadd.s32 s30, s6  }
0xc: {  	s9 =	sadd.s32 s9, s6;
	s6 =	sor.u32 $0x1C03, s31;
	s5 =	sadd.s32 $0x19800, s7  }
0xd: {  	s7 =	sadd.s32 $0x5C00, s10;
	s8 =	sadd.s32 $0xFA00, s10;
	s9 =	sadd.s32 $0x23800, s9  }
0xe: {  	s10 =	smax.u32 s11, $0x1;
	s11 =	sshrl.u32 s12, $0x3;
	s12 =	simm.s32 $0x3  }
.LBB2_1:
0xf: {  	[spmem:s11], [sflag:s6] =	dma.local [hbm:s5], $0x500  }
0x10: {  	_ =	swait.ge [sflag:s12], $0x500  }
0x11: {  	[sflag:s12] =	ssyncset.done $0x0  }
0x12: {  	[sflag:s12] =	ssyncadd.s32 $0xFFFFFB00  }
0x13: {  	[tilespmem:s3], [sflag:$0x3] =	stream.linear.gather [hbm4b:s7+s3], $0x2710, $0x38;
	[tilespmem:$0x8020] =	vst v63  }
0x14: {  	_ =	swait.ge [sflag:s12], $0x2710  }
0x15: {  	[sflag:s12] =	ssyncset.done $0x0  }
0x16: {  	s19 =	simm.s32 $0x2710;
	[sflag:s12] =	ssyncadd.s32 $0xFFFFD8F0  }
0x17: {  	[tilespmem:s19], [sflag:$0x3] =	stream.linear.gather [hbm4b:s8+s3], $0x2710, $0x38;
	[tilespmem:$0x8020] =	vst v63  }
0x18: {  	_ =	swait.ge [sflag:s12], $0x2710  }
0x19: {  	[sflag:s12] =	ssyncset.done $0x0  }
0x1a: {  	s20 =	sand.u32 $0x1, s3;
	[sflag:s12] =	ssyncadd.s32 $0xFFFFD8F0  }
0x1b: {  	p0 =	seq.s32 s20, $0x1;
	[bflag:$0x0] =	sbarrier.arrive $0xFFFF  }
0x1c: {  	[tilespmem:s13], [sflag:$0x1] =	stream.indirect.gather [hbm4b:s4+s15], $0x10, s3, s15, $0xb8;
	[tilespmem:$0x8020] =	vst v63  }
0x1d: {  	s20 =	simm.s32 @p0 $0x50;
	s21 =	simm.s32 @p0 $0x4E20;
	s22 =	simm.s32 @p0 $0x2  }
0x1e: {  	[tilespmem:s21], [sflag:$0x1] =	stream.indirect.gather @p0 [hbm4b:s4+s20], $0x10, s15, s20, $0xb8;
	[tilespmem:$0x8020] =	vst v63  }
0x1f: {  	_ =	swait.ge @p0 [sflag:s22], $0x500  }
0x20: {  	[sflag:s22] =	ssyncset.done @p0 $0x0  }
0x21: {  	s21 =	simm.s32 @p0 $0x5320;
	[sflag:s22] =	ssyncadd.s32 @p0 $0xFFFFFB00  }
0x22: {  	[spmem:s2] =	stream.indirect.scatter.add.f32 @p0 [tilespmem:s21], [sflag:$0x3], $0x10, s19, s20, $0xb8;
	[tilespmem:$0x8020] =	vst v63  }
0x23: {  	s23 =	simm.s32 @!p0 $0x1;
	s20 =	simm.s32 @!p0 $0x50;
	s21 =	simm.s32 @!p0 $0x5320  }
0x24: {  	[tilespmem:s21], [sflag:$0x2] =	stream.indirect.gather @!p0 [hbm4b:s4+s20], $0x10, s15, s20, $0xb8;
	[tilespmem:$0x8020] =	vst v63  }
0x25: {  	_ =	swait.ge @!p0 [sflag:s23], $0x500  }
0x26: {  	s24 =	simm.s32 $0x1;
	s22 =	simm.s32 @!p0 $0x4;
	[sflag:s23] =	ssyncset.done @!p0 $0x0  }
0x27: {  	s22 =	simm.s32 @p0 $0x3;
	s21 =	simm.s32 @!p0 $0x4E20;
	[sflag:s23] =	ssyncadd.s32 @!p0 $0xFFFFFB00  }
0x28: {  	[spmem:s2] =	stream.indirect.scatter.add.f32 @!p0 [tilespmem:s21], [sflag:$0x4], $0x10, s19, s20, $0xb8;
	[tilespmem:$0x8020] =	vst v63  }
0x29: {  	s23 =	sand.u32 $0x1, s24;
	s21 =	simm.s32 $0x2;
	_ =	swait.ge [sflag:s22], $0x500  }
0x2a: {  	s20 =	simm.s32 $0xA0;
	s19 =	simm.s32 $0x2760;
	[sflag:s22] =	ssyncset.done $0x0  }
.LBB2_2:
0x2b: {  	p0 =	seq.s32 s23, $0x1  }
0x2c: {  	[sflag:s22] =	ssyncadd.s32 $0xFFFFFB00;
	s23 =	smov.u32 s21;
	s21 =	sadd.s32 $0x1, s21  }
0x2d: {  	s24 =	simm.s32 @p0 $0x50;
	s22 =	simm.s32 @p0 $0x4E20;
	s25 =	simm.s32 @p0 $0x2  }
0x2e: {  	[tilespmem:s22], [sflag:$0x1] =	stream.indirect.gather @p0 [hbm4b:s4+s24], $0x10, s20, s24, $0xb8;
	[tilespmem:$0x8020] =	vst v63  }
0x2f: {  	p1 =	sne.s32 s21, $0x7C;
	s22 =	simm.s32 @!p0 $0x4;
	_ =	swait.ge @p0 [sflag:s25], $0x500  }
0x30: {  	[sflag:s25] =	ssyncset.done @p0 $0x0  }
0x31: {  	[sflag:s25] =	ssyncadd.s32 @p0 $0xFFFFFB00;
	s25 =	simm.s32 @p0 $0x5320  }
0x32: {  	[spmem:s2] =	stream.indirect.scatter.add.f32 @p0 [tilespmem:s25], [sflag:$0x3], $0x10, s19, s24, $0xb8;
	[tilespmem:$0x8020] =	vst v63  }
0x33: {  	s26 =	simm.s32 @!p0 $0x1;
	s24 =	simm.s32 @!p0 $0x50;
	s25 =	simm.s32 @!p0 $0x5320  }
0x34: {  	[tilespmem:s25], [sflag:$0x2] =	stream.indirect.gather @!p0 [hbm4b:s4+s24], $0x10, s20, s24, $0xb8;
	[tilespmem:$0x8020] =	vst v63  }
0x35: {  	_ =	swait.ge @!p0 [sflag:s26], $0x500  }
.Ltmp0:
0x36: {  	[sflag:s26] =	ssyncset.done @!p0 $0x0;
	(pc) =	sbr.rel @p1 .LBB2_2-.Ltmp0, $4  }
0x37: {  	s22 =	simm.s32 @p0 $0x3;
	s25 =	simm.s32 @!p0 $0x4E20;
	[sflag:s26] =	ssyncadd.s32 @!p0 $0xFFFFFB00  }
0x38: {  	[spmem:s2] =	stream.indirect.scatter.add.f32 @!p0 [tilespmem:s25], [sflag:$0x4], $0x10, s19, s24, $0xb8;
	[tilespmem:$0x8020] =	vst v63  }
0x39: {  	s20 =	sadd.s32 $0x50, s20;
	_ =	swait.ge [sflag:s22], $0x500  }
0x3a: {  	s23 =	sand.u32 $0x1, s23;
	s19 =	sadd.s32 $0x50, s19;
	[sflag:s22] =	ssyncset.done $0x0  }
0x3b: {  	p0 =	seq.s32 s23, $0x1;
	[sflag:s22] =	ssyncadd.s32 $0xFFFFFB00  }
0x3c: {  	s21 =	simm.s32 @p0 $0x50;
	s22 =	simm.s32 @p0 $0x4E20;
	s23 =	simm.s32 @p0 $0x2  }
0x3d: {  	[tilespmem:s22], [sflag:$0x1] =	stream.indirect.gather @p0 [hbm4b:s4+s21], $0x10, s20, s21, $0xb8;
	[tilespmem:$0x8020] =	vst v63  }
0x3e: {  	_ =	swait.ge @p0 [sflag:s23], $0x500  }
0x3f: {  	[sflag:s23] =	ssyncset.done @p0 $0x0  }
0x40: {  	s22 =	simm.s32 @p0 $0x5320;
	[sflag:s23] =	ssyncadd.s32 @p0 $0xFFFFFB00  }
0x41: {  	[spmem:s2] =	stream.indirect.scatter.add.f32 @p0 [tilespmem:s22], [sflag:$0x3], $0x10, s19, s21, $0xb8;
	[tilespmem:$0x8020] =	vst v63  }
0x42: {  	s23 =	simm.s32 @!p0 $0x1;
	s21 =	simm.s32 @!p0 $0x50;
	s22 =	simm.s32 @!p0 $0x5320  }
0x43: {  	[tilespmem:s22], [sflag:$0x2] =	stream.indirect.gather @!p0 [hbm4b:s4+s21], $0x10, s20, s21, $0xb8;
	[tilespmem:$0x8020] =	vst v63  }
0x44: {  	_ =	swait.ge @!p0 [sflag:s23], $0x500  }
0x45: {  	s20 =	simm.s32 @!p0 $0x4;
	[sflag:s23] =	ssyncset.done @!p0 $0x0  }
0x46: {  	s22 =	simm.s32 @!p0 $0x4E20;
	s20 =	simm.s32 @p0 $0x3;
	[sflag:s23] =	ssyncadd.s32 @!p0 $0xFFFFFB00  }
0x47: {  	[spmem:s2] =	stream.indirect.scatter.add.f32 @!p0 [tilespmem:s22], [sflag:$0x4], $0x10, s19, s21, $0xb8;
	[tilespmem:$0x8020] =	vst v63  }
0x48: {  	_ =	swait.ge [sflag:s20], $0x500  }
0x49: {  	[sflag:s20] =	ssyncset.done $0x0  }
0x4a: {  	[sflag:s20] =	ssyncadd.s32 $0xFFFFFB00  }
0x4b: {  	_ =	swait.ge [sflag:s14], $0x500  }
0x4c: {  	[sflag:s14] =	ssyncset.done $0x0  }
0x4d: {  	[sflag:s14] =	ssyncadd.s32 $0xFFFFFB00  }
0x4e: {  	[spmem:s2] =	stream.indirect.scatter.add.f32 [tilespmem:s13], [sflag:$0x4], $0x10, s16, s15, $0xb8;
	[tilespmem:$0x8020] =	vst v63  }
0x4f: {  	_ =	swait.ge [sflag:s17], $0x500  }
0x50: {  	s18 =	sadd.s32 $0x1, s18;
	[sflag:s17] =	ssyncset.done $0x0  }
0x51: {  	p0 =	sne.s32 s18, s10;
	[sflag:s17] =	ssyncadd.s32 $0xFFFFFB00  }
.Ltmp1:
0x52: {  	[bflag:$0x0] =	sbarrier.arrive $0xFFFF;
	(pc) =	sbr.rel @p0 .LBB2_1-.Ltmp1, $4  }
0x53: {  	[hbm:s9], [sflag:s6] =	dma.local [spmem:s11], $0x500  }
0x54: {  	_ =	swait.ge [sflag:s12], $0x500  }
0x55: {  	[sflag:s12] =	ssyncset.done $0x0  }
0x56: {  	[sflag:s12] =	ssyncadd.s32 $0xFFFFFB00  }
0x57: {  	_ =	sfence.sel $0x180000  }
0x58: {  	[bflag:$0x0] =	sbarrier.arrive $0xFFFF  }
0x59: {  	p0 =	sne.s32 s0, $0x0;
	_ =	strace $0x9000004A  }
0x5a: {  	s0 =	sadd.s32 @!p0 $0x100000, s1;
	[bflag:$0x2] =	sbarrier.arrive $0xFFFF  }
0x5b: {  	[sflag:s0] =	ssyncadd.tile.s32 @!p0 $0x1;
	_ =	shalt  }
.Lfunc_end2:
_tile_overlayer_lowered:
.L_overlay_start_2:
0x5c: {  	(tag) =	ssettag $0x2  }
0x5d: {  	s0 =	rddreg [dreg:$0x0];
	s2 =	stileid.u32  }
0x5e: {  	s1 =	rddreg [dreg:$0x1];
	p0 =	sne.s32 s2, $0x0  }
0x5f: {  	s3 =	rddreg [dreg:$0x2];
	[bflag:$0x3] =	sbarrier.arrive $0xFFFF;
	s2 =	simm.s32 @!p0 $0x1C03  }
0x60: {  	[timem:s3], [sflag:s2] =	dma.local @!p0 [hbm:s0], s1  }
0x61: {  	s0 =	simm.s32 @!p0 $0x3  }
0x62: {  	_ =	swait.ge @!p0 [sflag:s0], s1  }
0x63: {  	s1 =	ssub.s32 @!p0 $0x0, s1;
	[sflag:s0] =	ssyncset.done @!p0 $0x0  }
0x64: {  	[sflag:s0] =	ssyncadd.s32 @!p0 s1  }
0x65: {  	[bflag:$0x3] =	sbarrier.arrive $0xFFFF  }
0x66: {  	_ =	shalt  }

// kernel: kernel.22.cloned.1.call-start
scs
__scs_entry_jumppad:
0x0: {  	(pc) =	sbr.rel $0x88, $3  }
0x1: {  	(tag) =	ssettag $0x0;
	lr =	simm.s32 $0x1  }
0x2: {  	[smem:$0x3F8B] =	sst lr;
	_ =	strace $0xD0000000  }
0x3: {  	_ = 	snop  }
0x4: {  	_ = 	snop  }
0x5: {  	_ = 	snop  }
0x6: {  	_ = 	snop  }
0x7: {  	_ = 	snop  }
__scs_overlays_trampoline_lowered:
0x8: {  	[smem:$0x3F9A] =	sst s0  }
0x9: {  	[smem:$0x3F9B] =	sst s1  }
0xa: {  	[smem:$0x3F9C] =	sst s2  }
0xb: {  	[smem:$0x3F9D] =	sst s3  }
0xc: {  	[smem:$0x3F9E] =	sst s4  }
0xd: {  	[smem:$0x3F9F] =	sst s5  }
0xe: {  	[smem:$0x3FA0] =	sst s6  }
0xf: {  	[smem:$0x3FA1] =	sst s7  }
0x10: {  	[smem:$0x3FA2] =	sst s8  }
0x11: {  	[smem:$0x3FA3] =	sst s9;
	s0 =	simm.s32 @!p0 $0x0  }
0x12: {  	s1 =	sld [smem:$0x3F89];
	s0 =	simm.s32 @p0 $0x1  }
0x13: {  	[smem:$0x3FA4] =	sst s0;
	s0 =	simm.s32 @!p1 $0x0  }
0x14: {  	s2 =	sld [smem:$0x3F88];
	s0 =	simm.s32 @p1 $0x1  }
0x15: {  	[smem:$0x3FA5] =	sst s0;
	s0 =	simm.s32 @!p2 $0x0  }
0x16: {  	s3 =	sld [smem:$0x3FDB];
	s0 =	simm.s32 @p2 $0x1  }
0x17: {  	s4 =	simm.s32 $0x1BF5;
	[smem:$0x3FA7] =	sst s0  }
0x18: {  	s0 =	sld [smem:$0x3F8A];
	_ =	swait.ge [sflag:s4], $0x0  }
0x19: {  	s7 =	sld [smem:$0x3F8B]  }
0x1a: {  	s8 =	sadd.s32 $0xFFFFE003, lr  }
0x1b: {  	s9 =	sadd.s32 $0xFFFFFEF7, lr;
	s5 =	simm.s32 $0xFFFFFFFF;
	p2 =	slt.u32 s8, $0xFFFFF086  }
0x1c: {  	p1 =	slt.u32 s9, $0xF7A;
	s5 =	simm.s32 @!p2 $0x0  }
0x1d: {  	s5 =	simm.s32 @p1 $0x1;
	p0 =	seq.s32 s7, s2  }
0x1e: {  	s7 =	smul.u32 @!p0 $0xF7A, s2;
	p2 =	seq.s32 @!p0 s5, $0x0  }
0x1f: {  	s9 =	smul.u32 $0xF7A, s1;
	s8 =	simm.s32 @!p0 $0x1BF5;
	p2 =	por !p2, p0  }
0x20: {  	[sflag:s8] =	ssyncset.s32 @!p0 $0xFFFFF086;
	s6 =	sadd.s32 @!p0 s3, s7;
	s7 =	simm.s32 @!p0 $0x108  }
0x21: {  	s3 =	sadd.s32 s3, s9;
	s6 =	sadd.s32 @!p0 $0x88, s6;
	s7 =	simm.s32 @p2 $0x1082  }
0x22: {  	[simem:s7], [sflag:s8] =	dma.local @!p0 [hbm:s6], $0xF7A  }
0x23: {  	s9 =	sor.u32 $0xD0000000, s2;
	s6 =	simm.s32 $0x108;
	_ =	swait.ge @!p0 [sflag:s8], $0x0  }
0x24: {  	s3 =	sadd.s32 $0x88, s3;
	s6 =	simm.s32 @!p1 $0x1082;
	[sflag:s4] =	ssyncset.s32 $0xFFFFF086  }
0x25: {  	[simem:s6], [sflag:s4] =	dma.local [hbm:s3], $0xF7A  }
0x26: {  	[smem:$0x3F8B] =	sst s1;
	(tag) =	ssettag s2;
	_ =	strace s9  }
0x27: {  	s1 =	sld [smem:$0x3F9B]  }
0x28: {  	s2 =	sld [smem:$0x3F9C]  }
0x29: {  	s4 =	sld [smem:$0x3F9E]  }
0x2a: {  	p0 =	seq.s32 s5, $0x0;
	s5 =	sld [smem:$0x3F9F]  }
0x2b: {  	s6 =	sld [smem:$0x3FA0]  }
0x2c: {  	s7 =	sld [smem:$0x3FA1]  }
0x2d: {  	s3 =	simm.s32 $0x108;
	s8 =	sld [smem:$0x3FA2]  }
0x2e: {  	s3 =	simm.s32 @!p0 $0x1082;
	s9 =	sld [smem:$0x3FA3]  }
0x2f: {  	lr =	sadd.s32 s0, s3;
	s0 =	sld [smem:$0x3F9A]  }
0x30: {  	s3 =	sld [smem:$0x3F9D]  }
0x31: {  	[smem:$0x3FA6] =	sst s10  }
0x32: {  	s10 =	sld [smem:$0x3FA4];
	_ =	sdelay $0x3  }
0x33: {  	p0 =	seq.s32 s10, $0x1;
	s10 =	sld [smem:$0x3FA6];
	_ =	sdelay $0x3  }
0x34: {  	[smem:$0x3FA6] =	sst s10  }
0x35: {  	s10 =	sld [smem:$0x3FA5];
	_ =	sdelay $0x3  }
0x36: {  	p1 =	seq.s32 s10, $0x1;
	s10 =	sld [smem:$0x3FA6];
	_ =	sdelay $0x3  }
0x37: {  	[smem:$0x3FA6] =	sst s10  }
0x38: {  	s10 =	sld [smem:$0x3FA7]  }
0x39: {  	_ = 	snop;
	(pc) =	sbr.ind lr, $3  }
0x3a: {  	_ = 	snop  }
0x3b: {  	_ = 	snop  }
0x3c: {  	p2 =	seq.s32 s10, $0x1;
	s10 =	sld [smem:$0x3FA6]  }
0x3d: {  	_ =	shalt  }
0x3e: {  	_ =	shalt  }
0x3f: {  	_ =	shalt  }
0x40: {  	_ =	shalt  }
0x41: {  	_ =	shalt  }
0x42: {  	_ =	shalt  }
0x43: {  	_ =	shalt  }
0x44: {  	_ =	shalt  }
0x45: {  	_ =	shalt  }
0x46: {  	_ =	shalt  }
0x47: {  	_ =	shalt  }
0x48: {  	_ =	shalt  }
0x49: {  	_ =	shalt  }
0x4a: {  	_ =	shalt  }
0x4b: {  	_ =	shalt  }
0x4c: {  	_ =	shalt  }
0x4d: {  	_ =	shalt  }
0x4e: {  	_ =	shalt  }
0x4f: {  	_ =	shalt  }
0x50: {  	_ =	shalt  }
0x51: {  	_ =	shalt  }
0x52: {  	_ =	shalt  }
0x53: {  	_ =	shalt  }
0x54: {  	_ =	shalt  }
0x55: {  	_ =	shalt  }
0x56: {  	_ =	shalt  }
0x57: {  	_ =	shalt  }
0x58: {  	_ =	shalt  }
0x59: {  	_ =	shalt  }
0x5a: {  	_ =	shalt  }
0x5b: {  	_ =	shalt  }
0x5c: {  	_ =	shalt  }
0x5d: {  	_ =	shalt  }
0x5e: {  	_ =	shalt  }
0x5f: {  	_ =	shalt  }
0x60: {  	_ =	shalt  }
0x61: {  	_ =	shalt  }
0x62: {  	_ =	shalt  }
0x63: {  	_ =	shalt  }
0x64: {  	_ =	shalt  }
0x65: {  	_ =	shalt  }
0x66: {  	_ =	shalt  }
0x67: {  	_ =	shalt  }
0x68: {  	_ =	shalt  }
0x69: {  	_ =	shalt  }
0x6a: {  	_ =	shalt  }
0x6b: {  	_ =	shalt  }
0x6c: {  	_ =	shalt  }
0x6d: {  	_ =	shalt  }
0x6e: {  	_ =	shalt  }
0x6f: {  	_ =	shalt  }
0x70: {  	_ =	shalt  }
0x71: {  	_ =	shalt  }
0x72: {  	_ =	shalt  }
0x73: {  	_ =	shalt  }
0x74: {  	_ =	shalt  }
0x75: {  	_ =	shalt  }
0x76: {  	_ =	shalt  }
0x77: {  	_ =	shalt  }
0x78: {  	_ =	shalt  }
0x79: {  	_ =	shalt  }
0x7a: {  	_ =	shalt  }
0x7b: {  	_ =	shalt  }
0x7c: {  	_ =	shalt  }
0x7d: {  	_ =	shalt  }
0x7e: {  	_ =	shalt  }
0x7f: {  	_ =	shalt  }
0x80: {  	_ =	shalt  }
0x81: {  	_ =	shalt  }
0x82: {  	_ =	shalt  }
0x83: {  	_ =	shalt  }
0x84: {  	_ =	shalt  }
0x85: {  	_ =	shalt  }
0x86: {  	_ =	shalt  }
0x87: {  	_ =	shalt  }
.Lfunc_end0:
.L_simem_size_0:
called_computation.2_lowered:
.L_overlay_start_0:
0x88: {  	s2 =	sld [smem:$0x3FD9]  }
0x89: {  	s3 =	sld [smem:$0x3FFE];
	_ =	sdelay $0x1  }
0x8a: {  	s1 =	srdreg.scid  }
0x8b: {  	s0 =	sand.u32 $0x1, s1  }
0x8c: {  	s16 =	sshll.u32 s0, $0xA;
	s2 =	sadd.s32 s3, s2  }
0x8d: {  	s2 =	sadd.s32 s2, s16  }
0x8e: {  	[smem:$0x3FB2] =	sst s2  }
0x8f: {  	_ = 	snop  }
0x90: {  	(tm) =	ssettm $0x1  }
0x91: {  	s17 =	sld [smem:$0x3FFB];
	_ =	sdelay $0x3  }
0x92: {  	_ =	strace s17  }
0x93: {  	s2 =	sld [smem:$0x3FFC];
	_ =	sdelay $0x3  }
0x94: {  	_ =	strace s2  }
0x95: {  	s2 =	sld [smem:$0x3FFD];
	_ =	sdelay $0x3  }
0x96: {  	_ =	strace s2  }
0x97: {  	_ =	strace $0x8FFFFFFF  }
0x98: {  	s18 =	sld [smem:$0x3FDB];
	_ =	sdelay $0x1  }
0x99: {  	s19 =	simm.s32 $_scs_section_size  }
0x9a: {  	s4 =	simm.s32 $_size__tile_overlayer_lowered;
	s5 =	simm.s32 $_tile_overlayer_lowered  }
0x9b: {  	s22 =	simm.s32 $0x1BFF;
	s21 =	sshll.u32 s5, $0x1;
	s2 =	sadd.s32 s19, s18  }
0x9c: {  	s6 =	simm.s32 $0x0;
	s20 =	sshll.u32 s4, $0x1;
	s4 =	sadd.s32 s21, s2  }
0x9d: {  	[timem:s6], [sflag:s22] =	dma.local [hbm:s4], s20  }
0x9e: {  	_ =	swait.ge [sflag:s22], s20  }
0x9f: {  	s3 =	ssub.s32 $0x0, s20;
	[sflag:s22] =	ssyncset.done $0x0  }
0xa0: {  	[sflag:s22] =	ssyncadd.s32 s3;
	_ =	sdelay $0x1  }
0xa1: {  	s23 =	simm.s32 $0x1B8B  }
0xa2: {  	_ =	swait.ge [sflag:s23], $0x1  }
0xa3: {  	[sflag:s23] =	ssyncset.done $0x0  }
0xa4: {  	s25 =	simm.s32 $0x1B8E;
	s24 =	sld [smem:$0x3FFE];
	[sflag:s23] =	ssyncadd.s32 $0xFFFFFFFF  }
0xa5: {  	s26 =	simm.s32 $execute0_lowered;
	[smem:$0x3FD2] =	sst s25  }
0xa6: {  	s4 =	sshll.u32 s26, $0x1;
	_ =	strace $0x8000004C;
	[dreg:$0x1] =	wrdreg $0xFFFFFFFF  }
0xa7: {  	s28 =	simm.s32 $_size_execute0_lowered;
	s2 =	sadd.s32 s2, s4;
	[dreg:$0x0] =	wrdreg $0x0  }
0xa8: {  	s4 =	sshll.u32 s28, $0x1;
	[dreg:$0x2] =	wrdreg s2  }
0xa9: {  	[dreg:$0x3] =	wrdreg s4  }
0xaa: {  	[dreg:$0x4] =	wrdreg $0xC0  }
0xab: {  	_ =	task [dreg:s6], $0x5FFFF  }
0xac: {  	[dreg:$0x1] =	wrdreg $0xFFFFFFFF  }
0xad: {  	[dreg:$0x0] =	wrdreg $0x60  }
0xae: {  	[dreg:$0x2] =	wrdreg s24  }
0xaf: {  	[dreg:$0x3] =	wrdreg $0x76200  }
0xb0: {  	[dreg:$0x4] =	wrdreg $0x9  }
0xb1: {  	_ =	task.clear_ibuf [dreg:s6], $0x5FFFF;
	_ =	strace $0x9000004C  }
0xb2: {  	s29 =	simm.s32 $0x9;
	_ =	strace $0x8000004E  }
0xb3: {  	_ =	swait.ge [sflag:s29], $0x1  }
0xb4: {  	[sflag:s29] =	ssyncadd.s32 $0xFFFFFFFF  }
0xb5: {  	_ =	strace $0x9000004E  }
0xb6: {  	_ =	sfence  }
0xb7: {  	s30 =	sld [smem:$0x0];
	_ =	sdelay $0x2  }
0xb8: {  	s31 =	sshll.u32 s1, $0xD;
	s1 =	sshrl.u32 s1, $0x2  }
0xb9: {  	s3 =	sand.u32 $0x4000, s31;
	s1 =	sadd.s32 s1, s30  }
0xba: {  	s0 =	sor.u32 s3, s0;
	s1 =	sshll.u32 s1, $0x11  }
0xbb: {  	s0 =	sor.u32 s1, s0  }
0xbc: {  	s0 =	sadd.s32 $0x8F2B, s0  }
0xbd: {  	[sflag:s0] =	ssyncadd.remote.s32 $0x1  }
0xbe: {  	_ =	sfence.sel $0xFFFF  }
0xbf: {  	[dreg:$0x0] =	wrdreg $0xFFFFFFFF;
	(pc) =	sbr.abs _section_cstart, $3  }
0xc0: {  	[dreg:$0x1] =	wrdreg $0xFFFFFFFF  }
0xc1: {  	_ =	task.clear_ibuf [dreg:s6], $0x2FFFF;
	_ =	strace $0x9FFFFFFF  }
0xc2: {  	(tm) =	ssettm $0x7FFFFFFF  }
0xc3: {  	_ =	shalt  }
tec
execute0_lowered:
.L_overlay_start_1:
0x0: {  	(tag) =	ssettag $0x1  }
0x1: {  	s6 =	rddreg [dreg:$0x0]  }
0x2: {  	s0 =	srdreg.scid;
	s2 =	rddreg [dreg:$0x1];
	s3 =	simm.s32 $0x0  }
0x3: {  	s13 =	simm.s32 $0x4E20;
	s14 =	simm.s32 $0x1;
	s15 =	simm.s32 $0x50  }
0x4: {  	s16 =	simm.s32 $0x4DD0;
	s17 =	simm.s32 $0x4;
	s18 =	simm.s32 $0x0  }
0x5: {  	s5 =	sand.u32 $0x1, s0;
	s0 =	stileid.u32;
	[smem:$0x7FF] =	sst s3  }
0x6: {  	s4 =	sadd.s32 $0x1E800, s6;
	s1 =	sshll.u32 s5, $0x4;
	s8 =	smul.u32 $0xA000, s0  }
0x7: {  	s9 =	smul.u32 $0xA0000, s5;
	s5 =	ssub.s32 $0x2, s5;
	s1 =	sor.u32 s0, s1  }
0x8: {  	s31 =	sshll.u32 s0, $0x6;
	s11 =	sshrl.u32 s5, $0x1;
	s7 =	smul.u32 $0x4E2, s1  }
0x9: {  	s1 =	rddreg [dreg:$0x2];
	_ =	strace $0x8000004D;
	s30 =	sshrl.u32 s8, $0x3  }
0xa: {  	s9 =	sadd.s32 s8, s9;
	s11 =	ssub.s32 s5, s11;
	s12 =	sadd.s32 s8, s2  }
0xb: {  	s9 =	sshrl.u32 s9, $0x3;
	s10 =	sadd.s32 s7, s6;
	s7 =	sadd.s32 s30, s6  }
0xc: {  	s9 =	sadd.s32 s9, s6;
	s6 =	sor.u32 $0x1C03, s31;
	s5 =	sadd.s32 $0x32200, s7  }
0xd: {  	s7 =	sadd.s32 $0x5C00, s10;
	s8 =	sadd.s32 $0xFA00, s10;
	s9 =	sadd.s32 $0x46200, s9  }
0xe: {  	s10 =	smax.u32 s11, $0x1;
	s11 =	sshrl.u32 s12, $0x3;
	s12 =	simm.s32 $0x3  }
.LBB2_1:
0xf: {  	[spmem:s11], [sflag:s6] =	dma.local [hbm:s5], $0x1400  }
0x10: {  	_ =	swait.ge [sflag:s12], $0x1400  }
0x11: {  	[sflag:s12] =	ssyncset.done $0x0  }
0x12: {  	[sflag:s12] =	ssyncadd.s32 $0xFFFFEC00  }
0x13: {  	[tilespmem:s3], [sflag:$0x3] =	stream.linear.gather [hbm4b:s7+s3], $0x2710, $0x38;
	[tilespmem:$0x11620] =	vst v63  }
0x14: {  	_ =	swait.ge [sflag:s12], $0x2710  }
0x15: {  	[sflag:s12] =	ssyncset.done $0x0  }
0x16: {  	s19 =	simm.s32 $0x2710;
	[sflag:s12] =	ssyncadd.s32 $0xFFFFD8F0  }
0x17: {  	[tilespmem:s19], [sflag:$0x3] =	stream.linear.gather [hbm4b:s8+s3], $0x2710, $0x38;
	[tilespmem:$0x11620] =	vst v63  }
0x18: {  	_ =	swait.ge [sflag:s12], $0x2710  }
0x19: {  	[sflag:s12] =	ssyncset.done $0x0  }
0x1a: {  	s20 =	sand.u32 $0x1, s3;
	[sflag:s12] =	ssyncadd.s32 $0xFFFFD8F0  }
0x1b: {  	p0 =	seq.s32 s20, $0x1;
	[bflag:$0x0] =	sbarrier.arrive $0xFFFF  }
0x1c: {  	[tilespmem:s13], [sflag:$0x1] =	stream.indirect.gather [hbm4b:s4+s15], $0x40, s3, s15, $0xb8;
	[tilespmem:$0x11620] =	vst v63  }
0x1d: {  	s20 =	simm.s32 @p0 $0x50;
	s21 =	simm.s32 @p0 $0x4E20;
	s22 =	simm.s32 @p0 $0x2  }
0x1e: {  	[tilespmem:s21], [sflag:$0x1] =	stream.indirect.gather @p0 [hbm4b:s4+s20], $0x40, s15, s20, $0xb8;
	[tilespmem:$0x11620] =	vst v63  }
0x1f: {  	_ =	swait.ge @p0 [sflag:s22], $0x1400  }
0x20: {  	[sflag:s22] =	ssyncset.done @p0 $0x0  }
0x21: {  	s21 =	simm.s32 @p0 $0x6220;
	[sflag:s22] =	ssyncadd.s32 @p0 $0xFFFFEC00  }
0x22: {  	[spmem:s2] =	stream.indirect.scatter.add.f32 @p0 [tilespmem:s21], [sflag:$0x3], $0x40, s19, s20, $0xb8;
	[tilespmem:$0x11620] =	vst v63  }
0x23: {  	s23 =	simm.s32 @!p0 $0x1;
	s20 =	simm.s32 @!p0 $0x50;
	s21 =	simm.s32 @!p0 $0x6220  }
0x24: {  	[tilespmem:s21], [sflag:$0x2] =	stream.indirect.gather @!p0 [hbm4b:s4+s20], $0x40, s15, s20, $0xb8;
	[tilespmem:$0x11620] =	vst v63  }
0x25: {  	_ =	swait.ge @!p0 [sflag:s23], $0x1400  }
0x26: {  	s24 =	simm.s32 $0x1;
	s22 =	simm.s32 @!p0 $0x4;
	[sflag:s23] =	ssyncset.done @!p0 $0x0  }
0x27: {  	s22 =	simm.s32 @p0 $0x3;
	s21 =	simm.s32 @!p0 $0x4E20;
	[sflag:s23] =	ssyncadd.s32 @!p0 $0xFFFFEC00  }
0x28: {  	[spmem:s2] =	stream.indirect.scatter.add.f32 @!p0 [tilespmem:s21], [sflag:$0x4], $0x40, s19, s20, $0xb8;
	[tilespmem:$0x11620] =	vst v63  }
0x29: {  	s23 =	sand.u32 $0x1, s24;
	s21 =	simm.s32 $0x2;
	_ =	swait.ge [sflag:s22], $0x1400  }
0x2a: {  	s20 =	simm.s32 $0xA0;
	s19 =	simm.s32 $0x2760;
	[sflag:s22] =	ssyncset.done $0x0  }
.LBB2_2:
0x2b: {  	p0 =	seq.s32 s23, $0x1  }
0x2c: {  	[sflag:s22] =	ssyncadd.s32 $0xFFFFEC00;
	s23 =	smov.u32 s21;
	s21 =	sadd.s32 $0x1, s21  }
0x2d: {  	s24 =	simm.s32 @p0 $0x50;
	s22 =	simm.s32 @p0 $0x4E20;
	s25 =	simm.s32 @p0 $0x2  }
0x2e: {  	[tilespmem:s22], [sflag:$0x1] =	stream.indirect.gather @p0 [hbm4b:s4+s24], $0x40, s20, s24, $0xb8;
	[tilespmem:$0x11620] =	vst v63  }
0x2f: {  	p1 =	sne.s32 s21, $0x7C;
	s22 =	simm.s32 @!p0 $0x4;
	_ =	swait.ge @p0 [sflag:s25], $0x1400  }
0x30: {  	[sflag:s25] =	ssyncset.done @p0 $0x0  }
0x31: {  	[sflag:s25] =	ssyncadd.s32 @p0 $0xFFFFEC00;
	s25 =	simm.s32 @p0 $0x6220  }
0x32: {  	[spmem:s2] =	stream.indirect.scatter.add.f32 @p0 [tilespmem:s25], [sflag:$0x3], $0x40, s19, s24, $0xb8;
	[tilespmem:$0x11620] =	vst v63  }
0x33: {  	s26 =	simm.s32 @!p0 $0x1;
	s24 =	simm.s32 @!p0 $0x50;
	s25 =	simm.s32 @!p0 $0x6220  }
0x34: {  	[tilespmem:s25], [sflag:$0x2] =	stream.indirect.gather @!p0 [hbm4b:s4+s24], $0x40, s20, s24, $0xb8;
	[tilespmem:$0x11620] =	vst v63  }
0x35: {  	_ =	swait.ge @!p0 [sflag:s26], $0x1400  }
.Ltmp0:
0x36: {  	[sflag:s26] =	ssyncset.done @!p0 $0x0;
	(pc) =	sbr.rel @p1 .LBB2_2-.Ltmp0, $4  }
0x37: {  	s22 =	simm.s32 @p0 $0x3;
	s25 =	simm.s32 @!p0 $0x4E20;
	[sflag:s26] =	ssyncadd.s32 @!p0 $0xFFFFEC00  }
0x38: {  	[spmem:s2] =	stream.indirect.scatter.add.f32 @!p0 [tilespmem:s25], [sflag:$0x4], $0x40, s19, s24, $0xb8;
	[tilespmem:$0x11620] =	vst v63  }
0x39: {  	s20 =	sadd.s32 $0x50, s20;
	_ =	swait.ge [sflag:s22], $0x1400  }
0x3a: {  	s23 =	sand.u32 $0x1, s23;
	s19 =	sadd.s32 $0x50, s19;
	[sflag:s22] =	ssyncset.done $0x0  }
0x3b: {  	p0 =	seq.s32 s23, $0x1;
	[sflag:s22] =	ssyncadd.s32 $0xFFFFEC00  }
0x3c: {  	s21 =	simm.s32 @p0 $0x50;
	s22 =	simm.s32 @p0 $0x4E20;
	s23 =	simm.s32 @p0 $0x2  }
0x3d: {  	[tilespmem:s22], [sflag:$0x1] =	stream.indirect.gather @p0 [hbm4b:s4+s21], $0x40, s20, s21, $0xb8;
	[tilespmem:$0x11620] =	vst v63  }
0x3e: {  	_ =	swait.ge @p0 [sflag:s23], $0x1400  }
0x3f: {  	[sflag:s23] =	ssyncset.done @p0 $0x0  }
0x40: {  	s22 =	simm.s32 @p0 $0x6220;
	[sflag:s23] =	ssyncadd.s32 @p0 $0xFFFFEC00  }
0x41: {  	[spmem:s2] =	stream.indirect.scatter.add.f32 @p0 [tilespmem:s22], [sflag:$0x3], $0x40, s19, s21, $0xb8;
	[tilespmem:$0x11620] =	vst v63  }
0x42: {  	s23 =	simm.s32 @!p0 $0x1;
	s21 =	simm.s32 @!p0 $0x50;
	s22 =	simm.s32 @!p0 $0x6220  }
0x43: {  	[tilespmem:s22], [sflag:$0x2] =	stream.indirect.gather @!p0 [hbm4b:s4+s21], $0x40, s20, s21, $0xb8;
	[tilespmem:$0x11620] =	vst v63  }
0x44: {  	_ =	swait.ge @!p0 [sflag:s23], $0x1400  }
0x45: {  	s20 =	simm.s32 @!p0 $0x4;
	[sflag:s23] =	ssyncset.done @!p0 $0x0  }
0x46: {  	s22 =	simm.s32 @!p0 $0x4E20;
	s20 =	simm.s32 @p0 $0x3;
	[sflag:s23] =	ssyncadd.s32 @!p0 $0xFFFFEC00  }
0x47: {  	[spmem:s2] =	stream.indirect.scatter.add.f32 @!p0 [tilespmem:s22], [sflag:$0x4], $0x40, s19, s21, $0xb8;
	[tilespmem:$0x11620] =	vst v63  }
0x48: {  	_ =	swait.ge [sflag:s20], $0x1400  }
0x49: {  	[sflag:s20] =	ssyncset.done $0x0  }
0x4a: {  	[sflag:s20] =	ssyncadd.s32 $0xFFFFEC00  }
0x4b: {  	_ =	swait.ge [sflag:s14], $0x1400  }
0x4c: {  	[sflag:s14] =	ssyncset.done $0x0  }
0x4d: {  	[sflag:s14] =	ssyncadd.s32 $0xFFFFEC00  }
0x4e: {  	[spmem:s2] =	stream.indirect.scatter.add.f32 [tilespmem:s13], [sflag:$0x4], $0x40, s16, s15, $0xb8;
	[tilespmem:$0x11620] =	vst v63  }
0x4f: {  	_ =	swait.ge [sflag:s17], $0x1400  }
0x50: {  	s18 =	sadd.s32 $0x1, s18;
	[sflag:s17] =	ssyncset.done $0x0  }
0x51: {  	p0 =	sne.s32 s18, s10;
	[sflag:s17] =	ssyncadd.s32 $0xFFFFEC00  }
.Ltmp1:
0x52: {  	[bflag:$0x0] =	sbarrier.arrive $0xFFFF;
	(pc) =	sbr.rel @p0 .LBB2_1-.Ltmp1, $4  }
0x53: {  	[hbm:s9], [sflag:s6] =	dma.local [spmem:s11], $0x1400  }
0x54: {  	_ =	swait.ge [sflag:s12], $0x1400  }
0x55: {  	[sflag:s12] =	ssyncset.done $0x0  }
0x56: {  	[sflag:s12] =	ssyncadd.s32 $0xFFFFEC00  }
0x57: {  	_ =	sfence.sel $0x180000  }
0x58: {  	[bflag:$0x0] =	sbarrier.arrive $0xFFFF  }
0x59: {  	p0 =	sne.s32 s0, $0x0;
	_ =	strace $0x9000004D  }
0x5a: {  	s0 =	sadd.s32 @!p0 $0x100000, s1;
	[bflag:$0x2] =	sbarrier.arrive $0xFFFF  }
0x5b: {  	[sflag:s0] =	ssyncadd.tile.s32 @!p0 $0x1;
	_ =	shalt  }
.Lfunc_end2:
_tile_overlayer_lowered:
.L_overlay_start_2:
0x5c: {  	(tag) =	ssettag $0x2  }
0x5d: {  	s0 =	rddreg [dreg:$0x0];
	s2 =	stileid.u32  }
0x5e: {  	s1 =	rddreg [dreg:$0x1];
	p0 =	sne.s32 s2, $0x0  }
0x5f: {  	s3 =	rddreg [dreg:$0x2];
	[bflag:$0x3] =	sbarrier.arrive $0xFFFF;
	s2 =	simm.s32 @!p0 $0x1C03  }
0x60: {  	[timem:s3], [sflag:s2] =	dma.local @!p0 [hbm:s0], s1  }
0x61: {  	s0 =	simm.s32 @!p0 $0x3  }
0x62: {  	_ =	swait.ge @!p0 [sflag:s0], s1  }
0x63: {  	s1 =	ssub.s32 @!p0 $0x0, s1;
	[sflag:s0] =	ssyncset.done @!p0 $0x0  }
0x64: {  	[sflag:s0] =	ssyncadd.s32 @!p0 s1  }
0x65: {  	[bflag:$0x3] =	sbarrier.arrive $0xFFFF  }
0x66: {  	_ =	shalt  }

// kernel: kernel.25.cloned.1.call-start
scs
__scs_entry_jumppad:
0x0: {  	(pc) =	sbr.rel $0x88, $3  }
0x1: {  	(tag) =	ssettag $0x0;
	lr =	simm.s32 $0x1  }
0x2: {  	[smem:$0x3F8B] =	sst lr;
	_ =	strace $0xD0000000  }
0x3: {  	_ = 	snop  }
0x4: {  	_ = 	snop  }
0x5: {  	_ = 	snop  }
0x6: {  	_ = 	snop  }
0x7: {  	_ = 	snop  }
__scs_overlays_trampoline_lowered:
0x8: {  	[smem:$0x3F9A] =	sst s0  }
0x9: {  	[smem:$0x3F9B] =	sst s1  }
0xa: {  	[smem:$0x3F9C] =	sst s2  }
0xb: {  	[smem:$0x3F9D] =	sst s3  }
0xc: {  	[smem:$0x3F9E] =	sst s4  }
0xd: {  	[smem:$0x3F9F] =	sst s5  }
0xe: {  	[smem:$0x3FA0] =	sst s6  }
0xf: {  	[smem:$0x3FA1] =	sst s7  }
0x10: {  	[smem:$0x3FA2] =	sst s8  }
0x11: {  	[smem:$0x3FA3] =	sst s9;
	s0 =	simm.s32 @!p0 $0x0  }
0x12: {  	s1 =	sld [smem:$0x3F89];
	s0 =	simm.s32 @p0 $0x1  }
0x13: {  	[smem:$0x3FA4] =	sst s0;
	s0 =	simm.s32 @!p1 $0x0  }
0x14: {  	s2 =	sld [smem:$0x3F88];
	s0 =	simm.s32 @p1 $0x1  }
0x15: {  	[smem:$0x3FA5] =	sst s0;
	s0 =	simm.s32 @!p2 $0x0  }
0x16: {  	s3 =	sld [smem:$0x3FDB];
	s0 =	simm.s32 @p2 $0x1  }
0x17: {  	s4 =	simm.s32 $0x1BF5;
	[smem:$0x3FA7] =	sst s0  }
0x18: {  	s0 =	sld [smem:$0x3F8A];
	_ =	swait.ge [sflag:s4], $0x0  }
0x19: {  	s7 =	sld [smem:$0x3F8B]  }
0x1a: {  	s8 =	sadd.s32 $0xFFFFE003, lr  }
0x1b: {  	s9 =	sadd.s32 $0xFFFFFEF7, lr;
	s5 =	simm.s32 $0xFFFFFFFF;
	p2 =	slt.u32 s8, $0xFFFFF086  }
0x1c: {  	p1 =	slt.u32 s9, $0xF7A;
	s5 =	simm.s32 @!p2 $0x0  }
0x1d: {  	s5 =	simm.s32 @p1 $0x1;
	p0 =	seq.s32 s7, s2  }
0x1e: {  	s7 =	smul.u32 @!p0 $0xF7A, s2;
	p2 =	seq.s32 @!p0 s5, $0x0  }
0x1f: {  	s9 =	smul.u32 $0xF7A, s1;
	s8 =	simm.s32 @!p0 $0x1BF5;
	p2 =	por !p2, p0  }
0x20: {  	[sflag:s8] =	ssyncset.s32 @!p0 $0xFFFFF086;
	s6 =	sadd.s32 @!p0 s3, s7;
	s7 =	simm.s32 @!p0 $0x108  }
0x21: {  	s3 =	sadd.s32 s3, s9;
	s6 =	sadd.s32 @!p0 $0x88, s6;
	s7 =	simm.s32 @p2 $0x1082  }
0x22: {  	[simem:s7], [sflag:s8] =	dma.local @!p0 [hbm:s6], $0xF7A  }
0x23: {  	s9 =	sor.u32 $0xD0000000, s2;
	s6 =	simm.s32 $0x108;
	_ =	swait.ge @!p0 [sflag:s8], $0x0  }
0x24: {  	s3 =	sadd.s32 $0x88, s3;
	s6 =	simm.s32 @!p1 $0x1082;
	[sflag:s4] =	ssyncset.s32 $0xFFFFF086  }
0x25: {  	[simem:s6], [sflag:s4] =	dma.local [hbm:s3], $0xF7A  }
0x26: {  	[smem:$0x3F8B] =	sst s1;
	(tag) =	ssettag s2;
	_ =	strace s9  }
0x27: {  	s1 =	sld [smem:$0x3F9B]  }
0x28: {  	s2 =	sld [smem:$0x3F9C]  }
0x29: {  	s4 =	sld [smem:$0x3F9E]  }
0x2a: {  	p0 =	seq.s32 s5, $0x0;
	s5 =	sld [smem:$0x3F9F]  }
0x2b: {  	s6 =	sld [smem:$0x3FA0]  }
0x2c: {  	s7 =	sld [smem:$0x3FA1]  }
0x2d: {  	s3 =	simm.s32 $0x108;
	s8 =	sld [smem:$0x3FA2]  }
0x2e: {  	s3 =	simm.s32 @!p0 $0x1082;
	s9 =	sld [smem:$0x3FA3]  }
0x2f: {  	lr =	sadd.s32 s0, s3;
	s0 =	sld [smem:$0x3F9A]  }
0x30: {  	s3 =	sld [smem:$0x3F9D]  }
0x31: {  	[smem:$0x3FA6] =	sst s10  }
0x32: {  	s10 =	sld [smem:$0x3FA4];
	_ =	sdelay $0x3  }
0x33: {  	p0 =	seq.s32 s10, $0x1;
	s10 =	sld [smem:$0x3FA6];
	_ =	sdelay $0x3  }
0x34: {  	[smem:$0x3FA6] =	sst s10  }
0x35: {  	s10 =	sld [smem:$0x3FA5];
	_ =	sdelay $0x3  }
0x36: {  	p1 =	seq.s32 s10, $0x1;
	s10 =	sld [smem:$0x3FA6];
	_ =	sdelay $0x3  }
0x37: {  	[smem:$0x3FA6] =	sst s10  }
0x38: {  	s10 =	sld [smem:$0x3FA7]  }
0x39: {  	_ = 	snop;
	(pc) =	sbr.ind lr, $3  }
0x3a: {  	_ = 	snop  }
0x3b: {  	_ = 	snop  }
0x3c: {  	p2 =	seq.s32 s10, $0x1;
	s10 =	sld [smem:$0x3FA6]  }
0x3d: {  	_ =	shalt  }
0x3e: {  	_ =	shalt  }
0x3f: {  	_ =	shalt  }
0x40: {  	_ =	shalt  }
0x41: {  	_ =	shalt  }
0x42: {  	_ =	shalt  }
0x43: {  	_ =	shalt  }
0x44: {  	_ =	shalt  }
0x45: {  	_ =	shalt  }
0x46: {  	_ =	shalt  }
0x47: {  	_ =	shalt  }
0x48: {  	_ =	shalt  }
0x49: {  	_ =	shalt  }
0x4a: {  	_ =	shalt  }
0x4b: {  	_ =	shalt  }
0x4c: {  	_ =	shalt  }
0x4d: {  	_ =	shalt  }
0x4e: {  	_ =	shalt  }
0x4f: {  	_ =	shalt  }
0x50: {  	_ =	shalt  }
0x51: {  	_ =	shalt  }
0x52: {  	_ =	shalt  }
0x53: {  	_ =	shalt  }
0x54: {  	_ =	shalt  }
0x55: {  	_ =	shalt  }
0x56: {  	_ =	shalt  }
0x57: {  	_ =	shalt  }
0x58: {  	_ =	shalt  }
0x59: {  	_ =	shalt  }
0x5a: {  	_ =	shalt  }
0x5b: {  	_ =	shalt  }
0x5c: {  	_ =	shalt  }
0x5d: {  	_ =	shalt  }
0x5e: {  	_ =	shalt  }
0x5f: {  	_ =	shalt  }
0x60: {  	_ =	shalt  }
0x61: {  	_ =	shalt  }
0x62: {  	_ =	shalt  }
0x63: {  	_ =	shalt  }
0x64: {  	_ =	shalt  }
0x65: {  	_ =	shalt  }
0x66: {  	_ =	shalt  }
0x67: {  	_ =	shalt  }
0x68: {  	_ =	shalt  }
0x69: {  	_ =	shalt  }
0x6a: {  	_ =	shalt  }
0x6b: {  	_ =	shalt  }
0x6c: {  	_ =	shalt  }
0x6d: {  	_ =	shalt  }
0x6e: {  	_ =	shalt  }
0x6f: {  	_ =	shalt  }
0x70: {  	_ =	shalt  }
0x71: {  	_ =	shalt  }
0x72: {  	_ =	shalt  }
0x73: {  	_ =	shalt  }
0x74: {  	_ =	shalt  }
0x75: {  	_ =	shalt  }
0x76: {  	_ =	shalt  }
0x77: {  	_ =	shalt  }
0x78: {  	_ =	shalt  }
0x79: {  	_ =	shalt  }
0x7a: {  	_ =	shalt  }
0x7b: {  	_ =	shalt  }
0x7c: {  	_ =	shalt  }
0x7d: {  	_ =	shalt  }
0x7e: {  	_ =	shalt  }
0x7f: {  	_ =	shalt  }
0x80: {  	_ =	shalt  }
0x81: {  	_ =	shalt  }
0x82: {  	_ =	shalt  }
0x83: {  	_ =	shalt  }
0x84: {  	_ =	shalt  }
0x85: {  	_ =	shalt  }
0x86: {  	_ =	shalt  }
0x87: {  	_ =	shalt  }
.Lfunc_end0:
.L_simem_size_0:
called_computation.3_lowered:
.L_overlay_start_0:
0x88: {  	s2 =	sld [smem:$0x3FD9]  }
0x89: {  	s3 =	sld [smem:$0x3FFE];
	_ =	sdelay $0x1  }
0x8a: {  	s1 =	srdreg.scid  }
0x8b: {  	s0 =	sand.u32 $0x1, s1  }
0x8c: {  	s16 =	sshll.u32 s0, $0xA;
	s2 =	sadd.s32 s3, s2  }
0x8d: {  	s2 =	sadd.s32 s2, s16  }
0x8e: {  	[smem:$0x3FB2] =	sst s2  }
0x8f: {  	_ = 	snop  }
0x90: {  	(tm) =	ssettm $0x1  }
0x91: {  	s17 =	sld [smem:$0x3FFB];
	_ =	sdelay $0x3  }
0x92: {  	_ =	strace s17  }
0x93: {  	s2 =	sld [smem:$0x3FFC];
	_ =	sdelay $0x3  }
0x94: {  	_ =	strace s2  }
0x95: {  	s2 =	sld [smem:$0x3FFD];
	_ =	sdelay $0x3  }
0x96: {  	_ =	strace s2  }
0x97: {  	_ =	strace $0x8FFFFFFF  }
0x98: {  	s18 =	sld [smem:$0x3FDB];
	_ =	sdelay $0x1  }
0x99: {  	s19 =	simm.s32 $_scs_section_size  }
0x9a: {  	s4 =	simm.s32 $_size__tile_overlayer_lowered;
	s5 =	simm.s32 $_tile_overlayer_lowered  }
0x9b: {  	s22 =	simm.s32 $0x1BFF;
	s21 =	sshll.u32 s5, $0x1;
	s2 =	sadd.s32 s19, s18  }
0x9c: {  	s6 =	simm.s32 $0x0;
	s20 =	sshll.u32 s4, $0x1;
	s4 =	sadd.s32 s21, s2  }
0x9d: {  	[timem:s6], [sflag:s22] =	dma.local [hbm:s4], s20  }
0x9e: {  	_ =	swait.ge [sflag:s22], s20  }
0x9f: {  	s3 =	ssub.s32 $0x0, s20;
	[sflag:s22] =	ssyncset.done $0x0  }
0xa0: {  	[sflag:s22] =	ssyncadd.s32 s3;
	_ =	sdelay $0x1  }
0xa1: {  	s23 =	simm.s32 $0x1B8B  }
0xa2: {  	_ =	swait.ge [sflag:s23], $0x1  }
0xa3: {  	[sflag:s23] =	ssyncset.done $0x0  }
0xa4: {  	s25 =	simm.s32 $0x1B8E;
	s24 =	sld [smem:$0x3FFE];
	[sflag:s23] =	ssyncadd.s32 $0xFFFFFFFF  }
0xa5: {  	s26 =	simm.s32 $execute0_lowered;
	[smem:$0x3FD2] =	sst s25  }
0xa6: {  	s4 =	sshll.u32 s26, $0x1;
	_ =	strace $0x8000004F;
	[dreg:$0x1] =	wrdreg $0xFFFFFFFF  }
0xa7: {  	s28 =	simm.s32 $_size_execute0_lowered;
	s2 =	sadd.s32 s2, s4;
	[dreg:$0x0] =	wrdreg $0x0  }
0xa8: {  	s4 =	sshll.u32 s28, $0x1;
	[dreg:$0x2] =	wrdreg s2  }
0xa9: {  	[dreg:$0x3] =	wrdreg s4  }
0xaa: {  	[dreg:$0x4] =	wrdreg $0xC0  }
0xab: {  	_ =	task [dreg:s6], $0x5FFFF  }
0xac: {  	[dreg:$0x1] =	wrdreg $0xFFFFFFFF  }
0xad: {  	[dreg:$0x0] =	wrdreg $0x60  }
0xae: {  	[dreg:$0x2] =	wrdreg s24  }
0xaf: {  	[dreg:$0x3] =	wrdreg $0x76200  }
0xb0: {  	[dreg:$0x4] =	wrdreg $0x9  }
0xb1: {  	_ =	task.clear_ibuf [dreg:s6], $0x5FFFF;
	_ =	strace $0x9000004F  }
0xb2: {  	s29 =	simm.s32 $0x9;
	_ =	strace $0x80000051  }
0xb3: {  	_ =	swait.ge [sflag:s29], $0x1  }
0xb4: {  	[sflag:s29] =	ssyncadd.s32 $0xFFFFFFFF  }
0xb5: {  	_ =	strace $0x90000051  }
0xb6: {  	_ =	sfence  }
0xb7: {  	s30 =	sld [smem:$0x0];
	_ =	sdelay $0x2  }
0xb8: {  	s31 =	sshll.u32 s1, $0xD;
	s1 =	sshrl.u32 s1, $0x2  }
0xb9: {  	s3 =	sand.u32 $0x4000, s31;
	s1 =	sadd.s32 s1, s30  }
0xba: {  	s0 =	sor.u32 s3, s0;
	s1 =	sshll.u32 s1, $0x11  }
0xbb: {  	s0 =	sor.u32 s1, s0  }
0xbc: {  	s0 =	sadd.s32 $0x8F2B, s0  }
0xbd: {  	[sflag:s0] =	ssyncadd.remote.s32 $0x1  }
0xbe: {  	_ =	sfence.sel $0xFFFF  }
0xbf: {  	[dreg:$0x0] =	wrdreg $0xFFFFFFFF;
	(pc) =	sbr.abs _section_cstart, $3  }
0xc0: {  	[dreg:$0x1] =	wrdreg $0xFFFFFFFF  }
0xc1: {  	_ =	task.clear_ibuf [dreg:s6], $0x2FFFF;
	_ =	strace $0x9FFFFFFF  }
0xc2: {  	(tm) =	ssettm $0x7FFFFFFF  }
0xc3: {  	_ =	shalt  }
tec
execute0_lowered:
.L_overlay_start_1:
0x0: {  	(tag) =	ssettag $0x1  }
0x1: {  	s6 =	rddreg [dreg:$0x0]  }
0x2: {  	s0 =	srdreg.scid;
	s2 =	rddreg [dreg:$0x1];
	s3 =	simm.s32 $0x0  }
0x3: {  	s13 =	simm.s32 $0x4E20;
	s14 =	simm.s32 $0x1;
	s15 =	simm.s32 $0x50  }
0x4: {  	s16 =	simm.s32 $0x4DD0;
	s17 =	simm.s32 $0x4;
	s18 =	simm.s32 $0x0  }
0x5: {  	s5 =	sand.u32 $0x1, s0;
	s0 =	stileid.u32;
	[smem:$0x7FF] =	sst s3  }
0x6: {  	s4 =	sadd.s32 $0x1E800, s6;
	s1 =	sshll.u32 s5, $0x4;
	s8 =	smul.u32 $0xA000, s0  }
0x7: {  	s9 =	smul.u32 $0xA0000, s5;
	s5 =	ssub.s32 $0x2, s5;
	s1 =	sor.u32 s0, s1  }
0x8: {  	s31 =	sshll.u32 s0, $0x6;
	s11 =	sshrl.u32 s5, $0x1;
	s7 =	smul.u32 $0x4E2, s1  }
0x9: {  	s1 =	rddreg [dreg:$0x2];
	_ =	strace $0x80000050;
	s30 =	sshrl.u32 s8, $0x3  }
0xa: {  	s9 =	sadd.s32 s8, s9;
	s11 =	ssub.s32 s5, s11;
	s12 =	sadd.s32 s8, s2  }
0xb: {  	s9 =	sshrl.u32 s9, $0x3;
	s10 =	sadd.s32 s7, s6;
	s7 =	sadd.s32 s30, s6  }
0xc: {  	s9 =	sadd.s32 s9, s6;
	s6 =	sor.u32 $0x1C03, s31;
	s5 =	sadd.s32 $0x32200, s7  }
0xd: {  	s7 =	sadd.s32 $0x5C00, s10;
	s8 =	sadd.s32 $0xFA00, s10;
	s9 =	sadd.s32 $0x6D400, s9  }
0xe: {  	s10 =	smax.u32 s11, $0x1;
	s11 =	sshrl.u32 s12, $0x3;
	s12 =	simm.s32 $0x3  }
.LBB2_1:
0xf: {  	[spmem:s11], [sflag:s6] =	dma.local [hbm:s5], $0x1400  }
0x10: {  	_ =	swait.ge [sflag:s12], $0x1400  }
0x11: {  	[sflag:s12] =	ssyncset.done $0x0  }
0x12: {  	[sflag:s12] =	ssyncadd.s32 $0xFFFFEC00  }
0x13: {  	[tilespmem:s3], [sflag:$0x3] =	stream.linear.gather [hbm4b:s7+s3], $0x2710, $0x38;
	[tilespmem:$0x11620] =	vst v63  }
0x14: {  	_ =	swait.ge [sflag:s12], $0x2710  }
0x15: {  	[sflag:s12] =	ssyncset.done $0x0  }
0x16: {  	s19 =	simm.s32 $0x2710;
	[sflag:s12] =	ssyncadd.s32 $0xFFFFD8F0  }
0x17: {  	[tilespmem:s19], [sflag:$0x3] =	stream.linear.gather [hbm4b:s8+s3], $0x2710, $0x38;
	[tilespmem:$0x11620] =	vst v63  }
0x18: {  	_ =	swait.ge [sflag:s12], $0x2710  }
0x19: {  	[sflag:s12] =	ssyncset.done $0x0  }
0x1a: {  	s20 =	sand.u32 $0x1, s3;
	[sflag:s12] =	ssyncadd.s32 $0xFFFFD8F0  }
0x1b: {  	p0 =	seq.s32 s20, $0x1;
	[bflag:$0x0] =	sbarrier.arrive $0xFFFF  }
0x1c: {  	[tilespmem:s13], [sflag:$0x1] =	stream.indirect.gather [hbm4b:s4+s15], $0x40, s3, s15, $0xb8;
	[tilespmem:$0x11620] =	vst v63  }
0x1d: {  	s20 =	simm.s32 @p0 $0x50;
	s21 =	simm.s32 @p0 $0x4E20;
	s22 =	simm.s32 @p0 $0x2  }
0x1e: {  	[tilespmem:s21], [sflag:$0x1] =	stream.indirect.gather @p0 [hbm4b:s4+s20], $0x40, s15, s20, $0xb8;
	[tilespmem:$0x11620] =	vst v63  }
0x1f: {  	_ =	swait.ge @p0 [sflag:s22], $0x1400  }
0x20: {  	[sflag:s22] =	ssyncset.done @p0 $0x0  }
0x21: {  	s21 =	simm.s32 @p0 $0x6220;
	[sflag:s22] =	ssyncadd.s32 @p0 $0xFFFFEC00  }
0x22: {  	[spmem:s2] =	stream.indirect.scatter.add.f32 @p0 [tilespmem:s21], [sflag:$0x3], $0x40, s19, s20, $0xb8;
	[tilespmem:$0x11620] =	vst v63  }
0x23: {  	s23 =	simm.s32 @!p0 $0x1;
	s20 =	simm.s32 @!p0 $0x50;
	s21 =	simm.s32 @!p0 $0x6220  }
0x24: {  	[tilespmem:s21], [sflag:$0x2] =	stream.indirect.gather @!p0 [hbm4b:s4+s20], $0x40, s15, s20, $0xb8;
	[tilespmem:$0x11620] =	vst v63  }
0x25: {  	_ =	swait.ge @!p0 [sflag:s23], $0x1400  }
0x26: {  	s24 =	simm.s32 $0x1;
	s22 =	simm.s32 @!p0 $0x4;
	[sflag:s23] =	ssyncset.done @!p0 $0x0  }
0x27: {  	s22 =	simm.s32 @p0 $0x3;
	s21 =	simm.s32 @!p0 $0x4E20;
	[sflag:s23] =	ssyncadd.s32 @!p0 $0xFFFFEC00  }
0x28: {  	[spmem:s2] =	stream.indirect.scatter.add.f32 @!p0 [tilespmem:s21], [sflag:$0x4], $0x40, s19, s20, $0xb8;
	[tilespmem:$0x11620] =	vst v63  }
0x29: {  	s23 =	sand.u32 $0x1, s24;
	s21 =	simm.s32 $0x2;
	_ =	swait.ge [sflag:s22], $0x1400  }
0x2a: {  	s20 =	simm.s32 $0xA0;
	s19 =	simm.s32 $0x2760;
	[sflag:s22] =	ssyncset.done $0x0  }
.LBB2_2:
0x2b: {  	p0 =	seq.s32 s23, $0x1  }
0x2c: {  	[sflag:s22] =	ssyncadd.s32 $0xFFFFEC00;
	s23 =	smov.u32 s21;
	s21 =	sadd.s32 $0x1, s21  }
0x2d: {  	s24 =	simm.s32 @p0 $0x50;
	s22 =	simm.s32 @p0 $0x4E20;
	s25 =	simm.s32 @p0 $0x2  }
0x2e: {  	[tilespmem:s22], [sflag:$0x1] =	stream.indirect.gather @p0 [hbm4b:s4+s24], $0x40, s20, s24, $0xb8;
	[tilespmem:$0x11620] =	vst v63  }
0x2f: {  	p1 =	sne.s32 s21, $0x7C;
	s22 =	simm.s32 @!p0 $0x4;
	_ =	swait.ge @p0 [sflag:s25], $0x1400  }
0x30: {  	[sflag:s25] =	ssyncset.done @p0 $0x0  }
0x31: {  	[sflag:s25] =	ssyncadd.s32 @p0 $0xFFFFEC00;
	s25 =	simm.s32 @p0 $0x6220  }
0x32: {  	[spmem:s2] =	stream.indirect.scatter.add.f32 @p0 [tilespmem:s25], [sflag:$0x3], $0x40, s19, s24, $0xb8;
	[tilespmem:$0x11620] =	vst v63  }
0x33: {  	s26 =	simm.s32 @!p0 $0x1;
	s24 =	simm.s32 @!p0 $0x50;
	s25 =	simm.s32 @!p0 $0x6220  }
0x34: {  	[tilespmem:s25], [sflag:$0x2] =	stream.indirect.gather @!p0 [hbm4b:s4+s24], $0x40, s20, s24, $0xb8;
	[tilespmem:$0x11620] =	vst v63  }
0x35: {  	_ =	swait.ge @!p0 [sflag:s26], $0x1400  }
.Ltmp0:
0x36: {  	[sflag:s26] =	ssyncset.done @!p0 $0x0;
	(pc) =	sbr.rel @p1 .LBB2_2-.Ltmp0, $4  }
0x37: {  	s22 =	simm.s32 @p0 $0x3;
	s25 =	simm.s32 @!p0 $0x4E20;
	[sflag:s26] =	ssyncadd.s32 @!p0 $0xFFFFEC00  }
0x38: {  	[spmem:s2] =	stream.indirect.scatter.add.f32 @!p0 [tilespmem:s25], [sflag:$0x4], $0x40, s19, s24, $0xb8;
	[tilespmem:$0x11620] =	vst v63  }
0x39: {  	s20 =	sadd.s32 $0x50, s20;
	_ =	swait.ge [sflag:s22], $0x1400  }
0x3a: {  	s23 =	sand.u32 $0x1, s23;
	s19 =	sadd.s32 $0x50, s19;
	[sflag:s22] =	ssyncset.done $0x0  }
0x3b: {  	p0 =	seq.s32 s23, $0x1;
	[sflag:s22] =	ssyncadd.s32 $0xFFFFEC00  }
0x3c: {  	s21 =	simm.s32 @p0 $0x50;
	s22 =	simm.s32 @p0 $0x4E20;
	s23 =	simm.s32 @p0 $0x2  }
0x3d: {  	[tilespmem:s22], [sflag:$0x1] =	stream.indirect.gather @p0 [hbm4b:s4+s21], $0x40, s20, s21, $0xb8;
	[tilespmem:$0x11620] =	vst v63  }
0x3e: {  	_ =	swait.ge @p0 [sflag:s23], $0x1400  }
0x3f: {  	[sflag:s23] =	ssyncset.done @p0 $0x0  }
0x40: {  	s22 =	simm.s32 @p0 $0x6220;
	[sflag:s23] =	ssyncadd.s32 @p0 $0xFFFFEC00  }
0x41: {  	[spmem:s2] =	stream.indirect.scatter.add.f32 @p0 [tilespmem:s22], [sflag:$0x3], $0x40, s19, s21, $0xb8;
	[tilespmem:$0x11620] =	vst v63  }
0x42: {  	s23 =	simm.s32 @!p0 $0x1;
	s21 =	simm.s32 @!p0 $0x50;
	s22 =	simm.s32 @!p0 $0x6220  }
0x43: {  	[tilespmem:s22], [sflag:$0x2] =	stream.indirect.gather @!p0 [hbm4b:s4+s21], $0x40, s20, s21, $0xb8;
	[tilespmem:$0x11620] =	vst v63  }
0x44: {  	_ =	swait.ge @!p0 [sflag:s23], $0x1400  }
0x45: {  	s20 =	simm.s32 @!p0 $0x4;
	[sflag:s23] =	ssyncset.done @!p0 $0x0  }
0x46: {  	s22 =	simm.s32 @!p0 $0x4E20;
	s20 =	simm.s32 @p0 $0x3;
	[sflag:s23] =	ssyncadd.s32 @!p0 $0xFFFFEC00  }
0x47: {  	[spmem:s2] =	stream.indirect.scatter.add.f32 @!p0 [tilespmem:s22], [sflag:$0x4], $0x40, s19, s21, $0xb8;
	[tilespmem:$0x11620] =	vst v63  }
0x48: {  	_ =	swait.ge [sflag:s20], $0x1400  }
0x49: {  	[sflag:s20] =	ssyncset.done $0x0  }
0x4a: {  	[sflag:s20] =	ssyncadd.s32 $0xFFFFEC00  }
0x4b: {  	_ =	swait.ge [sflag:s14], $0x1400  }
0x4c: {  	[sflag:s14] =	ssyncset.done $0x0  }
0x4d: {  	[sflag:s14] =	ssyncadd.s32 $0xFFFFEC00  }
0x4e: {  	[spmem:s2] =	stream.indirect.scatter.add.f32 [tilespmem:s13], [sflag:$0x4], $0x40, s16, s15, $0xb8;
	[tilespmem:$0x11620] =	vst v63  }
0x4f: {  	_ =	swait.ge [sflag:s17], $0x1400  }
0x50: {  	s18 =	sadd.s32 $0x1, s18;
	[sflag:s17] =	ssyncset.done $0x0  }
0x51: {  	p0 =	sne.s32 s18, s10;
	[sflag:s17] =	ssyncadd.s32 $0xFFFFEC00  }
.Ltmp1:
0x52: {  	[bflag:$0x0] =	sbarrier.arrive $0xFFFF;
	(pc) =	sbr.rel @p0 .LBB2_1-.Ltmp1, $4  }
0x53: {  	[hbm:s9], [sflag:s6] =	dma.local [spmem:s11], $0x1400  }
0x54: {  	_ =	swait.ge [sflag:s12], $0x1400  }
0x55: {  	[sflag:s12] =	ssyncset.done $0x0  }
0x56: {  	[sflag:s12] =	ssyncadd.s32 $0xFFFFEC00  }
0x57: {  	_ =	sfence.sel $0x180000  }
0x58: {  	[bflag:$0x0] =	sbarrier.arrive $0xFFFF  }
0x59: {  	p0 =	sne.s32 s0, $0x0;
	_ =	strace $0x90000050  }
0x5a: {  	s0 =	sadd.s32 @!p0 $0x100000, s1;
	[bflag:$0x2] =	sbarrier.arrive $0xFFFF  }
0x5b: {  	[sflag:s0] =	ssyncadd.tile.s32 @!p0 $0x1;
	_ =	shalt  }
.Lfunc_end2:
_tile_overlayer_lowered:
.L_overlay_start_2:
0x5c: {  	(tag) =	ssettag $0x2  }
0x5d: {  	s0 =	rddreg [dreg:$0x0];
	s2 =	stileid.u32  }
0x5e: {  	s1 =	rddreg [dreg:$0x1];
	p0 =	sne.s32 s2, $0x0  }
0x5f: {  	s3 =	rddreg [dreg:$0x2];
	[bflag:$0x3] =	sbarrier.arrive $0xFFFF;
	s2 =	simm.s32 @!p0 $0x1C03  }
0x60: {  	[timem:s3], [sflag:s2] =	dma.local @!p0 [hbm:s0], s1  }
0x61: {  	s0 =	simm.s32 @!p0 $0x3  }
0x62: {  	_ =	swait.ge @!p0 [sflag:s0], s1  }
0x63: {  	s1 =	ssub.s32 @!p0 $0x0, s1;
	[sflag:s0] =	ssyncset.done @!p0 $0x0  }
0x64: {  	[sflag:s0] =	ssyncadd.s32 @!p0 s1  }
0x65: {  	[bflag:$0x3] =	sbarrier.arrive $0xFFFF  }
0x66: {  	_ =	shalt  }

// kernel: kernel.28.cloned.1.call-start
scs
__scs_entry_jumppad:
0x0: {  	(pc) =	sbr.rel $0x88, $3  }
0x1: {  	(tag) =	ssettag $0x0;
	lr =	simm.s32 $0x1  }
0x2: {  	[smem:$0x3F8B] =	sst lr;
	_ =	strace $0xD0000000  }
0x3: {  	_ = 	snop  }
0x4: {  	_ = 	snop  }
0x5: {  	_ = 	snop  }
0x6: {  	_ = 	snop  }
0x7: {  	_ = 	snop  }
__scs_overlays_trampoline_lowered:
0x8: {  	[smem:$0x3F9A] =	sst s0  }
0x9: {  	[smem:$0x3F9B] =	sst s1  }
0xa: {  	[smem:$0x3F9C] =	sst s2  }
0xb: {  	[smem:$0x3F9D] =	sst s3  }
0xc: {  	[smem:$0x3F9E] =	sst s4  }
0xd: {  	[smem:$0x3F9F] =	sst s5  }
0xe: {  	[smem:$0x3FA0] =	sst s6  }
0xf: {  	[smem:$0x3FA1] =	sst s7  }
0x10: {  	[smem:$0x3FA2] =	sst s8  }
0x11: {  	[smem:$0x3FA3] =	sst s9;
	s0 =	simm.s32 @!p0 $0x0  }
0x12: {  	s1 =	sld [smem:$0x3F89];
	s0 =	simm.s32 @p0 $0x1  }
0x13: {  	[smem:$0x3FA4] =	sst s0;
	s0 =	simm.s32 @!p1 $0x0  }
0x14: {  	s2 =	sld [smem:$0x3F88];
	s0 =	simm.s32 @p1 $0x1  }
0x15: {  	[smem:$0x3FA5] =	sst s0;
	s0 =	simm.s32 @!p2 $0x0  }
0x16: {  	s3 =	sld [smem:$0x3FDB];
	s0 =	simm.s32 @p2 $0x1  }
0x17: {  	s4 =	simm.s32 $0x1BF5;
	[smem:$0x3FA7] =	sst s0  }
0x18: {  	s0 =	sld [smem:$0x3F8A];
	_ =	swait.ge [sflag:s4], $0x0  }
0x19: {  	s7 =	sld [smem:$0x3F8B]  }
0x1a: {  	s8 =	sadd.s32 $0xFFFFE003, lr  }
0x1b: {  	s9 =	sadd.s32 $0xFFFFFEF7, lr;
	s5 =	simm.s32 $0xFFFFFFFF;
	p2 =	slt.u32 s8, $0xFFFFF086  }
0x1c: {  	p1 =	slt.u32 s9, $0xF7A;
	s5 =	simm.s32 @!p2 $0x0  }
0x1d: {  	s5 =	simm.s32 @p1 $0x1;
	p0 =	seq.s32 s7, s2  }
0x1e: {  	s7 =	smul.u32 @!p0 $0xF7A, s2;
	p2 =	seq.s32 @!p0 s5, $0x0  }
0x1f: {  	s9 =	smul.u32 $0xF7A, s1;
	s8 =	simm.s32 @!p0 $0x1BF5;
	p2 =	por !p2, p0  }
0x20: {  	[sflag:s8] =	ssyncset.s32 @!p0 $0xFFFFF086;
	s6 =	sadd.s32 @!p0 s3, s7;
	s7 =	simm.s32 @!p0 $0x108  }
0x21: {  	s3 =	sadd.s32 s3, s9;
	s6 =	sadd.s32 @!p0 $0x88, s6;
	s7 =	simm.s32 @p2 $0x1082  }
0x22: {  	[simem:s7], [sflag:s8] =	dma.local @!p0 [hbm:s6], $0xF7A  }
0x23: {  	s9 =	sor.u32 $0xD0000000, s2;
	s6 =	simm.s32 $0x108;
	_ =	swait.ge @!p0 [sflag:s8], $0x0  }
0x24: {  	s3 =	sadd.s32 $0x88, s3;
	s6 =	simm.s32 @!p1 $0x1082;
	[sflag:s4] =	ssyncset.s32 $0xFFFFF086  }
0x25: {  	[simem:s6], [sflag:s4] =	dma.local [hbm:s3], $0xF7A  }
0x26: {  	[smem:$0x3F8B] =	sst s1;
	(tag) =	ssettag s2;
	_ =	strace s9  }
0x27: {  	s1 =	sld [smem:$0x3F9B]  }
0x28: {  	s2 =	sld [smem:$0x3F9C]  }
0x29: {  	s4 =	sld [smem:$0x3F9E]  }
0x2a: {  	p0 =	seq.s32 s5, $0x0;
	s5 =	sld [smem:$0x3F9F]  }
0x2b: {  	s6 =	sld [smem:$0x3FA0]  }
0x2c: {  	s7 =	sld [smem:$0x3FA1]  }
0x2d: {  	s3 =	simm.s32 $0x108;
	s8 =	sld [smem:$0x3FA2]  }
0x2e: {  	s3 =	simm.s32 @!p0 $0x1082;
	s9 =	sld [smem:$0x3FA3]  }
0x2f: {  	lr =	sadd.s32 s0, s3;
	s0 =	sld [smem:$0x3F9A]  }
0x30: {  	s3 =	sld [smem:$0x3F9D]  }
0x31: {  	[smem:$0x3FA6] =	sst s10  }
0x32: {  	s10 =	sld [smem:$0x3FA4];
	_ =	sdelay $0x3  }
0x33: {  	p0 =	seq.s32 s10, $0x1;
	s10 =	sld [smem:$0x3FA6];
	_ =	sdelay $0x3  }
0x34: {  	[smem:$0x3FA6] =	sst s10  }
0x35: {  	s10 =	sld [smem:$0x3FA5];
	_ =	sdelay $0x3  }
0x36: {  	p1 =	seq.s32 s10, $0x1;
	s10 =	sld [smem:$0x3FA6];
	_ =	sdelay $0x3  }
0x37: {  	[smem:$0x3FA6] =	sst s10  }
0x38: {  	s10 =	sld [smem:$0x3FA7]  }
0x39: {  	_ = 	snop;
	(pc) =	sbr.ind lr, $3  }
0x3a: {  	_ = 	snop  }
0x3b: {  	_ = 	snop  }
0x3c: {  	p2 =	seq.s32 s10, $0x1;
	s10 =	sld [smem:$0x3FA6]  }
0x3d: {  	_ =	shalt  }
0x3e: {  	_ =	shalt  }
0x3f: {  	_ =	shalt  }
0x40: {  	_ =	shalt  }
0x41: {  	_ =	shalt  }
0x42: {  	_ =	shalt  }
0x43: {  	_ =	shalt  }
0x44: {  	_ =	shalt  }
0x45: {  	_ =	shalt  }
0x46: {  	_ =	shalt  }
0x47: {  	_ =	shalt  }
0x48: {  	_ =	shalt  }
0x49: {  	_ =	shalt  }
0x4a: {  	_ =	shalt  }
0x4b: {  	_ =	shalt  }
0x4c: {  	_ =	shalt  }
0x4d: {  	_ =	shalt  }
0x4e: {  	_ =	shalt  }
0x4f: {  	_ =	shalt  }
0x50: {  	_ =	shalt  }
0x51: {  	_ =	shalt  }
0x52: {  	_ =	shalt  }
0x53: {  	_ =	shalt  }
0x54: {  	_ =	shalt  }
0x55: {  	_ =	shalt  }
0x56: {  	_ =	shalt  }
0x57: {  	_ =	shalt  }
0x58: {  	_ =	shalt  }
0x59: {  	_ =	shalt  }
0x5a: {  	_ =	shalt  }
0x5b: {  	_ =	shalt  }
0x5c: {  	_ =	shalt  }
0x5d: {  	_ =	shalt  }
0x5e: {  	_ =	shalt  }
0x5f: {  	_ =	shalt  }
0x60: {  	_ =	shalt  }
0x61: {  	_ =	shalt  }
0x62: {  	_ =	shalt  }
0x63: {  	_ =	shalt  }
0x64: {  	_ =	shalt  }
0x65: {  	_ =	shalt  }
0x66: {  	_ =	shalt  }
0x67: {  	_ =	shalt  }
0x68: {  	_ =	shalt  }
0x69: {  	_ =	shalt  }
0x6a: {  	_ =	shalt  }
0x6b: {  	_ =	shalt  }
0x6c: {  	_ =	shalt  }
0x6d: {  	_ =	shalt  }
0x6e: {  	_ =	shalt  }
0x6f: {  	_ =	shalt  }
0x70: {  	_ =	shalt  }
0x71: {  	_ =	shalt  }
0x72: {  	_ =	shalt  }
0x73: {  	_ =	shalt  }
0x74: {  	_ =	shalt  }
0x75: {  	_ =	shalt  }
0x76: {  	_ =	shalt  }
0x77: {  	_ =	shalt  }
0x78: {  	_ =	shalt  }
0x79: {  	_ =	shalt  }
0x7a: {  	_ =	shalt  }
0x7b: {  	_ =	shalt  }
0x7c: {  	_ =	shalt  }
0x7d: {  	_ =	shalt  }
0x7e: {  	_ =	shalt  }
0x7f: {  	_ =	shalt  }
0x80: {  	_ =	shalt  }
0x81: {  	_ =	shalt  }
0x82: {  	_ =	shalt  }
0x83: {  	_ =	shalt  }
0x84: {  	_ =	shalt  }
0x85: {  	_ =	shalt  }
0x86: {  	_ =	shalt  }
0x87: {  	_ =	shalt  }
.Lfunc_end0:
.L_simem_size_0:
called_computation.4_lowered:
.L_overlay_start_0:
0x88: {  	s2 =	sld [smem:$0x3FD9]  }
0x89: {  	s3 =	sld [smem:$0x3FFE];
	_ =	sdelay $0x1  }
0x8a: {  	s1 =	srdreg.scid  }
0x8b: {  	s0 =	sand.u32 $0x1, s1  }
0x8c: {  	s17 =	sshll.u32 s0, $0xA;
	s2 =	sadd.s32 s3, s2  }
0x8d: {  	s2 =	sadd.s32 s2, s17  }
0x8e: {  	[smem:$0x3FB2] =	sst s2  }
0x8f: {  	_ = 	snop  }
0x90: {  	s2 =	sld [smem:$0x3FD0];
	(tm) =	ssettm $0x1  }
0x91: {  	s18 =	sld [smem:$0x3FFB];
	_ =	sdelay $0x3  }
0x92: {  	_ =	strace s18  }
0x93: {  	s3 =	sld [smem:$0x3FFC];
	_ =	sdelay $0x3  }
0x94: {  	_ =	strace s3  }
0x95: {  	s3 =	sld [smem:$0x3FFD];
	_ =	sdelay $0x3  }
0x96: {  	_ =	strace s3  }
0x97: {  	_ =	strace $0x8FFFFFFF  }
0x98: {  	s19 =	sld [smem:$0x3FDB];
	_ =	sdelay $0x1  }
0x99: {  	s4 =	simm.s32 $_scs_section_size  }
0x9a: {  	s5 =	simm.s32 $_size__tile_overlayer_lowered;
	s6 =	simm.s32 $_tile_overlayer_lowered  }
0x9b: {  	s22 =	simm.s32 $0x1BFF;
	s21 =	sshll.u32 s6, $0x1;
	s3 =	sadd.s32 s4, s19  }
0x9c: {  	s7 =	simm.s32 $0x0;
	s20 =	sshll.u32 s5, $0x1;
	s5 =	sadd.s32 s21, s3  }
0x9d: {  	[timem:s7], [sflag:s22] =	dma.local [hbm:s5], s20  }
0x9e: {  	_ =	swait.ge [sflag:s22], s20  }
0x9f: {  	s4 =	ssub.s32 $0x0, s20;
	[sflag:s22] =	ssyncset.done $0x0  }
0xa0: {  	[sflag:s22] =	ssyncadd.s32 s4;
	_ =	sdelay $0x1  }
0xa1: {  	s23 =	simm.s32 $0x1B8B  }
0xa2: {  	_ =	swait.ge [sflag:s23], $0x1  }
0xa3: {  	[sflag:s23] =	ssyncset.done $0x0  }
0xa4: {  	s25 =	simm.s32 $0x1B8E;
	s24 =	sld [smem:$0x3FFE];
	[sflag:s23] =	ssyncadd.s32 $0xFFFFFFFF  }
0xa5: {  	s26 =	simm.s32 $execute0_lowered;
	[smem:$0x3FD2] =	sst s25  }
0xa6: {  	s5 =	sshll.u32 s26, $0x1;
	_ =	strace $0x80000052;
	[dreg:$0x1] =	wrdreg $0xFFFFFFFF  }
0xa7: {  	s28 =	simm.s32 $_size_execute0_lowered;
	s3 =	sadd.s32 s3, s5;
	[dreg:$0x0] =	wrdreg $0x0  }
0xa8: {  	s5 =	sshll.u32 s28, $0x1;
	[dreg:$0x2] =	wrdreg s3  }
0xa9: {  	[dreg:$0x3] =	wrdreg s5  }
0xaa: {  	[dreg:$0x4] =	wrdreg $0xC0  }
0xab: {  	_ =	task [dreg:s7], $0x5FFFF  }
0xac: {  	[dreg:$0x1] =	wrdreg $0xFFFFFFFF  }
0xad: {  	[dreg:$0x0] =	wrdreg $0x60  }
0xae: {  	[dreg:$0x2] =	wrdreg s24  }
0xaf: {  	[dreg:$0x3] =	wrdreg s2  }
0xb0: {  	[dreg:$0x4] =	wrdreg $0x80400  }
0xb1: {  	[dreg:$0x5] =	wrdreg $0x1C0400  }
0xb2: {  	[dreg:$0x6] =	wrdreg $0x9  }
0xb3: {  	_ =	task.clear_ibuf [dreg:s7], $0x7FFFF;
	_ =	strace $0x90000052  }
0xb4: {  	s29 =	simm.s32 $0x9;
	_ =	strace $0x80000054  }
0xb5: {  	_ =	swait.ge [sflag:s29], $0x1  }
0xb6: {  	[sflag:s29] =	ssyncadd.s32 $0xFFFFFFFF  }
0xb7: {  	_ =	strace $0x90000054  }
0xb8: {  	_ =	sfence  }
0xb9: {  	s30 =	sld [smem:$0x0];
	_ =	sdelay $0x2  }
0xba: {  	s31 =	sshll.u32 s1, $0xD;
	s1 =	sshrl.u32 s1, $0x2  }
0xbb: {  	s3 =	sand.u32 $0x4000, s31;
	s1 =	sadd.s32 s1, s30  }
0xbc: {  	s0 =	sor.u32 s3, s0;
	s1 =	sshll.u32 s1, $0x11  }
0xbd: {  	s0 =	sor.u32 s1, s0  }
0xbe: {  	s0 =	sadd.s32 $0x8F2B, s0  }
0xbf: {  	[sflag:s0] =	ssyncadd.remote.s32 $0x1  }
0xc0: {  	_ =	sfence.sel $0xFFFF  }
0xc1: {  	[dreg:$0x0] =	wrdreg $0xFFFFFFFF;
	(pc) =	sbr.abs _section_cstart, $3  }
0xc2: {  	[dreg:$0x1] =	wrdreg $0xFFFFFFFF  }
0xc3: {  	_ =	task.clear_ibuf [dreg:s7], $0x2FFFF;
	_ =	strace $0x9FFFFFFF  }
0xc4: {  	(tm) =	ssettm $0x7FFFFFFF  }
0xc5: {  	_ =	shalt  }
tec
execute0_lowered:
.L_overlay_start_1:
0x0: {  	(tag) =	ssettag $0x1  }
0x1: {  	s0 =	rddreg [dreg:$0x0]  }
0x2: {  	s1 =	srdreg.scid;
	s3 =	rddreg [dreg:$0x2]  }
0x3: {  	s4 =	rddreg [dreg:$0x3];
	s9 =	stileid.u32;
	s5 =	simm.s32 $0x0  }
0x4: {  	s19 =	simm.s32 $0x4;
	s28 =	simm.s32 $0x5320;
	s29 =	simm.s32 $0x2  }
0x5: {  	s30 =	simm.s32 $0x3;
	s31 =	simm.s32 $0x1;
	s1 =	sand.u32 $0x1, s1  }
0x6: {  	[smem:$0x7FF] =	sst s5;
	s6 =	sadd.s32 $0x1E800, s0;
	s10 =	smul.u32 $0x14000, s9  }
0x7: {  	s7 =	sadd.s32 $0x45C00, s0;
	s8 =	sadd.s32 $0x4AC00, s0;
	s12 =	smul.u32 $0x2800, s9  }
0x8: {  	s11 =	sadd.s32 $0x45A00, s0;
	s26 =	sshll.u32 s9, $0x6;
	s2 =	sshll.u32 s1, $0x4  }
0x9: {  	_ =	strace $0x80000053;
	[dreg:$0x5] =	wrdreg s11;
	s23 =	smul.u32 $0x140000, s1  }
0xa: {  	s15 =	smul.u32 $0x28000, s1;
	s1 =	ssub.s32 $0x2, s1;
	s2 =	sor.u32 s9, s2  }
0xb: {  	s13 =	sshrl.u32 s10, $0x3;
	s14 =	sshrl.u32 s12, $0x3;
	s25 =	sshrl.u32 s1, $0x1  }
0xc: {  	s18 =	sadd.s32 s10, s3;
	s20 =	sadd.s32 s12, s4;
	s2 =	smul.u32 $0x4E2, s2  }
0xd: {  	s13 =	sadd.s32 s13, s0;
	s14 =	sadd.s32 s14, s0;
	s11 =	sadd.s32 s10, s23  }
0xe: {  	s15 =	sadd.s32 s12, s15;
	s1 =	ssub.s32 s1, s25;
	s18 =	sshrl.u32 s18, $0x3  }
0xf: {  	s20 =	sshrl.u32 s20, $0x3;
	s25 =	simm.s32 $0x5820;
	s11 =	sshrl.u32 s11, $0x3  }
0x10: {  	s24 =	sshrl.u32 s15, $0x3;
	s10 =	sadd.s32 $0x4FC00, s13;
	s12 =	sadd.s32 $0x19800, s14  }
0x11: {  	s17 =	smax.u32 s1, $0x1;
	s1 =	simm.s32 $0x0;
	s2 =	sadd.s32 s2, s0  }
0x12: {  	s16 =	sadd.s32 s11, s0;
	s0 =	sadd.s32 s24, s0;
	s11 =	sor.u32 $0x1C04, s26  }
0x13: {  	s24 =	simm.s32 $0x50;
	s26 =	simm.s32 $0x4E20;
	s13 =	sadd.s32 $0x5C00, s2  }
0x14: {  	s14 =	sadd.s32 $0xFA00, s2;
	s15 =	sadd.s32 $0x77C00, s16;
	s16 =	sadd.s32 $0xC7C00, s0  }
.LBB2_1:
0x15: {  	[spmem:s18], [sflag:s11] =	dma.local [hbm:s10], $0x2800  }
0x16: {  	_ =	swait.ge [sflag:s19], $0x2800  }
0x17: {  	[sflag:s19] =	ssyncset.done $0x0  }
0x18: {  	[sflag:s19] =	ssyncadd.s32 $0xFFFFD800  }
0x19: {  	[spmem:s20], [sflag:s11] =	dma.local [hbm:s12], $0x500  }
0x1a: {  	_ =	swait.ge [sflag:s19], $0x500  }
0x1b: {  	[sflag:s19] =	ssyncset.done $0x0  }
0x1c: {  	[sflag:s19] =	ssyncadd.s32 $0xFFFFFB00  }
0x1d: {  	s2 =	simm.s32 $0x8020;
	s0 =	rddreg [dreg:$0x1]  }
0x1e: {  	[tilespmem:s2], [sflag:$0x4] =	stream.linear.gather [hbm4b:s0+s5], $0x10, $0x38;
	[tilespmem:$0x1E840] =	vst v63  }
0x1f: {  	_ =	swait.ge [sflag:s19], $0x10  }
0x20: {  	[sflag:s19] =	ssyncset.done $0x0  }
0x21: {  	s22 =	simm.s32 $0x8030;
	s21 =	rddreg [dreg:$0x5];
	[sflag:s19] =	ssyncadd.s32 $0xFFFFFFF0  }
0x22: {  	[tilespmem:s22], [sflag:$0x4] =	stream.linear.gather [hbm4b:s21+s5], $0x10, $0x38;
	[tilespmem:$0x1E840] =	vst v63  }
0x23: {  	_ =	swait.ge [sflag:s19], $0x10  }
0x24: {  	[sflag:s19] =	ssyncset.done $0x0  }
0x25: {  	[sflag:s19] =	ssyncadd.s32 $0xFFFFFFF0  }
0x26: {  	[tilespmem:s5], [sflag:$0x4] =	stream.linear.gather [hbm4b:s13+s5], $0x2710, $0x38;
	[tilespmem:$0x1E840] =	vst v63  }
0x27: {  	_ =	swait.ge [sflag:s19], $0x2710  }
0x28: {  	[sflag:s19] =	ssyncset.done $0x0  }
0x29: {  	s23 =	simm.s32 $0x2710;
	[sflag:s19] =	ssyncadd.s32 $0xFFFFD8F0  }
0x2a: {  	[tilespmem:s23], [sflag:$0x4] =	stream.linear.gather [hbm4b:s14+s5], $0x2710, $0x38;
	[tilespmem:$0x1E840] =	vst v63  }
0x2b: {  	_ =	swait.ge [sflag:s19], $0x2710  }
0x2c: {  	[sflag:s19] =	ssyncset.done $0x0  }
0x2d: {  	[sflag:s19] =	ssyncadd.s32 $0xFFFFD8F0  }
0x2e: {  	[bflag:$0x0] =	sbarrier.arrive $0xFFFF  }
0x2f: {  	v0 =	vld [tilespmem:$0x8020]  }
0x30: {  	v1 =	vld [tilespmem:$0x8030];
	_ =	sdelay $0x4  }
0x31: {  	v0 =	vadd.f32 v1, v0;
	_ =	sdelay $0x1  }
0x32: {  	v1 =	vmul.f32 $2.000000030e-01, v0  }
0x33: {  	vm0 =	vgt.f32 v0, $0.0e+00  }
0x34: {  	s2 =	simm.s32 $0x0;
	v0 =	vsel vm0, v0, v1  }
.LBB2_2:
0x35: {  	s0 =	smul.u32 $0x50, s2;
	_ =	sdelay $0x1  }
0x36: {  	[tilespmem:s25], [sflag:$0x1] =	stream.indirect.gather [hbm4b:s6+s24], $0x80, s0, s24, $0xb8;
	[tilespmem:$0x1E840] =	vst v63  }
0x37: {  	_ = 	snop  }
0x38: {  	[tilespmem:s26], [sflag:$0x2] =	stream.indirect.gather [hbm4b:s7+s24], $0x10, s0, s24, $0xb8;
	[tilespmem:$0x1E840] =	vst v63  }
0x39: {  	s0 =	sadd.s32 $0x2710, s0  }
0x3a: {  	[tilespmem:s28], [sflag:$0x3] =	stream.indirect.gather [hbm4b:s8+s24], $0x10, s0, s24, $0xb8;
	[tilespmem:$0x1E840] =	vst v63  }
0x3b: {  	_ =	swait.ge [sflag:s29], $0x500  }
0x3c: {  	[sflag:s29] =	ssyncset.done $0x0  }
0x3d: {  	[sflag:s29] =	ssyncadd.s32 $0xFFFFFB00  }
0x3e: {  	_ =	swait.ge [sflag:s30], $0x500  }
0x3f: {  	[sflag:s30] =	ssyncset.done $0x0  }
0x40: {  	s21 =	simm.s32 $0x0;
	[sflag:s30] =	ssyncadd.s32 $0xFFFFFB00  }
0x41: {  	s22 =	simm.s32 $0x40;
	v1 =	vld [tilespmem:s21+$0x5320]  }
.LBB2_3:
0x42: {  	p0 =	sne.s32 s22, $0x13C0;
	v2 =	vld [tilespmem:s21+$0x4E20];
	_ =	sdelay $0x4  }
0x43: {  	v1 =	vadd.f32 v1, v2;
	_ =	sdelay $0x1  }
0x44: {  	v2 =	vmul.f32 $2.000000030e-01, v1  }
0x45: {  	vm0 =	vgt.f32 v1, $0.0e+00  }
0x46: {  	v1 =	vsel vm0, v1, v2  }
0x47: {  	v1 =	vsub.f32 v1, v0;
	_ =	sdelay $0x1  }
0x48: {  	v1 =	vmul.f32 $1.442695020e+00, v1;
	_ =	sdelay $0x1  }
0x49: {  	(erf) = vpow2.f32 v1;
	_ =	sdelay $0x5  }
.Ltmp0:
0x4a: {  	(pc) =	sbr.rel @p0 .LBB2_3-.Ltmp0, $3  }
0x4b: {  	_ =	sdelay $0x1  }
0x4c: {  	s23 =	sshra.s32 s22, $0x2;
	v2 =	vpop (erf)  }
0x4d: {  	s22 =	sadd.s32 $0x40, s22;
	v1 =	vld [tilespmem:s23+$0x5320];
	[tilespmem:s21+$0x4E20] =	vst v2;
	s21 =	smov.u32 s23  }
0x4e: {  	v2 =	vld [tilespmem:s21+$0x4E20];
	_ =	sdelay $0x4  }
0x4f: {  	v1 =	vadd.f32 v1, v2;
	_ =	sdelay $0x1  }
0x50: {  	v2 =	vmul.f32 $2.000000030e-01, v1  }
0x51: {  	vm0 =	vgt.f32 v1, $0.0e+00  }
0x52: {  	v1 =	vsel vm0, v1, v2  }
0x53: {  	v1 =	vsub.f32 v1, v0;
	_ =	sdelay $0x1  }
0x54: {  	v1 =	vmul.f32 $1.442695020e+00, v1;
	_ =	sdelay $0x1  }
0x55: {  	(erf) = vpow2.f32 v1;
	_ =	sdelay $0x8  }
0x56: {  	v1 =	vpop (erf)  }
0x57: {  	[tilespmem:s21+$0x4E20] =	vst v1  }
0x58: {  	[spmem:s4] =	stream.indirect.scatter.add.f32 [tilespmem:s26], [sflag:$0x4], $0x10, s0, s24, $0xb8;
	[tilespmem:$0x1E840] =	vst v63  }
0x59: {  	_ =	swait.ge [sflag:s19], $0x500  }
0x5a: {  	[sflag:s19] =	ssyncset.done $0x0  }
0x5b: {  	[sflag:s19] =	ssyncadd.s32 $0xFFFFFB00  }
0x5c: {  	_ =	swait.ge [sflag:s31], $0x2800  }
0x5d: {  	[sflag:s31] =	ssyncset.done $0x0  }
0x5e: {  	s21 =	simm.s32 $0x5860;
	[sflag:s31] =	ssyncadd.s32 $0xFFFFD800  }
0x5f: {  	s22 =	simm.s32 $0x0;
	v8 =	vld [tilespmem:s21+$0xFFFFFFD0]  }
0x60: {  	v3 =	vld [tilespmem:s22+$0x4E20]  }
0x61: {  	v6 =	vld [tilespmem:s21+$0x20]  }
0x62: {  	v9 =	vld [tilespmem:s21+$0xFFFFFFC0]  }
0x63: {  	v12 =	vld [tilespmem:s21+$0xFFFFFFE0]  }
0x64: {  	v1 =	vld [tilespmem:s21+$0xFFFFFFF0]  }
0x65: {  	v2 =	vld [tilespmem:s21+$0x30];
	v10 =	vbroadcast v3, $0x0;
	v7 =	vbroadcast v3, $0x3  }
0x66: {  	v4 =	vld [tilespmem:s21+$0x0];
	v5 =	vbroadcast v3, $0x1  }
0x67: {  	v11 =	vmul.f32 v10, v9;
	v9 =	vmul.f32 v6, v7;
	v6 =	vld [tilespmem:s21+$0x10]  }
0x68: {  	v3 =	vbroadcast v3, $0x2  }
0x69: {  	s23 =	simm.s32 $0x5860;
	s22 =	simm.s32 $0x40;
	v10 =	vmul.f32 v8, v10;
	v8 =	vmul.f32 v12, v5  }
.LBB2_5:
0x6a: {  	p0 =	sne.s32 s22, $0x13C0  }
0x6b: {  	[tilespmem:s21+$0xFFFFFFC0] =	vst v11;
	v4 =	vmul.f32 v4, v3;
	v2 =	vmul.f32 v2, v7;
	s23 =	sadd.s32 $0x80, s23;
	s9 =	smov.u32 s22;
	s22 =	sadd.s32 $0x40, s22  }
0x6c: {  	v5 =	vmul.f32 v1, v5;
	v3 =	vmul.f32 v6, v3;
	[tilespmem:s21+$0x20] =	vst v9  }
0x6d: {  	[tilespmem:s21+$0xFFFFFFD0] =	vst v10  }
0x6e: {  	[tilespmem:s21+$0xFFFFFFE0] =	vst v8  }
0x6f: {  	[tilespmem:s21+$0x30] =	vst v2  }
0x70: {  	v1 =	vld [tilespmem:s23+$0xFFFFFFF0];
	[tilespmem:s21+$0x10] =	vst v3  }
0x71: {  	v8 =	vld [tilespmem:s23+$0xFFFFFFD0];
	[tilespmem:s21+$0xFFFFFFF0] =	vst v5  }
0x72: {  	s9 =	sshra.s32 s9, $0x2;
	v9 =	vld [tilespmem:s23+$0x20];
	[tilespmem:s21+$0x0] =	vst v4;
	s21 =	smov.u32 s23  }
0x73: {  	v3 =	vld [tilespmem:s9+$0x4E20]  }
0x74: {  	v2 =	vld [tilespmem:s23+$0x30]  }
0x75: {  	v10 =	vld [tilespmem:s23+$0xFFFFFFC0]  }
0x76: {  	v12 =	vld [tilespmem:s23+$0xFFFFFFE0]  }
.Ltmp1:
0x77: {  	v4 =	vld [tilespmem:s23+$0x0];
	(pc) =	sbr.rel @p0 .LBB2_5-.Ltmp1, $4  }
0x78: {  	v13 =	vbroadcast v3, $0x0;
	v6 =	vld [tilespmem:s23+$0x10];
	v7 =	vbroadcast v3, $0x3  }
0x79: {  	v5 =	vbroadcast v3, $0x1;
	v3 =	vbroadcast v3, $0x2  }
0x7a: {  	v11 =	vmul.f32 v13, v10;
	v9 =	vmul.f32 v9, v7  }
0x7b: {  	v10 =	vmul.f32 v8, v13;
	v8 =	vmul.f32 v12, v5  }
0x7c: {  	[tilespmem:s21+$0xFFFFFFC0] =	vst v11  }
0x7d: {  	[tilespmem:s21+$0x20] =	vst v9  }
0x7e: {  	v2 =	vmul.f32 v2, v7;
	[tilespmem:s21+$0xFFFFFFD0] =	vst v10  }
0x7f: {  	v1 =	vmul.f32 v1, v5;
	[tilespmem:s21+$0xFFFFFFE0] =	vst v8  }
0x80: {  	v6 =	vmul.f32 v6, v3;
	[tilespmem:s21+$0x30] =	vst v2  }
0x81: {  	s2 =	sadd.s32 $0x1, s2;
	v2 =	vmul.f32 v4, v3;
	[tilespmem:s21+$0xFFFFFFF0] =	vst v1  }
0x82: {  	p0 =	sne.s32 s2, $0x7D;
	[tilespmem:s21+$0x10] =	vst v6  }
.Ltmp2:
0x83: {  	[tilespmem:s21+$0x0] =	vst v2;
	(pc) =	sbr.rel @p0 .LBB2_2-.Ltmp2, $4  }
0x84: {  	[spmem:s3] =	stream.indirect.scatter.add.f32 [tilespmem:s25], [sflag:$0x4], $0x80, s0, s24, $0xb8;
	[tilespmem:$0x1E840] =	vst v63  }
0x85: {  	_ =	swait.ge [sflag:s19], $0x2800  }
0x86: {  	[sflag:s19] =	ssyncset.done $0x0  }
0x87: {  	[sflag:s19] =	ssyncadd.s32 $0xFFFFD800  }
0x88: {  	[bflag:$0x0] =	sbarrier.arrive $0xFFFF  }
0x89: {  	[hbm:s15], [sflag:s11] =	dma.local [spmem:s18], $0x2800  }
0x8a: {  	s1 =	sadd.s32 $0x1, s1;
	_ =	swait.ge [sflag:s19], $0x2800  }
0x8b: {  	p0 =	sne.s32 s1, s17;
	[sflag:s19] =	ssyncset.done $0x0  }
.Ltmp3:
0x8c: {  	[sflag:s19] =	ssyncadd.s32 $0xFFFFD800;
	(pc) =	sbr.rel @p0 .LBB2_1-.Ltmp3, $4  }
0x8d: {  	[hbm:s16], [sflag:s11] =	dma.local [spmem:s20], $0x500  }
0x8e: {  	_ =	swait.ge [sflag:s19], $0x500  }
0x8f: {  	[sflag:s19] =	ssyncset.done $0x0  }
0x90: {  	[sflag:s19] =	ssyncadd.s32 $0xFFFFFB00  }
0x91: {  	_ =	sfence.sel $0x180000  }
0x92: {  	[bflag:$0x0] =	sbarrier.arrive $0xFFFF  }
0x93: {  	_ =	strace $0x90000053  }
0x94: {  	s0 =	stileid.u32;
	[bflag:$0x2] =	sbarrier.arrive $0xFFFF  }
0x95: {  	p0 =	sne.s32 s0, $0x0;
	s0 =	rddreg [dreg:$0x4]  }
0x96: {  	s0 =	sadd.s32 @!p0 $0x100000, s0  }
0x97: {  	[sflag:s0] =	ssyncadd.tile.s32 @!p0 $0x1;
	_ =	shalt  }
.Lfunc_end2:
_tile_overlayer_lowered:
.L_overlay_start_2:
0x98: {  	(tag) =	ssettag $0x2  }
0x99: {  	s0 =	rddreg [dreg:$0x0];
	s2 =	stileid.u32  }
0x9a: {  	s1 =	rddreg [dreg:$0x1];
	p0 =	sne.s32 s2, $0x0  }
0x9b: {  	s3 =	rddreg [dreg:$0x2];
	[bflag:$0x3] =	sbarrier.arrive $0xFFFF;
	s2 =	simm.s32 @!p0 $0x1C04  }
0x9c: {  	[timem:s3], [sflag:s2] =	dma.local @!p0 [hbm:s0], s1  }
0x9d: {  	s0 =	simm.s32 @!p0 $0x4  }
0x9e: {  	_ =	swait.ge @!p0 [sflag:s0], s1  }
0x9f: {  	s1 =	ssub.s32 @!p0 $0x0, s1;
	[sflag:s0] =	ssyncset.done @!p0 $0x0  }
0xa0: {  	[sflag:s0] =	ssyncadd.s32 @!p0 s1  }
0xa1: {  	[bflag:$0x3] =	sbarrier.arrive $0xFFFF  }
0xa2: {  	_ =	shalt  }

</sc_bundles>
